<compile_context>
chip_gen: v7x
topology: tpu7x:2x2x1
jax: 0.10.2.dev20260603
libtpu: 0.0.44.dev20260713+nightly
codegen_flags: <defaults>
</compile_context>

<pallas_src>
import functools

import jax
import jax.numpy as jnp
from jax import lax
from jax.experimental import pallas as pl
from jax.experimental.pallas import tpu as pltpu
from jax.experimental.pallas import tpu_sc as plsc

_N_FIELDS = 26
_VOCAB = 100000
_EMB_DIM = 32
_BATCH = 16384
_LANES = 16

_N_CHUNKS = 8
_RING = 2


@functools.cache
def _build_sc_kernel():
    info = plsc.get_sparse_core_info()
    nc, ns = info.num_cores, info.num_subcores
    nw = nc * ns
    rpw = _BATCH * _N_FIELDS // nw
    ch = rpw // _N_CHUNKS
    period = 13
    vecs_per_chunk = ch // _LANES

    mesh = plsc.VectorSubcoreMesh(core_axis_name="c", subcore_axis_name="s")

    @functools.partial(
        pl.kernel,
        mesh=mesh,
        out_type=jax.ShapeDtypeStruct((_BATCH * _N_FIELDS, _EMB_DIM), jnp.float32),
        scratch_types=[
            pltpu.VMEM((_N_CHUNKS, ch), jnp.int32),
            pltpu.VMEM((period * _LANES,), jnp.int32),
            pltpu.VMEM((_RING, ch, _EMB_DIM), jnp.float32),
            pltpu.SemaphoreType.DMA,
            pltpu.SemaphoreType.DMA,
        ],
        compiler_params=pltpu.CompilerParams(use_tc_tiling_on_sc=False),
    )
    def sc_embed(idx_hbm, tab_hbm, out_hbm, idx_v, offs_v, rows_v, gsem, wsem):
        wid = lax.axis_index("s") * nc + lax.axis_index("c")
        p0 = wid * rpw

        pltpu.sync_copy(idx_hbm.at[wid], idx_v)

        def build_offs(k, c):
            lane = lax.iota(jnp.int32, _LANES) + k * _LANES
            offs_v[pl.ds(k * _LANES, _LANES)] = (lane % _N_FIELDS) * _VOCAB
            return c

        lax.fori_loop(0, period, build_offs, 0)

        def add_offs_chunk(c):
            def body(m, carry):
                for t in range(period):
                    sl = pl.ds((m * period + t) * _LANES, _LANES)
                    idx_v[c, sl] = idx_v[c, sl] + offs_v[pl.ds(t * _LANES, _LANES)]
                return carry

            lax.fori_loop(0, vecs_per_chunk // period, body, 0)

        def fire_gather(c):
            return pltpu.async_copy(tab_hbm.at[idx_v.at[c]], rows_v.at[c % _RING], gsem)

        gd = [None] * _N_CHUNKS
        wd = [None] * _N_CHUNKS
        for c in range(_RING):
            add_offs_chunk(c)
            gd[c] = fire_gather(c)
        for c in range(_N_CHUNKS):
            gd[c].wait()
            wd[c] = pltpu.async_copy(
                rows_v.at[c % _RING], out_hbm.at[pl.ds(p0 + c * ch, ch)], wsem
            )
            n = c + _RING
            if n < _N_CHUNKS:
                add_offs_chunk(n)
                wd[c].wait()
                gd[n] = fire_gather(n)
        for c in range(_N_CHUNKS - _RING, _N_CHUNKS):
            wd[c].wait()

    return sc_embed


def kernel(sparse_inputs, tables):
    nw = 32
    rpw = _BATCH * _N_FIELDS // nw
    ch = rpw // _N_CHUNKS
    idx3 = sparse_inputs.astype(jnp.int32).reshape(nw, _N_CHUNKS, ch)
    tab_flat = tables.reshape(_N_FIELDS * _VOCAB, _EMB_DIM)
    out = _build_sc_kernel()(idx3, tab_flat)
    return out.reshape(_BATCH, _N_FIELDS * _EMB_DIM)

# --- scband reference (transcript-rebuilt; emitter-appended) ---
"""Pipeline reference for scband-embed-layer-58231166599176 (READ-ONLY COPY).

The authoritative reference and input builder live on the scoring server;
editing this copy changes nothing except your own understanding.
"""

import jax, jax.numpy as jnp
import numpy as np

N_FIELDS = 26
VOCAB = 100000
EMB_DIM = 32
BATCH = 16384


def setup_inputs(seed: int = 0) -> dict:
    key = jax.random.key(seed)
    k_idx, k_tab = jax.random.split(key)
    sparse_inputs = jax.random.randint(k_idx, (BATCH, N_FIELDS), 0, VOCAB, dtype=jnp.int64 if jax.config.jax_enable_x64 else jnp.int32)
    # One embedding table per sparse field; all have the same shape so stack them.
    tables = jax.random.normal(k_tab, (N_FIELDS, VOCAB, EMB_DIM), dtype=jnp.float32) * 0.05
    return {"sparse_inputs": sparse_inputs, "tables": tables}


def reference(sparse_inputs, tables):
    # Faithful translation of Embed_Layer.call:
    # for each field i, look up embedding table i with column i of sparse_inputs,
    # then concatenate along the last axis.
    emb_layers = [jnp.take(tables[i], sparse_inputs[:, i], axis=0) for i in range(N_FIELDS)]
    sparse_embed = jnp.concatenate(emb_layers, axis=-1)
    return sparse_embed

if __name__ == "__main__":
    import jax
    _d = setup_inputs()
    print(jax.jit(kernel)(*tuple(_d.values())))

</pallas_src>

<mosaic_0001>
#map = affine_map<(d0, d1) -> (0, 0, 0)>
#map1 = affine_map<(d0, d1) -> (0, 0)>
module attributes {stable_mosaic.version = 14 : i64} {
  func.func @sc_embed(%arg0: i32, %arg1: i32, %arg2: memref<32x8x1664xi32, #tpu.memory_space<hbm>>, %arg3: memref<2600000x32xf32, #tpu.memory_space<hbm>>, %arg4: memref<425984x32xf32, #tpu.memory_space<hbm>>, %arg5: memref<8x1664xi32, #tpu.memory_space<vmem>>, %arg6: memref<208xi32, #tpu.memory_space<vmem>>, %arg7: memref<2x1664x32xf32, #tpu.memory_space<vmem>>, %arg8: memref<!tpu.dma_semaphore, #tpu.memory_space<semaphore_mem>>, %arg9: memref<!tpu.dma_semaphore, #tpu.memory_space<semaphore_mem>>) attributes {dimension_semantics = [#tpu.dimension_semantics<core_parallel>, #tpu.dimension_semantics<subcore_parallel>], iteration_bounds = array<i64: 2, 16>, scalar_prefetch = 0 : i64, scratch_operands = 5 : i64, tpu.core_type = #tpu.core_type<sc_vector_subcore>, window_params = [{transform_indices = #map}, {transform_indices = #map1}, {transform_indices = #map1}]} {
    %mul3A = arith.constant 2 : i32
    %mul3A_0 = arith.muli %arg1, %mul3A : i32
    %add3A = arith.addi %mul3A_0, %arg0 : i32
    %mul3A_1 = arith.constant 13312 : i32
    %mul3A_2 = arith.muli %add3A, %mul3A_1 : i32
    "tpu.region"() ({
      %run_scoped3A = tpu.sem_alloc : memref<!tpu.dma_semaphore, #tpu.memory_space<semaphore_mem>>
      %dma_start3A_470 = arith.constant 0 : i32
      %dma_start3A_471 = arith.constant 0 : i32
      %dma_start3A_472 = tpu.memref_slice %arg2[%add3A, %dma_start3A_470, %dma_start3A_471] : memref<32x8x1664xi32, #tpu.memory_space<hbm>> -> memref<1x8x1664xi32, #tpu.memory_space<hbm>>
      %dma_start3A_473 = tpu.memref_squeeze %dma_start3A_472 : memref<1x8x1664xi32, #tpu.memory_space<hbm>> -> memref<8x1664xi32, #tpu.memory_space<hbm>>
      %dma_start3A_474 = arith.constant 0 : i32
      %dma_start3A_475 = arith.constant 0 : i32
      %dma_start3A_476 = tpu.memref_slice %arg2[%add3A, %dma_start3A_474, %dma_start3A_475] : memref<32x8x1664xi32, #tpu.memory_space<hbm>> -> memref<1x8x1664xi32, #tpu.memory_space<hbm>>
      %dma_start3A_477 = tpu.memref_squeeze %dma_start3A_476 : memref<1x8x1664xi32, #tpu.memory_space<hbm>> -> memref<8x1664xi32, #tpu.memory_space<hbm>>
      tpu.enqueue_dma source(%dma_start3A_477 : memref<8x1664xi32, #tpu.memory_space<hbm>>) target(%arg5 : memref<8x1664xi32, #tpu.memory_space<vmem>>) target_semaphore(%run_scoped3A : memref<!tpu.dma_semaphore, #tpu.memory_space<semaphore_mem>>)
      %dma_wait3A_478 = arith.constant 0 : i32
      %dma_wait3A_479 = arith.constant 0 : i32
      %dma_wait3A_480 = tpu.memref_slice %arg2[%add3A, %dma_wait3A_478, %dma_wait3A_479] : memref<32x8x1664xi32, #tpu.memory_space<hbm>> -> memref<1x8x1664xi32, #tpu.memory_space<hbm>>
      %dma_wait3A_481 = tpu.memref_squeeze %dma_wait3A_480 : memref<1x8x1664xi32, #tpu.memory_space<hbm>> -> memref<8x1664xi32, #tpu.memory_space<hbm>>
      %dma_wait3A_482 = arith.constant 0 : i32
      %dma_wait3A_483 = arith.constant 0 : i32
      %dma_wait3A_484 = tpu.memref_slice %arg2[%add3A, %dma_wait3A_482, %dma_wait3A_483] : memref<32x8x1664xi32, #tpu.memory_space<hbm>> -> memref<1x8x1664xi32, #tpu.memory_space<hbm>>
      %dma_wait3A_485 = tpu.memref_squeeze %dma_wait3A_484 : memref<1x8x1664xi32, #tpu.memory_space<hbm>> -> memref<8x1664xi32, #tpu.memory_space<hbm>>
      tpu.wait_dma2 semaphore(%run_scoped3A : memref<!tpu.dma_semaphore, #tpu.memory_space<semaphore_mem>>) src(%dma_wait3A_485 : memref<8x1664xi32, #tpu.memory_space<hbm>>) dst(%arg5 : memref<8x1664xi32, #tpu.memory_space<vmem>>)
      tpu.yield
    }) : () -> ()
    %scan3A = arith.constant 0 : i32
    %scan3A_3 = arith.constant 0 : i32
    %scan3A_4 = arith.constant 13 : i32
    %scan3A_5 = arith.addi %scan3A_3, %scan3A_4 : i32
    %scan3A_6 = arith.constant 1 : i32
    scf.for %scan3A_470 = %scan3A_3 to %scan3A_5 step %scan3A_6  : i32 {
      %iota3A = tpu.iota {dimensions = array<i32: 0>} : vector<16xi32>
      %mul3A_471 = arith.constant 16 : i32
      %mul3A_472 = arith.muli %scan3A_470, %mul3A_471 : i32
      %add3A_473 = vector.broadcast %mul3A_472 : i32 to vector<16xi32>
      %add3A_474 = arith.addi %iota3A, %add3A_473 : vector<16xi32>
      %jit3A = arith.constant 26 : i32
      %eq3A = arith.constant 0 : i32
      %eq3A_475 = arith.cmpi eq, %jit3A, %eq3A : i32
      %jit3A_476 = arith.constant 1 : i32
      %select_n3A = arith.select %eq3A_475, %jit3A_476, %jit3A : i32
      %rem3A = vector.broadcast %select_n3A : i32 to vector<16xi32>
      %rem3A_477 = arith.remsi %add3A_474, %rem3A : vector<16xi32>
      %ne3A = arith.constant 0 : i32
      %ne3A_478 = vector.broadcast %ne3A : i32 to vector<16xi32>
      %ne3A_479 = arith.cmpi ne, %rem3A_477, %ne3A_478 : vector<16xi32>
      %lt3A = arith.constant 0 : i32
      %lt3A_480 = vector.broadcast %lt3A : i32 to vector<16xi32>
      %lt3A_481 = arith.cmpi slt, %rem3A_477, %lt3A_480 : vector<16xi32>
      %lt3A_482 = arith.constant 0 : i32
      %lt3A_483 = arith.cmpi slt, %select_n3A, %lt3A_482 : i32
      %ne3A_484 = vector.broadcast %lt3A_483 : i1 to vector<16xi1>
      %ne3A_485 = vector.broadcast %ne3A_484 : vector<16xi1> to vector<16xi1>
      %ne3A_486 = arith.xori %lt3A_481, %ne3A_485 : vector<16xi1>
      %and3A = arith.andi %ne3A_486, %ne3A_479 : vector<16xi1>
      %add3A_487 = vector.broadcast %select_n3A : i32 to vector<16xi32>
      %add3A_488 = arith.addi %rem3A_477, %add3A_487 : vector<16xi32>
      %select_n3A_489 = arith.select %and3A, %add3A_488, %rem3A_477 : vector<16xi1>, vector<16xi32>
      %mul3A_490 = arith.constant 100000 : i32
      %mul3A_491 = vector.broadcast %mul3A_490 : i32 to vector<16xi32>
      %mul3A_492 = arith.muli %select_n3A_489, %mul3A_491 : vector<16xi32>
      %mul3A_493 = arith.constant 16 : i32
      %mul3A_494 = arith.muli %scan3A_470, %mul3A_493 : i32
      %swap3A = arith.index_cast %mul3A_494 : i32 to index
      %swap3A_495 = tpu.vector_load %arg6[%swap3A] {strides = array<i32>} : memref<208xi32, #tpu.memory_space<vmem>>, vector<16xi32>,
      %swap3A_496 = vector.shape_cast %swap3A_495 : vector<16xi32> to vector<16xi32>
      %swap3A_497 = vector.shape_cast %mul3A_492 : vector<16xi32> to vector<16xi32>
      tpu.vector_store %arg6[%swap3A], %swap3A_497 {strides = array<i32>} : memref<208xi32, #tpu.memory_space<vmem>>, vector<16xi32>,
    }
    %scan3A_7 = arith.constant 13 : i32
    %scan3A_8 = arith.constant 0 : i32
    %scan3A_9 = arith.constant 0 : i32
    %scan3A_10 = arith.constant 8 : i32
    %scan3A_11 = arith.addi %scan3A_9, %scan3A_10 : i32
    %scan3A_12 = arith.constant 1 : i32
    scf.for %scan3A_470 = %scan3A_9 to %scan3A_11 step %scan3A_12  : i32 {
      %mul3A_471 = arith.constant 13 : i32
      %mul3A_472 = arith.muli %scan3A_470, %mul3A_471 : i32
      %add3A_473 = arith.constant 0 : i32
      %add3A_474 = arith.addi %mul3A_472, %add3A_473 : i32
      %mul3A_475 = arith.constant 16 : i32
      %mul3A_476 = arith.muli %add3A_474, %mul3A_475 : i32
      %get3A = arith.constant 0 : i32
      %get3A_477 = arith.index_cast %get3A : i32 to index
      %get3A_478 = arith.index_cast %mul3A_476 : i32 to index
      %get3A_479 = tpu.vector_load %arg5[%get3A_477, %get3A_478] {strides = array<i32>} : memref<8x1664xi32, #tpu.memory_space<vmem>>, vector<1x16xi32>,
      %get3A_480 = vector.shape_cast %get3A_479 : vector<1x16xi32> to vector<16xi32>
      %get3A_481 = arith.constant 0 : index
      %get3A_482 = tpu.vector_load %arg6[%get3A_481] {strides = array<i32>} : memref<208xi32, #tpu.memory_space<vmem>>, vector<16xi32>,
      %get3A_483 = vector.shape_cast %get3A_482 : vector<16xi32> to vector<16xi32>
      %add3A_484 = arith.addi %get3A_480, %get3A_483 : vector<16xi32>
      %swap3A = arith.constant 0 : i32
      %swap3A_485 = arith.index_cast %swap3A : i32 to index
      %swap3A_486 = arith.index_cast %mul3A_476 : i32 to index
      %swap3A_487 = tpu.vector_load %arg5[%swap3A_485, %swap3A_486] {strides = array<i32>} : memref<8x1664xi32, #tpu.memory_space<vmem>>, vector<1x16xi32>,
      %swap3A_488 = vector.shape_cast %swap3A_487 : vector<1x16xi32> to vector<16xi32>
      %swap3A_489 = vector.shape_cast %add3A_484 : vector<16xi32> to vector<1x16xi32>
      tpu.vector_store %arg5[%swap3A_485, %swap3A_486], %swap3A_489 {strides = array<i32>} : memref<8x1664xi32, #tpu.memory_space<vmem>>, vector<1x16xi32>,
      %mul3A_490 = arith.constant 13 : i32
      %mul3A_491 = arith.muli %scan3A_470, %mul3A_490 : i32
      %add3A_492 = arith.constant 1 : i32
      %add3A_493 = arith.addi %mul3A_491, %add3A_492 : i32
      %mul3A_494 = arith.constant 16 : i32
      %mul3A_495 = arith.muli %add3A_493, %mul3A_494 : i32
      %get3A_496 = arith.constant 0 : i32
      %get3A_497 = arith.index_cast %get3A_496 : i32 to index
      %get3A_498 = arith.index_cast %mul3A_495 : i32 to index
      %get3A_499 = tpu.vector_load %arg5[%get3A_497, %get3A_498] {strides = array<i32>} : memref<8x1664xi32, #tpu.memory_space<vmem>>, vector<1x16xi32>,
      %get3A_500 = vector.shape_cast %get3A_499 : vector<1x16xi32> to vector<16xi32>
      %get3A_501 = arith.constant 16 : index
      %get3A_502 = tpu.vector_load %arg6[%get3A_501] {strides = array<i32>} : memref<208xi32, #tpu.memory_space<vmem>>, vector<16xi32>,
      %get3A_503 = vector.shape_cast %get3A_502 : vector<16xi32> to vector<16xi32>
      %add3A_504 = arith.addi %get3A_500, %get3A_503 : vector<16xi32>
      %swap3A_505 = arith.constant 0 : i32
      %swap3A_506 = arith.index_cast %swap3A_505 : i32 to index
      %swap3A_507 = arith.index_cast %mul3A_495 : i32 to index
      %swap3A_508 = tpu.vector_load %arg5[%swap3A_506, %swap3A_507] {strides = array<i32>} : memref<8x1664xi32, #tpu.memory_space<vmem>>, vector<1x16xi32>,
      %swap3A_509 = vector.shape_cast %swap3A_508 : vector<1x16xi32> to vector<16xi32>
      %swap3A_510 = vector.shape_cast %add3A_504 : vector<16xi32> to vector<1x16xi32>
      tpu.vector_store %arg5[%swap3A_506, %swap3A_507], %swap3A_510 {strides = array<i32>} : memref<8x1664xi32, #tpu.memory_space<vmem>>, vector<1x16xi32>,
      %mul3A_511 = arith.constant 13 : i32
      %mul3A_512 = arith.muli %scan3A_470, %mul3A_511 : i32
      %add3A_513 = arith.constant 2 : i32
      %add3A_514 = arith.addi %mul3A_512, %add3A_513 : i32
      %mul3A_515 = arith.constant 16 : i32
      %mul3A_516 = arith.muli %add3A_514, %mul3A_515 : i32
      %get3A_517 = arith.constant 0 : i32
      %get3A_518 = arith.index_cast %get3A_517 : i32 to index
      %get3A_519 = arith.index_cast %mul3A_516 : i32 to index
      %get3A_520 = tpu.vector_load %arg5[%get3A_518, %get3A_519] {strides = array<i32>} : memref<8x1664xi32, #tpu.memory_space<vmem>>, vector<1x16xi32>,
      %get3A_521 = vector.shape_cast %get3A_520 : vector<1x16xi32> to vector<16xi32>
      %get3A_522 = arith.constant 32 : index
      %get3A_523 = tpu.vector_load %arg6[%get3A_522] {strides = array<i32>} : memref<208xi32, #tpu.memory_space<vmem>>, vector<16xi32>,
      %get3A_524 = vector.shape_cast %get3A_523 : vector<16xi32> to vector<16xi32>
      %add3A_525 = arith.addi %get3A_521, %get3A_524 : vector<16xi32>
      %swap3A_526 = arith.constant 0 : i32
      %swap3A_527 = arith.index_cast %swap3A_526 : i32 to index
      %swap3A_528 = arith.index_cast %mul3A_516 : i32 to index
      %swap3A_529 = tpu.vector_load %arg5[%swap3A_527, %swap3A_528] {strides = array<i32>} : memref<8x1664xi32, #tpu.memory_space<vmem>>, vector<1x16xi32>,
      %swap3A_530 = vector.shape_cast %swap3A_529 : vector<1x16xi32> to vector<16xi32>
      %swap3A_531 = vector.shape_cast %add3A_525 : vector<16xi32> to vector<1x16xi32>
      tpu.vector_store %arg5[%swap3A_527, %swap3A_528], %swap3A_531 {strides = array<i32>} : memref<8x1664xi32, #tpu.memory_space<vmem>>, vector<1x16xi32>,
      %mul3A_532 = arith.constant 13 : i32
      %mul3A_533 = arith.muli %scan3A_470, %mul3A_532 : i32
      %add3A_534 = arith.constant 3 : i32
      %add3A_535 = arith.addi %mul3A_533, %add3A_534 : i32
      %mul3A_536 = arith.constant 16 : i32
      %mul3A_537 = arith.muli %add3A_535, %mul3A_536 : i32
      %get3A_538 = arith.constant 0 : i32
      %get3A_539 = arith.index_cast %get3A_538 : i32 to index
      %get3A_540 = arith.index_cast %mul3A_537 : i32 to index
      %get3A_541 = tpu.vector_load %arg5[%get3A_539, %get3A_540] {strides = array<i32>} : memref<8x1664xi32, #tpu.memory_space<vmem>>, vector<1x16xi32>,
      %get3A_542 = vector.shape_cast %get3A_541 : vector<1x16xi32> to vector<16xi32>
      %get3A_543 = arith.constant 48 : index
      %get3A_544 = tpu.vector_load %arg6[%get3A_543] {strides = array<i32>} : memref<208xi32, #tpu.memory_space<vmem>>, vector<16xi32>,
      %get3A_545 = vector.shape_cast %get3A_544 : vector<16xi32> to vector<16xi32>
      %add3A_546 = arith.addi %get3A_542, %get3A_545 : vector<16xi32>
      %swap3A_547 = arith.constant 0 : i32
      %swap3A_548 = arith.index_cast %swap3A_547 : i32 to index
      %swap3A_549 = arith.index_cast %mul3A_537 : i32 to index
      %swap3A_550 = tpu.vector_load %arg5[%swap3A_548, %swap3A_549] {strides = array<i32>} : memref<8x1664xi32, #tpu.memory_space<vmem>>, vector<1x16xi32>,
      %swap3A_551 = vector.shape_cast %swap3A_550 : vector<1x16xi32> to vector<16xi32>
      %swap3A_552 = vector.shape_cast %add3A_546 : vector<16xi32> to vector<1x16xi32>
      tpu.vector_store %arg5[%swap3A_548, %swap3A_549], %swap3A_552 {strides = array<i32>} : memref<8x1664xi32, #tpu.memory_space<vmem>>, vector<1x16xi32>,
      %mul3A_553 = arith.constant 13 : i32
      %mul3A_554 = arith.muli %scan3A_470, %mul3A_553 : i32
      %add3A_555 = arith.constant 4 : i32
      %add3A_556 = arith.addi %mul3A_554, %add3A_555 : i32
      %mul3A_557 = arith.constant 16 : i32
      %mul3A_558 = arith.muli %add3A_556, %mul3A_557 : i32
      %get3A_559 = arith.constant 0 : i32
      %get3A_560 = arith.index_cast %get3A_559 : i32 to index
      %get3A_561 = arith.index_cast %mul3A_558 : i32 to index
      %get3A_562 = tpu.vector_load %arg5[%get3A_560, %get3A_561] {strides = array<i32>} : memref<8x1664xi32, #tpu.memory_space<vmem>>, vector<1x16xi32>,
      %get3A_563 = vector.shape_cast %get3A_562 : vector<1x16xi32> to vector<16xi32>
      %get3A_564 = arith.constant 64 : index
      %get3A_565 = tpu.vector_load %arg6[%get3A_564] {strides = array<i32>} : memref<208xi32, #tpu.memory_space<vmem>>, vector<16xi32>,
      %get3A_566 = vector.shape_cast %get3A_565 : vector<16xi32> to vector<16xi32>
      %add3A_567 = arith.addi %get3A_563, %get3A_566 : vector<16xi32>
      %swap3A_568 = arith.constant 0 : i32
      %swap3A_569 = arith.index_cast %swap3A_568 : i32 to index
      %swap3A_570 = arith.index_cast %mul3A_558 : i32 to index
      %swap3A_571 = tpu.vector_load %arg5[%swap3A_569, %swap3A_570] {strides = array<i32>} : memref<8x1664xi32, #tpu.memory_space<vmem>>, vector<1x16xi32>,
      %swap3A_572 = vector.shape_cast %swap3A_571 : vector<1x16xi32> to vector<16xi32>
      %swap3A_573 = vector.shape_cast %add3A_567 : vector<16xi32> to vector<1x16xi32>
      tpu.vector_store %arg5[%swap3A_569, %swap3A_570], %swap3A_573 {strides = array<i32>} : memref<8x1664xi32, #tpu.memory_space<vmem>>, vector<1x16xi32>,
      %mul3A_574 = arith.constant 13 : i32
      %mul3A_575 = arith.muli %scan3A_470, %mul3A_574 : i32
      %add3A_576 = arith.constant 5 : i32
      %add3A_577 = arith.addi %mul3A_575, %add3A_576 : i32
      %mul3A_578 = arith.constant 16 : i32
      %mul3A_579 = arith.muli %add3A_577, %mul3A_578 : i32
      %get3A_580 = arith.constant 0 : i32
      %get3A_581 = arith.index_cast %get3A_580 : i32 to index
      %get3A_582 = arith.index_cast %mul3A_579 : i32 to index
      %get3A_583 = tpu.vector_load %arg5[%get3A_581, %get3A_582] {strides = array<i32>} : memref<8x1664xi32, #tpu.memory_space<vmem>>, vector<1x16xi32>,
      %get3A_584 = vector.shape_cast %get3A_583 : vector<1x16xi32> to vector<16xi32>
      %get3A_585 = arith.constant 80 : index
      %get3A_586 = tpu.vector_load %arg6[%get3A_585] {strides = array<i32>} : memref<208xi32, #tpu.memory_space<vmem>>, vector<16xi32>,
      %get3A_587 = vector.shape_cast %get3A_586 : vector<16xi32> to vector<16xi32>
      %add3A_588 = arith.addi %get3A_584, %get3A_587 : vector<16xi32>
      %swap3A_589 = arith.constant 0 : i32
      %swap3A_590 = arith.index_cast %swap3A_589 : i32 to index
      %swap3A_591 = arith.index_cast %mul3A_579 : i32 to index
      %swap3A_592 = tpu.vector_load %arg5[%swap3A_590, %swap3A_591] {strides = array<i32>} : memref<8x1664xi32, #tpu.memory_space<vmem>>, vector<1x16xi32>,
      %swap3A_593 = vector.shape_cast %swap3A_592 : vector<1x16xi32> to vector<16xi32>
      %swap3A_594 = vector.shape_cast %add3A_588 : vector<16xi32> to vector<1x16xi32>
      tpu.vector_store %arg5[%swap3A_590, %swap3A_591], %swap3A_594 {strides = array<i32>} : memref<8x1664xi32, #tpu.memory_space<vmem>>, vector<1x16xi32>,
      %mul3A_595 = arith.constant 13 : i32
      %mul3A_596 = arith.muli %scan3A_470, %mul3A_595 : i32
      %add3A_597 = arith.constant 6 : i32
      %add3A_598 = arith.addi %mul3A_596, %add3A_597 : i32
      %mul3A_599 = arith.constant 16 : i32
      %mul3A_600 = arith.muli %add3A_598, %mul3A_599 : i32
      %get3A_601 = arith.constant 0 : i32
      %get3A_602 = arith.index_cast %get3A_601 : i32 to index
      %get3A_603 = arith.index_cast %mul3A_600 : i32 to index
      %get3A_604 = tpu.vector_load %arg5[%get3A_602, %get3A_603] {strides = array<i32>} : memref<8x1664xi32, #tpu.memory_space<vmem>>, vector<1x16xi32>,
      %get3A_605 = vector.shape_cast %get3A_604 : vector<1x16xi32> to vector<16xi32>
      %get3A_606 = arith.constant 96 : index
      %get3A_607 = tpu.vector_load %arg6[%get3A_606] {strides = array<i32>} : memref<208xi32, #tpu.memory_space<vmem>>, vector<16xi32>,
      %get3A_608 = vector.shape_cast %get3A_607 : vector<16xi32> to vector<16xi32>
      %add3A_609 = arith.addi %get3A_605, %get3A_608 : vector<16xi32>
      %swap3A_610 = arith.constant 0 : i32
      %swap3A_611 = arith.index_cast %swap3A_610 : i32 to index
      %swap3A_612 = arith.index_cast %mul3A_600 : i32 to index
      %swap3A_613 = tpu.vector_load %arg5[%swap3A_611, %swap3A_612] {strides = array<i32>} : memref<8x1664xi32, #tpu.memory_space<vmem>>, vector<1x16xi32>,
      %swap3A_614 = vector.shape_cast %swap3A_613 : vector<1x16xi32> to vector<16xi32>
      %swap3A_615 = vector.shape_cast %add3A_609 : vector<16xi32> to vector<1x16xi32>
      tpu.vector_store %arg5[%swap3A_611, %swap3A_612], %swap3A_615 {strides = array<i32>} : memref<8x1664xi32, #tpu.memory_space<vmem>>, vector<1x16xi32>,
      %mul3A_616 = arith.constant 13 : i32
      %mul3A_617 = arith.muli %scan3A_470, %mul3A_616 : i32
      %add3A_618 = arith.constant 7 : i32
      %add3A_619 = arith.addi %mul3A_617, %add3A_618 : i32
      %mul3A_620 = arith.constant 16 : i32
      %mul3A_621 = arith.muli %add3A_619, %mul3A_620 : i32
      %get3A_622 = arith.constant 0 : i32
      %get3A_623 = arith.index_cast %get3A_622 : i32 to index
      %get3A_624 = arith.index_cast %mul3A_621 : i32 to index
      %get3A_625 = tpu.vector_load %arg5[%get3A_623, %get3A_624] {strides = array<i32>} : memref<8x1664xi32, #tpu.memory_space<vmem>>, vector<1x16xi32>,
      %get3A_626 = vector.shape_cast %get3A_625 : vector<1x16xi32> to vector<16xi32>
      %get3A_627 = arith.constant 112 : index
      %get3A_628 = tpu.vector_load %arg6[%get3A_627] {strides = array<i32>} : memref<208xi32, #tpu.memory_space<vmem>>, vector<16xi32>,
      %get3A_629 = vector.shape_cast %get3A_628 : vector<16xi32> to vector<16xi32>
      %add3A_630 = arith.addi %get3A_626, %get3A_629 : vector<16xi32>
      %swap3A_631 = arith.constant 0 : i32
      %swap3A_632 = arith.index_cast %swap3A_631 : i32 to index
      %swap3A_633 = arith.index_cast %mul3A_621 : i32 to index
      %swap3A_634 = tpu.vector_load %arg5[%swap3A_632, %swap3A_633] {strides = array<i32>} : memref<8x1664xi32, #tpu.memory_space<vmem>>, vector<1x16xi32>,
      %swap3A_635 = vector.shape_cast %swap3A_634 : vector<1x16xi32> to vector<16xi32>
      %swap3A_636 = vector.shape_cast %add3A_630 : vector<16xi32> to vector<1x16xi32>
      tpu.vector_store %arg5[%swap3A_632, %swap3A_633], %swap3A_636 {strides = array<i32>} : memref<8x1664xi32, #tpu.memory_space<vmem>>, vector<1x16xi32>,
      %mul3A_637 = arith.constant 13 : i32
      %mul3A_638 = arith.muli %scan3A_470, %mul3A_637 : i32
      %add3A_639 = arith.constant 8 : i32
      %add3A_640 = arith.addi %mul3A_638, %add3A_639 : i32
      %mul3A_641 = arith.constant 16 : i32
      %mul3A_642 = arith.muli %add3A_640, %mul3A_641 : i32
      %get3A_643 = arith.constant 0 : i32
      %get3A_644 = arith.index_cast %get3A_643 : i32 to index
      %get3A_645 = arith.index_cast %mul3A_642 : i32 to index
      %get3A_646 = tpu.vector_load %arg5[%get3A_644, %get3A_645] {strides = array<i32>} : memref<8x1664xi32, #tpu.memory_space<vmem>>, vector<1x16xi32>,
      %get3A_647 = vector.shape_cast %get3A_646 : vector<1x16xi32> to vector<16xi32>
      %get3A_648 = arith.constant 128 : index
      %get3A_649 = tpu.vector_load %arg6[%get3A_648] {strides = array<i32>} : memref<208xi32, #tpu.memory_space<vmem>>, vector<16xi32>,
      %get3A_650 = vector.shape_cast %get3A_649 : vector<16xi32> to vector<16xi32>
      %add3A_651 = arith.addi %get3A_647, %get3A_650 : vector<16xi32>
      %swap3A_652 = arith.constant 0 : i32
      %swap3A_653 = arith.index_cast %swap3A_652 : i32 to index
      %swap3A_654 = arith.index_cast %mul3A_642 : i32 to index
      %swap3A_655 = tpu.vector_load %arg5[%swap3A_653, %swap3A_654] {strides = array<i32>} : memref<8x1664xi32, #tpu.memory_space<vmem>>, vector<1x16xi32>,
      %swap3A_656 = vector.shape_cast %swap3A_655 : vector<1x16xi32> to vector<16xi32>
      %swap3A_657 = vector.shape_cast %add3A_651 : vector<16xi32> to vector<1x16xi32>
      tpu.vector_store %arg5[%swap3A_653, %swap3A_654], %swap3A_657 {strides = array<i32>} : memref<8x1664xi32, #tpu.memory_space<vmem>>, vector<1x16xi32>,
      %mul3A_658 = arith.constant 13 : i32
      %mul3A_659 = arith.muli %scan3A_470, %mul3A_658 : i32
      %add3A_660 = arith.constant 9 : i32
      %add3A_661 = arith.addi %mul3A_659, %add3A_660 : i32
      %mul3A_662 = arith.constant 16 : i32
      %mul3A_663 = arith.muli %add3A_661, %mul3A_662 : i32
      %get3A_664 = arith.constant 0 : i32
      %get3A_665 = arith.index_cast %get3A_664 : i32 to index
      %get3A_666 = arith.index_cast %mul3A_663 : i32 to index
      %get3A_667 = tpu.vector_load %arg5[%get3A_665, %get3A_666] {strides = array<i32>} : memref<8x1664xi32, #tpu.memory_space<vmem>>, vector<1x16xi32>,
      %get3A_668 = vector.shape_cast %get3A_667 : vector<1x16xi32> to vector<16xi32>
      %get3A_669 = arith.constant 144 : index
      %get3A_670 = tpu.vector_load %arg6[%get3A_669] {strides = array<i32>} : memref<208xi32, #tpu.memory_space<vmem>>, vector<16xi32>,
      %get3A_671 = vector.shape_cast %get3A_670 : vector<16xi32> to vector<16xi32>
      %add3A_672 = arith.addi %get3A_668, %get3A_671 : vector<16xi32>
      %swap3A_673 = arith.constant 0 : i32
      %swap3A_674 = arith.index_cast %swap3A_673 : i32 to index
      %swap3A_675 = arith.index_cast %mul3A_663 : i32 to index
      %swap3A_676 = tpu.vector_load %arg5[%swap3A_674, %swap3A_675] {strides = array<i32>} : memref<8x1664xi32, #tpu.memory_space<vmem>>, vector<1x16xi32>,
      %swap3A_677 = vector.shape_cast %swap3A_676 : vector<1x16xi32> to vector<16xi32>
      %swap3A_678 = vector.shape_cast %add3A_672 : vector<16xi32> to vector<1x16xi32>
      tpu.vector_store %arg5[%swap3A_674, %swap3A_675], %swap3A_678 {strides = array<i32>} : memref<8x1664xi32, #tpu.memory_space<vmem>>, vector<1x16xi32>,
      %mul3A_679 = arith.constant 13 : i32
      %mul3A_680 = arith.muli %scan3A_470, %mul3A_679 : i32
      %add3A_681 = arith.constant 10 : i32
      %add3A_682 = arith.addi %mul3A_680, %add3A_681 : i32
      %mul3A_683 = arith.constant 16 : i32
      %mul3A_684 = arith.muli %add3A_682, %mul3A_683 : i32
      %get3A_685 = arith.constant 0 : i32
      %get3A_686 = arith.index_cast %get3A_685 : i32 to index
      %get3A_687 = arith.index_cast %mul3A_684 : i32 to index
      %get3A_688 = tpu.vector_load %arg5[%get3A_686, %get3A_687] {strides = array<i32>} : memref<8x1664xi32, #tpu.memory_space<vmem>>, vector<1x16xi32>,
      %get3A_689 = vector.shape_cast %get3A_688 : vector<1x16xi32> to vector<16xi32>
      %get3A_690 = arith.constant 160 : index
      %get3A_691 = tpu.vector_load %arg6[%get3A_690] {strides = array<i32>} : memref<208xi32, #tpu.memory_space<vmem>>, vector<16xi32>,
      %get3A_692 = vector.shape_cast %get3A_691 : vector<16xi32> to vector<16xi32>
      %add3A_693 = arith.addi %get3A_689, %get3A_692 : vector<16xi32>
      %swap3A_694 = arith.constant 0 : i32
      %swap3A_695 = arith.index_cast %swap3A_694 : i32 to index
      %swap3A_696 = arith.index_cast %mul3A_684 : i32 to index
      %swap3A_697 = tpu.vector_load %arg5[%swap3A_695, %swap3A_696] {strides = array<i32>} : memref<8x1664xi32, #tpu.memory_space<vmem>>, vector<1x16xi32>,
      %swap3A_698 = vector.shape_cast %swap3A_697 : vector<1x16xi32> to vector<16xi32>
      %swap3A_699 = vector.shape_cast %add3A_693 : vector<16xi32> to vector<1x16xi32>
      tpu.vector_store %arg5[%swap3A_695, %swap3A_696], %swap3A_699 {strides = array<i32>} : memref<8x1664xi32, #tpu.memory_space<vmem>>, vector<1x16xi32>,
      %mul3A_700 = arith.constant 13 : i32
      %mul3A_701 = arith.muli %scan3A_470, %mul3A_700 : i32
      %add3A_702 = arith.constant 11 : i32
      %add3A_703 = arith.addi %mul3A_701, %add3A_702 : i32
      %mul3A_704 = arith.constant 16 : i32
      %mul3A_705 = arith.muli %add3A_703, %mul3A_704 : i32
      %get3A_706 = arith.constant 0 : i32
      %get3A_707 = arith.index_cast %get3A_706 : i32 to index
      %get3A_708 = arith.index_cast %mul3A_705 : i32 to index
      %get3A_709 = tpu.vector_load %arg5[%get3A_707, %get3A_708] {strides = array<i32>} : memref<8x1664xi32, #tpu.memory_space<vmem>>, vector<1x16xi32>,
      %get3A_710 = vector.shape_cast %get3A_709 : vector<1x16xi32> to vector<16xi32>
      %get3A_711 = arith.constant 176 : index
      %get3A_712 = tpu.vector_load %arg6[%get3A_711] {strides = array<i32>} : memref<208xi32, #tpu.memory_space<vmem>>, vector<16xi32>,
      %get3A_713 = vector.shape_cast %get3A_712 : vector<16xi32> to vector<16xi32>
      %add3A_714 = arith.addi %get3A_710, %get3A_713 : vector<16xi32>
      %swap3A_715 = arith.constant 0 : i32
      %swap3A_716 = arith.index_cast %swap3A_715 : i32 to index
      %swap3A_717 = arith.index_cast %mul3A_705 : i32 to index
      %swap3A_718 = tpu.vector_load %arg5[%swap3A_716, %swap3A_717] {strides = array<i32>} : memref<8x1664xi32, #tpu.memory_space<vmem>>, vector<1x16xi32>,
      %swap3A_719 = vector.shape_cast %swap3A_718 : vector<1x16xi32> to vector<16xi32>
      %swap3A_720 = vector.shape_cast %add3A_714 : vector<16xi32> to vector<1x16xi32>
      tpu.vector_store %arg5[%swap3A_716, %swap3A_717], %swap3A_720 {strides = array<i32>} : memref<8x1664xi32, #tpu.memory_space<vmem>>, vector<1x16xi32>,
      %mul3A_721 = arith.constant 13 : i32
      %mul3A_722 = arith.muli %scan3A_470, %mul3A_721 : i32
      %add3A_723 = arith.constant 12 : i32
      %add3A_724 = arith.addi %mul3A_722, %add3A_723 : i32
      %mul3A_725 = arith.constant 16 : i32
      %mul3A_726 = arith.muli %add3A_724, %mul3A_725 : i32
      %get3A_727 = arith.constant 0 : i32
      %get3A_728 = arith.index_cast %get3A_727 : i32 to index
      %get3A_729 = arith.index_cast %mul3A_726 : i32 to index
      %get3A_730 = tpu.vector_load %arg5[%get3A_728, %get3A_729] {strides = array<i32>} : memref<8x1664xi32, #tpu.memory_space<vmem>>, vector<1x16xi32>,
      %get3A_731 = vector.shape_cast %get3A_730 : vector<1x16xi32> to vector<16xi32>
      %get3A_732 = arith.constant 192 : index
      %get3A_733 = tpu.vector_load %arg6[%get3A_732] {strides = array<i32>} : memref<208xi32, #tpu.memory_space<vmem>>, vector<16xi32>,
      %get3A_734 = vector.shape_cast %get3A_733 : vector<16xi32> to vector<16xi32>
      %add3A_735 = arith.addi %get3A_731, %get3A_734 : vector<16xi32>
      %swap3A_736 = arith.constant 0 : i32
      %swap3A_737 = arith.index_cast %swap3A_736 : i32 to index
      %swap3A_738 = arith.index_cast %mul3A_726 : i32 to index
      %swap3A_739 = tpu.vector_load %arg5[%swap3A_737, %swap3A_738] {strides = array<i32>} : memref<8x1664xi32, #tpu.memory_space<vmem>>, vector<1x16xi32>,
      %swap3A_740 = vector.shape_cast %swap3A_739 : vector<1x16xi32> to vector<16xi32>
      %swap3A_741 = vector.shape_cast %add3A_735 : vector<16xi32> to vector<1x16xi32>
      tpu.vector_store %arg5[%swap3A_737, %swap3A_738], %swap3A_741 {strides = array<i32>} : memref<8x1664xi32, #tpu.memory_space<vmem>>, vector<1x16xi32>,
    }
    %scan3A_13 = arith.constant 8 : i32
    %dma_start3A = arith.constant 0 : i32
    %dma_start3A_14 = arith.constant 0 : i32
    %dma_start3A_15 = arith.constant 0 : i32
    %dma_start3A_16 = arith.constant 0 : i32
    %dma_start3A_17 = tpu.memref_slice %arg7[%dma_start3A_14, %dma_start3A_15, %dma_start3A_16] : memref<2x1664x32xf32, #tpu.memory_space<vmem>> -> memref<1x1664x32xf32, #tpu.memory_space<vmem>>
    %dma_start3A_18 = tpu.memref_squeeze %dma_start3A_17 : memref<1x1664x32xf32, #tpu.memory_space<vmem>> -> memref<1664x32xf32, #tpu.memory_space<vmem>>
    %dma_start3A_19 = arith.constant 0 : i32
    %dma_start3A_20 = tpu.memref_slice %arg5[%dma_start3A, %dma_start3A_19] : memref<8x1664xi32, #tpu.memory_space<vmem>> -> memref<1x1664xi32, #tpu.memory_space<vmem>>
    %dma_start3A_21 = tpu.memref_squeeze %dma_start3A_20 : memref<1x1664xi32, #tpu.memory_space<vmem>> -> memref<1664xi32, #tpu.memory_space<vmem>>
    %dma_start3A_22 = arith.constant 0 : i32
    %dma_start3A_23 = arith.constant 0 : i32
    %dma_start3A_24 = tpu.memref_slice %arg3[%dma_start3A_22, %dma_start3A_23] : memref<2600000x32xf32, #tpu.memory_space<hbm>> -> memref<2600000x32xf32, #tpu.memory_space<hbm>>
    tpu.enqueue_indirect_dma source(%dma_start3A_24 : memref<2600000x32xf32, #tpu.memory_space<hbm>>) target(%dma_start3A_18 : memref<1664x32xf32, #tpu.memory_space<vmem>>) offsets(%dma_start3A_21 : memref<1664xi32, #tpu.memory_space<vmem>>) semaphore(%arg8 : memref<!tpu.dma_semaphore, #tpu.memory_space<semaphore_mem>>)
    %scan3A_25 = arith.constant 0 : i32
    %scan3A_26 = arith.constant 0 : i32
    %scan3A_27 = arith.constant 8 : i32
    %scan3A_28 = arith.addi %scan3A_26, %scan3A_27 : i32
    %scan3A_29 = arith.constant 1 : i32
    scf.for %scan3A_470 = %scan3A_26 to %scan3A_28 step %scan3A_29  : i32 {
      %mul3A_471 = arith.constant 13 : i32
      %mul3A_472 = arith.muli %scan3A_470, %mul3A_471 : i32
      %add3A_473 = arith.constant 0 : i32
      %add3A_474 = arith.addi %mul3A_472, %add3A_473 : i32
      %mul3A_475 = arith.constant 16 : i32
      %mul3A_476 = arith.muli %add3A_474, %mul3A_475 : i32
      %get3A = arith.constant 1 : i32
      %get3A_477 = arith.index_cast %get3A : i32 to index
      %get3A_478 = arith.index_cast %mul3A_476 : i32 to index
      %get3A_479 = tpu.vector_load %arg5[%get3A_477, %get3A_478] {strides = array<i32>} : memref<8x1664xi32, #tpu.memory_space<vmem>>, vector<1x16xi32>,
      %get3A_480 = vector.shape_cast %get3A_479 : vector<1x16xi32> to vector<16xi32>
      %get3A_481 = arith.constant 0 : index
      %get3A_482 = tpu.vector_load %arg6[%get3A_481] {strides = array<i32>} : memref<208xi32, #tpu.memory_space<vmem>>, vector<16xi32>,
      %get3A_483 = vector.shape_cast %get3A_482 : vector<16xi32> to vector<16xi32>
      %add3A_484 = arith.addi %get3A_480, %get3A_483 : vector<16xi32>
      %swap3A = arith.constant 1 : i32
      %swap3A_485 = arith.index_cast %swap3A : i32 to index
      %swap3A_486 = arith.index_cast %mul3A_476 : i32 to index
      %swap3A_487 = tpu.vector_load %arg5[%swap3A_485, %swap3A_486] {strides = array<i32>} : memref<8x1664xi32, #tpu.memory_space<vmem>>, vector<1x16xi32>,
      %swap3A_488 = vector.shape_cast %swap3A_487 : vector<1x16xi32> to vector<16xi32>
      %swap3A_489 = vector.shape_cast %add3A_484 : vector<16xi32> to vector<1x16xi32>
      tpu.vector_store %arg5[%swap3A_485, %swap3A_486], %swap3A_489 {strides = array<i32>} : memref<8x1664xi32, #tpu.memory_space<vmem>>, vector<1x16xi32>,
      %mul3A_490 = arith.constant 13 : i32
      %mul3A_491 = arith.muli %scan3A_470, %mul3A_490 : i32
      %add3A_492 = arith.constant 1 : i32
      %add3A_493 = arith.addi %mul3A_491, %add3A_492 : i32
      %mul3A_494 = arith.constant 16 : i32
      %mul3A_495 = arith.muli %add3A_493, %mul3A_494 : i32
      %get3A_496 = arith.constant 1 : i32
      %get3A_497 = arith.index_cast %get3A_496 : i32 to index
      %get3A_498 = arith.index_cast %mul3A_495 : i32 to index
      %get3A_499 = tpu.vector_load %arg5[%get3A_497, %get3A_498] {strides = array<i32>} : memref<8x1664xi32, #tpu.memory_space<vmem>>, vector<1x16xi32>,
      %get3A_500 = vector.shape_cast %get3A_499 : vector<1x16xi32> to vector<16xi32>
      %get3A_501 = arith.constant 16 : index
      %get3A_502 = tpu.vector_load %arg6[%get3A_501] {strides = array<i32>} : memref<208xi32, #tpu.memory_space<vmem>>, vector<16xi32>,
      %get3A_503 = vector.shape_cast %get3A_502 : vector<16xi32> to vector<16xi32>
      %add3A_504 = arith.addi %get3A_500, %get3A_503 : vector<16xi32>
      %swap3A_505 = arith.constant 1 : i32
      %swap3A_506 = arith.index_cast %swap3A_505 : i32 to index
      %swap3A_507 = arith.index_cast %mul3A_495 : i32 to index
      %swap3A_508 = tpu.vector_load %arg5[%swap3A_506, %swap3A_507] {strides = array<i32>} : memref<8x1664xi32, #tpu.memory_space<vmem>>, vector<1x16xi32>,
      %swap3A_509 = vector.shape_cast %swap3A_508 : vector<1x16xi32> to vector<16xi32>
      %swap3A_510 = vector.shape_cast %add3A_504 : vector<16xi32> to vector<1x16xi32>
      tpu.vector_store %arg5[%swap3A_506, %swap3A_507], %swap3A_510 {strides = array<i32>} : memref<8x1664xi32, #tpu.memory_space<vmem>>, vector<1x16xi32>,
      %mul3A_511 = arith.constant 13 : i32
      %mul3A_512 = arith.muli %scan3A_470, %mul3A_511 : i32
      %add3A_513 = arith.constant 2 : i32
      %add3A_514 = arith.addi %mul3A_512, %add3A_513 : i32
      %mul3A_515 = arith.constant 16 : i32
      %mul3A_516 = arith.muli %add3A_514, %mul3A_515 : i32
      %get3A_517 = arith.constant 1 : i32
      %get3A_518 = arith.index_cast %get3A_517 : i32 to index
      %get3A_519 = arith.index_cast %mul3A_516 : i32 to index
      %get3A_520 = tpu.vector_load %arg5[%get3A_518, %get3A_519] {strides = array<i32>} : memref<8x1664xi32, #tpu.memory_space<vmem>>, vector<1x16xi32>,
      %get3A_521 = vector.shape_cast %get3A_520 : vector<1x16xi32> to vector<16xi32>
      %get3A_522 = arith.constant 32 : index
      %get3A_523 = tpu.vector_load %arg6[%get3A_522] {strides = array<i32>} : memref<208xi32, #tpu.memory_space<vmem>>, vector<16xi32>,
      %get3A_524 = vector.shape_cast %get3A_523 : vector<16xi32> to vector<16xi32>
      %add3A_525 = arith.addi %get3A_521, %get3A_524 : vector<16xi32>
      %swap3A_526 = arith.constant 1 : i32
      %swap3A_527 = arith.index_cast %swap3A_526 : i32 to index
      %swap3A_528 = arith.index_cast %mul3A_516 : i32 to index
      %swap3A_529 = tpu.vector_load %arg5[%swap3A_527, %swap3A_528] {strides = array<i32>} : memref<8x1664xi32, #tpu.memory_space<vmem>>, vector<1x16xi32>,
      %swap3A_530 = vector.shape_cast %swap3A_529 : vector<1x16xi32> to vector<16xi32>
      %swap3A_531 = vector.shape_cast %add3A_525 : vector<16xi32> to vector<1x16xi32>
      tpu.vector_store %arg5[%swap3A_527, %swap3A_528], %swap3A_531 {strides = array<i32>} : memref<8x1664xi32, #tpu.memory_space<vmem>>, vector<1x16xi32>,
      %mul3A_532 = arith.constant 13 : i32
      %mul3A_533 = arith.muli %scan3A_470, %mul3A_532 : i32
      %add3A_534 = arith.constant 3 : i32
      %add3A_535 = arith.addi %mul3A_533, %add3A_534 : i32
      %mul3A_536 = arith.constant 16 : i32
      %mul3A_537 = arith.muli %add3A_535, %mul3A_536 : i32
      %get3A_538 = arith.constant 1 : i32
      %get3A_539 = arith.index_cast %get3A_538 : i32 to index
      %get3A_540 = arith.index_cast %mul3A_537 : i32 to index
      %get3A_541 = tpu.vector_load %arg5[%get3A_539, %get3A_540] {strides = array<i32>} : memref<8x1664xi32, #tpu.memory_space<vmem>>, vector<1x16xi32>,
      %get3A_542 = vector.shape_cast %get3A_541 : vector<1x16xi32> to vector<16xi32>
      %get3A_543 = arith.constant 48 : index
      %get3A_544 = tpu.vector_load %arg6[%get3A_543] {strides = array<i32>} : memref<208xi32, #tpu.memory_space<vmem>>, vector<16xi32>,
      %get3A_545 = vector.shape_cast %get3A_544 : vector<16xi32> to vector<16xi32>
      %add3A_546 = arith.addi %get3A_542, %get3A_545 : vector<16xi32>
      %swap3A_547 = arith.constant 1 : i32
      %swap3A_548 = arith.index_cast %swap3A_547 : i32 to index
      %swap3A_549 = arith.index_cast %mul3A_537 : i32 to index
      %swap3A_550 = tpu.vector_load %arg5[%swap3A_548, %swap3A_549] {strides = array<i32>} : memref<8x1664xi32, #tpu.memory_space<vmem>>, vector<1x16xi32>,
      %swap3A_551 = vector.shape_cast %swap3A_550 : vector<1x16xi32> to vector<16xi32>
      %swap3A_552 = vector.shape_cast %add3A_546 : vector<16xi32> to vector<1x16xi32>
      tpu.vector_store %arg5[%swap3A_548, %swap3A_549], %swap3A_552 {strides = array<i32>} : memref<8x1664xi32, #tpu.memory_space<vmem>>, vector<1x16xi32>,
      %mul3A_553 = arith.constant 13 : i32
      %mul3A_554 = arith.muli %scan3A_470, %mul3A_553 : i32
      %add3A_555 = arith.constant 4 : i32
      %add3A_556 = arith.addi %mul3A_554, %add3A_555 : i32
      %mul3A_557 = arith.constant 16 : i32
      %mul3A_558 = arith.muli %add3A_556, %mul3A_557 : i32
      %get3A_559 = arith.constant 1 : i32
      %get3A_560 = arith.index_cast %get3A_559 : i32 to index
      %get3A_561 = arith.index_cast %mul3A_558 : i32 to index
      %get3A_562 = tpu.vector_load %arg5[%get3A_560, %get3A_561] {strides = array<i32>} : memref<8x1664xi32, #tpu.memory_space<vmem>>, vector<1x16xi32>,
      %get3A_563 = vector.shape_cast %get3A_562 : vector<1x16xi32> to vector<16xi32>
      %get3A_564 = arith.constant 64 : index
      %get3A_565 = tpu.vector_load %arg6[%get3A_564] {strides = array<i32>} : memref<208xi32, #tpu.memory_space<vmem>>, vector<16xi32>,
      %get3A_566 = vector.shape_cast %get3A_565 : vector<16xi32> to vector<16xi32>
      %add3A_567 = arith.addi %get3A_563, %get3A_566 : vector<16xi32>
      %swap3A_568 = arith.constant 1 : i32
      %swap3A_569 = arith.index_cast %swap3A_568 : i32 to index
      %swap3A_570 = arith.index_cast %mul3A_558 : i32 to index
      %swap3A_571 = tpu.vector_load %arg5[%swap3A_569, %swap3A_570] {strides = array<i32>} : memref<8x1664xi32, #tpu.memory_space<vmem>>, vector<1x16xi32>,
      %swap3A_572 = vector.shape_cast %swap3A_571 : vector<1x16xi32> to vector<16xi32>
      %swap3A_573 = vector.shape_cast %add3A_567 : vector<16xi32> to vector<1x16xi32>
      tpu.vector_store %arg5[%swap3A_569, %swap3A_570], %swap3A_573 {strides = array<i32>} : memref<8x1664xi32, #tpu.memory_space<vmem>>, vector<1x16xi32>,
      %mul3A_574 = arith.constant 13 : i32
      %mul3A_575 = arith.muli %scan3A_470, %mul3A_574 : i32
      %add3A_576 = arith.constant 5 : i32
      %add3A_577 = arith.addi %mul3A_575, %add3A_576 : i32
      %mul3A_578 = arith.constant 16 : i32
      %mul3A_579 = arith.muli %add3A_577, %mul3A_578 : i32
      %get3A_580 = arith.constant 1 : i32
      %get3A_581 = arith.index_cast %get3A_580 : i32 to index
      %get3A_582 = arith.index_cast %mul3A_579 : i32 to index
      %get3A_583 = tpu.vector_load %arg5[%get3A_581, %get3A_582] {strides = array<i32>} : memref<8x1664xi32, #tpu.memory_space<vmem>>, vector<1x16xi32>,
      %get3A_584 = vector.shape_cast %get3A_583 : vector<1x16xi32> to vector<16xi32>
      %get3A_585 = arith.constant 80 : index
      %get3A_586 = tpu.vector_load %arg6[%get3A_585] {strides = array<i32>} : memref<208xi32, #tpu.memory_space<vmem>>, vector<16xi32>,
      %get3A_587 = vector.shape_cast %get3A_586 : vector<16xi32> to vector<16xi32>
      %add3A_588 = arith.addi %get3A_584, %get3A_587 : vector<16xi32>
      %swap3A_589 = arith.constant 1 : i32
      %swap3A_590 = arith.index_cast %swap3A_589 : i32 to index
      %swap3A_591 = arith.index_cast %mul3A_579 : i32 to index
      %swap3A_592 = tpu.vector_load %arg5[%swap3A_590, %swap3A_591] {strides = array<i32>} : memref<8x1664xi32, #tpu.memory_space<vmem>>, vector<1x16xi32>,
      %swap3A_593 = vector.shape_cast %swap3A_592 : vector<1x16xi32> to vector<16xi32>
      %swap3A_594 = vector.shape_cast %add3A_588 : vector<16xi32> to vector<1x16xi32>
      tpu.vector_store %arg5[%swap3A_590, %swap3A_591], %swap3A_594 {strides = array<i32>} : memref<8x1664xi32, #tpu.memory_space<vmem>>, vector<1x16xi32>,
      %mul3A_595 = arith.constant 13 : i32
      %mul3A_596 = arith.muli %scan3A_470, %mul3A_595 : i32
      %add3A_597 = arith.constant 6 : i32
      %add3A_598 = arith.addi %mul3A_596, %add3A_597 : i32
      %mul3A_599 = arith.constant 16 : i32
      %mul3A_600 = arith.muli %add3A_598, %mul3A_599 : i32
      %get3A_601 = arith.constant 1 : i32
      %get3A_602 = arith.index_cast %get3A_601 : i32 to index
      %get3A_603 = arith.index_cast %mul3A_600 : i32 to index
      %get3A_604 = tpu.vector_load %arg5[%get3A_602, %get3A_603] {strides = array<i32>} : memref<8x1664xi32, #tpu.memory_space<vmem>>, vector<1x16xi32>,
      %get3A_605 = vector.shape_cast %get3A_604 : vector<1x16xi32> to vector<16xi32>
      %get3A_606 = arith.constant 96 : index
      %get3A_607 = tpu.vector_load %arg6[%get3A_606] {strides = array<i32>} : memref<208xi32, #tpu.memory_space<vmem>>, vector<16xi32>,
      %get3A_608 = vector.shape_cast %get3A_607 : vector<16xi32> to vector<16xi32>
      %add3A_609 = arith.addi %get3A_605, %get3A_608 : vector<16xi32>
      %swap3A_610 = arith.constant 1 : i32
      %swap3A_611 = arith.index_cast %swap3A_610 : i32 to index
      %swap3A_612 = arith.index_cast %mul3A_600 : i32 to index
      %swap3A_613 = tpu.vector_load %arg5[%swap3A_611, %swap3A_612] {strides = array<i32>} : memref<8x1664xi32, #tpu.memory_space<vmem>>, vector<1x16xi32>,
      %swap3A_614 = vector.shape_cast %swap3A_613 : vector<1x16xi32> to vector<16xi32>
      %swap3A_615 = vector.shape_cast %add3A_609 : vector<16xi32> to vector<1x16xi32>
      tpu.vector_store %arg5[%swap3A_611, %swap3A_612], %swap3A_615 {strides = array<i32>} : memref<8x1664xi32, #tpu.memory_space<vmem>>, vector<1x16xi32>,
      %mul3A_616 = arith.constant 13 : i32
      %mul3A_617 = arith.muli %scan3A_470, %mul3A_616 : i32
      %add3A_618 = arith.constant 7 : i32
      %add3A_619 = arith.addi %mul3A_617, %add3A_618 : i32
      %mul3A_620 = arith.constant 16 : i32
      %mul3A_621 = arith.muli %add3A_619, %mul3A_620 : i32
      %get3A_622 = arith.constant 1 : i32
      %get3A_623 = arith.index_cast %get3A_622 : i32 to index
      %get3A_624 = arith.index_cast %mul3A_621 : i32 to index
      %get3A_625 = tpu.vector_load %arg5[%get3A_623, %get3A_624] {strides = array<i32>} : memref<8x1664xi32, #tpu.memory_space<vmem>>, vector<1x16xi32>,
      %get3A_626 = vector.shape_cast %get3A_625 : vector<1x16xi32> to vector<16xi32>
      %get3A_627 = arith.constant 112 : index
      %get3A_628 = tpu.vector_load %arg6[%get3A_627] {strides = array<i32>} : memref<208xi32, #tpu.memory_space<vmem>>, vector<16xi32>,
      %get3A_629 = vector.shape_cast %get3A_628 : vector<16xi32> to vector<16xi32>
      %add3A_630 = arith.addi %get3A_626, %get3A_629 : vector<16xi32>
      %swap3A_631 = arith.constant 1 : i32
      %swap3A_632 = arith.index_cast %swap3A_631 : i32 to index
      %swap3A_633 = arith.index_cast %mul3A_621 : i32 to index
      %swap3A_634 = tpu.vector_load %arg5[%swap3A_632, %swap3A_633] {strides = array<i32>} : memref<8x1664xi32, #tpu.memory_space<vmem>>, vector<1x16xi32>,
      %swap3A_635 = vector.shape_cast %swap3A_634 : vector<1x16xi32> to vector<16xi32>
      %swap3A_636 = vector.shape_cast %add3A_630 : vector<16xi32> to vector<1x16xi32>
      tpu.vector_store %arg5[%swap3A_632, %swap3A_633], %swap3A_636 {strides = array<i32>} : memref<8x1664xi32, #tpu.memory_space<vmem>>, vector<1x16xi32>,
      %mul3A_637 = arith.constant 13 : i32
      %mul3A_638 = arith.muli %scan3A_470, %mul3A_637 : i32
      %add3A_639 = arith.constant 8 : i32
      %add3A_640 = arith.addi %mul3A_638, %add3A_639 : i32
      %mul3A_641 = arith.constant 16 : i32
      %mul3A_642 = arith.muli %add3A_640, %mul3A_641 : i32
      %get3A_643 = arith.constant 1 : i32
      %get3A_644 = arith.index_cast %get3A_643 : i32 to index
      %get3A_645 = arith.index_cast %mul3A_642 : i32 to index
      %get3A_646 = tpu.vector_load %arg5[%get3A_644, %get3A_645] {strides = array<i32>} : memref<8x1664xi32, #tpu.memory_space<vmem>>, vector<1x16xi32>,
      %get3A_647 = vector.shape_cast %get3A_646 : vector<1x16xi32> to vector<16xi32>
      %get3A_648 = arith.constant 128 : index
      %get3A_649 = tpu.vector_load %arg6[%get3A_648] {strides = array<i32>} : memref<208xi32, #tpu.memory_space<vmem>>, vector<16xi32>,
      %get3A_650 = vector.shape_cast %get3A_649 : vector<16xi32> to vector<16xi32>
      %add3A_651 = arith.addi %get3A_647, %get3A_650 : vector<16xi32>
      %swap3A_652 = arith.constant 1 : i32
      %swap3A_653 = arith.index_cast %swap3A_652 : i32 to index
      %swap3A_654 = arith.index_cast %mul3A_642 : i32 to index
      %swap3A_655 = tpu.vector_load %arg5[%swap3A_653, %swap3A_654] {strides = array<i32>} : memref<8x1664xi32, #tpu.memory_space<vmem>>, vector<1x16xi32>,
      %swap3A_656 = vector.shape_cast %swap3A_655 : vector<1x16xi32> to vector<16xi32>
      %swap3A_657 = vector.shape_cast %add3A_651 : vector<16xi32> to vector<1x16xi32>
      tpu.vector_store %arg5[%swap3A_653, %swap3A_654], %swap3A_657 {strides = array<i32>} : memref<8x1664xi32, #tpu.memory_space<vmem>>, vector<1x16xi32>,
      %mul3A_658 = arith.constant 13 : i32
      %mul3A_659 = arith.muli %scan3A_470, %mul3A_658 : i32
      %add3A_660 = arith.constant 9 : i32
      %add3A_661 = arith.addi %mul3A_659, %add3A_660 : i32
      %mul3A_662 = arith.constant 16 : i32
      %mul3A_663 = arith.muli %add3A_661, %mul3A_662 : i32
      %get3A_664 = arith.constant 1 : i32
      %get3A_665 = arith.index_cast %get3A_664 : i32 to index
      %get3A_666 = arith.index_cast %mul3A_663 : i32 to index
      %get3A_667 = tpu.vector_load %arg5[%get3A_665, %get3A_666] {strides = array<i32>} : memref<8x1664xi32, #tpu.memory_space<vmem>>, vector<1x16xi32>,
      %get3A_668 = vector.shape_cast %get3A_667 : vector<1x16xi32> to vector<16xi32>
      %get3A_669 = arith.constant 144 : index
      %get3A_670 = tpu.vector_load %arg6[%get3A_669] {strides = array<i32>} : memref<208xi32, #tpu.memory_space<vmem>>, vector<16xi32>,
      %get3A_671 = vector.shape_cast %get3A_670 : vector<16xi32> to vector<16xi32>
      %add3A_672 = arith.addi %get3A_668, %get3A_671 : vector<16xi32>
      %swap3A_673 = arith.constant 1 : i32
      %swap3A_674 = arith.index_cast %swap3A_673 : i32 to index
      %swap3A_675 = arith.index_cast %mul3A_663 : i32 to index
      %swap3A_676 = tpu.vector_load %arg5[%swap3A_674, %swap3A_675] {strides = array<i32>} : memref<8x1664xi32, #tpu.memory_space<vmem>>, vector<1x16xi32>,
      %swap3A_677 = vector.shape_cast %swap3A_676 : vector<1x16xi32> to vector<16xi32>
      %swap3A_678 = vector.shape_cast %add3A_672 : vector<16xi32> to vector<1x16xi32>
      tpu.vector_store %arg5[%swap3A_674, %swap3A_675], %swap3A_678 {strides = array<i32>} : memref<8x1664xi32, #tpu.memory_space<vmem>>, vector<1x16xi32>,
      %mul3A_679 = arith.constant 13 : i32
      %mul3A_680 = arith.muli %scan3A_470, %mul3A_679 : i32
      %add3A_681 = arith.constant 10 : i32
      %add3A_682 = arith.addi %mul3A_680, %add3A_681 : i32
      %mul3A_683 = arith.constant 16 : i32
      %mul3A_684 = arith.muli %add3A_682, %mul3A_683 : i32
      %get3A_685 = arith.constant 1 : i32
      %get3A_686 = arith.index_cast %get3A_685 : i32 to index
      %get3A_687 = arith.index_cast %mul3A_684 : i32 to index
      %get3A_688 = tpu.vector_load %arg5[%get3A_686, %get3A_687] {strides = array<i32>} : memref<8x1664xi32, #tpu.memory_space<vmem>>, vector<1x16xi32>,
      %get3A_689 = vector.shape_cast %get3A_688 : vector<1x16xi32> to vector<16xi32>
      %get3A_690 = arith.constant 160 : index
      %get3A_691 = tpu.vector_load %arg6[%get3A_690] {strides = array<i32>} : memref<208xi32, #tpu.memory_space<vmem>>, vector<16xi32>,
      %get3A_692 = vector.shape_cast %get3A_691 : vector<16xi32> to vector<16xi32>
      %add3A_693 = arith.addi %get3A_689, %get3A_692 : vector<16xi32>
      %swap3A_694 = arith.constant 1 : i32
      %swap3A_695 = arith.index_cast %swap3A_694 : i32 to index
      %swap3A_696 = arith.index_cast %mul3A_684 : i32 to index
      %swap3A_697 = tpu.vector_load %arg5[%swap3A_695, %swap3A_696] {strides = array<i32>} : memref<8x1664xi32, #tpu.memory_space<vmem>>, vector<1x16xi32>,
      %swap3A_698 = vector.shape_cast %swap3A_697 : vector<1x16xi32> to vector<16xi32>
      %swap3A_699 = vector.shape_cast %add3A_693 : vector<16xi32> to vector<1x16xi32>
      tpu.vector_store %arg5[%swap3A_695, %swap3A_696], %swap3A_699 {strides = array<i32>} : memref<8x1664xi32, #tpu.memory_space<vmem>>, vector<1x16xi32>,
      %mul3A_700 = arith.constant 13 : i32
      %mul3A_701 = arith.muli %scan3A_470, %mul3A_700 : i32
      %add3A_702 = arith.constant 11 : i32
      %add3A_703 = arith.addi %mul3A_701, %add3A_702 : i32
      %mul3A_704 = arith.constant 16 : i32
      %mul3A_705 = arith.muli %add3A_703, %mul3A_704 : i32
      %get3A_706 = arith.constant 1 : i32
      %get3A_707 = arith.index_cast %get3A_706 : i32 to index
      %get3A_708 = arith.index_cast %mul3A_705 : i32 to index
      %get3A_709 = tpu.vector_load %arg5[%get3A_707, %get3A_708] {strides = array<i32>} : memref<8x1664xi32, #tpu.memory_space<vmem>>, vector<1x16xi32>,
      %get3A_710 = vector.shape_cast %get3A_709 : vector<1x16xi32> to vector<16xi32>
      %get3A_711 = arith.constant 176 : index
      %get3A_712 = tpu.vector_load %arg6[%get3A_711] {strides = array<i32>} : memref<208xi32, #tpu.memory_space<vmem>>, vector<16xi32>,
      %get3A_713 = vector.shape_cast %get3A_712 : vector<16xi32> to vector<16xi32>
      %add3A_714 = arith.addi %get3A_710, %get3A_713 : vector<16xi32>
      %swap3A_715 = arith.constant 1 : i32
      %swap3A_716 = arith.index_cast %swap3A_715 : i32 to index
      %swap3A_717 = arith.index_cast %mul3A_705 : i32 to index
      %swap3A_718 = tpu.vector_load %arg5[%swap3A_716, %swap3A_717] {strides = array<i32>} : memref<8x1664xi32, #tpu.memory_space<vmem>>, vector<1x16xi32>,
      %swap3A_719 = vector.shape_cast %swap3A_718 : vector<1x16xi32> to vector<16xi32>
      %swap3A_720 = vector.shape_cast %add3A_714 : vector<16xi32> to vector<1x16xi32>
      tpu.vector_store %arg5[%swap3A_716, %swap3A_717], %swap3A_720 {strides = array<i32>} : memref<8x1664xi32, #tpu.memory_space<vmem>>, vector<1x16xi32>,
      %mul3A_721 = arith.constant 13 : i32
      %mul3A_722 = arith.muli %scan3A_470, %mul3A_721 : i32
      %add3A_723 = arith.constant 12 : i32
      %add3A_724 = arith.addi %mul3A_722, %add3A_723 : i32
      %mul3A_725 = arith.constant 16 : i32
      %mul3A_726 = arith.muli %add3A_724, %mul3A_725 : i32
      %get3A_727 = arith.constant 1 : i32
      %get3A_728 = arith.index_cast %get3A_727 : i32 to index
      %get3A_729 = arith.index_cast %mul3A_726 : i32 to index
      %get3A_730 = tpu.vector_load %arg5[%get3A_728, %get3A_729] {strides = array<i32>} : memref<8x1664xi32, #tpu.memory_space<vmem>>, vector<1x16xi32>,
      %get3A_731 = vector.shape_cast %get3A_730 : vector<1x16xi32> to vector<16xi32>
      %get3A_732 = arith.constant 192 : index
      %get3A_733 = tpu.vector_load %arg6[%get3A_732] {strides = array<i32>} : memref<208xi32, #tpu.memory_space<vmem>>, vector<16xi32>,
      %get3A_734 = vector.shape_cast %get3A_733 : vector<16xi32> to vector<16xi32>
      %add3A_735 = arith.addi %get3A_731, %get3A_734 : vector<16xi32>
      %swap3A_736 = arith.constant 1 : i32
      %swap3A_737 = arith.index_cast %swap3A_736 : i32 to index
      %swap3A_738 = arith.index_cast %mul3A_726 : i32 to index
      %swap3A_739 = tpu.vector_load %arg5[%swap3A_737, %swap3A_738] {strides = array<i32>} : memref<8x1664xi32, #tpu.memory_space<vmem>>, vector<1x16xi32>,
      %swap3A_740 = vector.shape_cast %swap3A_739 : vector<1x16xi32> to vector<16xi32>
      %swap3A_741 = vector.shape_cast %add3A_735 : vector<16xi32> to vector<1x16xi32>
      tpu.vector_store %arg5[%swap3A_737, %swap3A_738], %swap3A_741 {strides = array<i32>} : memref<8x1664xi32, #tpu.memory_space<vmem>>, vector<1x16xi32>,
    }
    %scan3A_30 = arith.constant 8 : i32
    %dma_start3A_31 = arith.constant 1 : i32
    %dma_start3A_32 = arith.constant 1 : i32
    %dma_start3A_33 = arith.constant 0 : i32
    %dma_start3A_34 = arith.constant 0 : i32
    %dma_start3A_35 = tpu.memref_slice %arg7[%dma_start3A_32, %dma_start3A_33, %dma_start3A_34] : memref<2x1664x32xf32, #tpu.memory_space<vmem>> -> memref<1x1664x32xf32, #tpu.memory_space<vmem>>
    %dma_start3A_36 = tpu.memref_squeeze %dma_start3A_35 : memref<1x1664x32xf32, #tpu.memory_space<vmem>> -> memref<1664x32xf32, #tpu.memory_space<vmem>>
    %dma_start3A_37 = arith.constant 0 : i32
    %dma_start3A_38 = tpu.memref_slice %arg5[%dma_start3A_31, %dma_start3A_37] : memref<8x1664xi32, #tpu.memory_space<vmem>> -> memref<1x1664xi32, #tpu.memory_space<vmem>>
    %dma_start3A_39 = tpu.memref_squeeze %dma_start3A_38 : memref<1x1664xi32, #tpu.memory_space<vmem>> -> memref<1664xi32, #tpu.memory_space<vmem>>
    %dma_start3A_40 = arith.constant 0 : i32
    %dma_start3A_41 = arith.constant 0 : i32
    %dma_start3A_42 = tpu.memref_slice %arg3[%dma_start3A_40, %dma_start3A_41] : memref<2600000x32xf32, #tpu.memory_space<hbm>> -> memref<2600000x32xf32, #tpu.memory_space<hbm>>
    tpu.enqueue_indirect_dma source(%dma_start3A_42 : memref<2600000x32xf32, #tpu.memory_space<hbm>>) target(%dma_start3A_36 : memref<1664x32xf32, #tpu.memory_space<vmem>>) offsets(%dma_start3A_39 : memref<1664xi32, #tpu.memory_space<vmem>>) semaphore(%arg8 : memref<!tpu.dma_semaphore, #tpu.memory_space<semaphore_mem>>)
    %dma_wait3A = arith.constant 0 : i32
    %dma_wait3A_43 = arith.constant 0 : i32
    %dma_wait3A_44 = arith.constant 0 : i32
    %dma_wait3A_45 = arith.constant 0 : i32
    %dma_wait3A_46 = tpu.memref_slice %arg7[%dma_wait3A_43, %dma_wait3A_44, %dma_wait3A_45] : memref<2x1664x32xf32, #tpu.memory_space<vmem>> -> memref<1x1664x32xf32, #tpu.memory_space<vmem>>
    %dma_wait3A_47 = tpu.memref_squeeze %dma_wait3A_46 : memref<1x1664x32xf32, #tpu.memory_space<vmem>> -> memref<1664x32xf32, #tpu.memory_space<vmem>>
    %dma_wait3A_48 = arith.constant 0 : i32
    %dma_wait3A_49 = tpu.memref_slice %arg5[%dma_wait3A, %dma_wait3A_48] : memref<8x1664xi32, #tpu.memory_space<vmem>> -> memref<1x1664xi32, #tpu.memory_space<vmem>>
    %dma_wait3A_50 = tpu.memref_squeeze %dma_wait3A_49 : memref<1x1664xi32, #tpu.memory_space<vmem>> -> memref<1664xi32, #tpu.memory_space<vmem>>
    %dma_wait3A_51 = arith.constant 0 : i32
    %dma_wait3A_52 = arith.constant 0 : i32
    %dma_wait3A_53 = tpu.memref_slice %arg3[%dma_wait3A_51, %dma_wait3A_52] : memref<2600000x32xf32, #tpu.memory_space<hbm>> -> memref<2600000x32xf32, #tpu.memory_space<hbm>>
    tpu.wait_indirect_dma semaphore(%arg8 : memref<!tpu.dma_semaphore, #tpu.memory_space<semaphore_mem>>) src(%dma_wait3A_53 : memref<2600000x32xf32, #tpu.memory_space<hbm>>) dst(%dma_wait3A_47 : memref<1664x32xf32, #tpu.memory_space<vmem>>)
    %add3A_54 = arith.constant 0 : i32
    %add3A_55 = arith.addi %mul3A_2, %add3A_54 : i32
    %dma_start3A_56 = arith.constant 0 : i32
    %dma_start3A_57 = arith.constant 0 : i32
    %dma_start3A_58 = arith.constant 0 : i32
    %dma_start3A_59 = tpu.memref_slice %arg7[%dma_start3A_56, %dma_start3A_57, %dma_start3A_58] : memref<2x1664x32xf32, #tpu.memory_space<vmem>> -> memref<1x1664x32xf32, #tpu.memory_space<vmem>>
    %dma_start3A_60 = tpu.memref_squeeze %dma_start3A_59 : memref<1x1664x32xf32, #tpu.memory_space<vmem>> -> memref<1664x32xf32, #tpu.memory_space<vmem>>
    %dma_start3A_61 = arith.constant 0 : i32
    %dma_start3A_62 = tpu.memref_slice %arg4[%add3A_55, %dma_start3A_61] : memref<425984x32xf32, #tpu.memory_space<hbm>> -> memref<1664x32xf32, #tpu.memory_space<hbm>>
    %dma_start3A_63 = arith.constant 0 : i32
    %dma_start3A_64 = tpu.memref_slice %arg4[%add3A_55, %dma_start3A_63] : memref<425984x32xf32, #tpu.memory_space<hbm>> -> memref<1664x32xf32, #tpu.memory_space<hbm>>
    %dma_start3A_65 = arith.constant 0 : i32
    %dma_start3A_66 = arith.constant 0 : i32
    %dma_start3A_67 = tpu.memref_slice %arg7[%dma_start3A_56, %dma_start3A_65, %dma_start3A_66] : memref<2x1664x32xf32, #tpu.memory_space<vmem>> -> memref<1x1664x32xf32, #tpu.memory_space<vmem>>
    %dma_start3A_68 = tpu.memref_squeeze %dma_start3A_67 : memref<1x1664x32xf32, #tpu.memory_space<vmem>> -> memref<1664x32xf32, #tpu.memory_space<vmem>>
    tpu.enqueue_dma source(%dma_start3A_68 : memref<1664x32xf32, #tpu.memory_space<vmem>>) target(%dma_start3A_64 : memref<1664x32xf32, #tpu.memory_space<hbm>>) target_semaphore(%arg9 : memref<!tpu.dma_semaphore, #tpu.memory_space<semaphore_mem>>)
    %scan3A_69 = arith.constant 0 : i32
    %scan3A_70 = arith.constant 0 : i32
    %scan3A_71 = arith.constant 8 : i32
    %scan3A_72 = arith.addi %scan3A_70, %scan3A_71 : i32
    %scan3A_73 = arith.constant 1 : i32
    scf.for %scan3A_470 = %scan3A_70 to %scan3A_72 step %scan3A_73  : i32 {
      %mul3A_471 = arith.constant 13 : i32
      %mul3A_472 = arith.muli %scan3A_470, %mul3A_471 : i32
      %add3A_473 = arith.constant 0 : i32
      %add3A_474 = arith.addi %mul3A_472, %add3A_473 : i32
      %mul3A_475 = arith.constant 16 : i32
      %mul3A_476 = arith.muli %add3A_474, %mul3A_475 : i32
      %get3A = arith.constant 2 : i32
      %get3A_477 = arith.index_cast %get3A : i32 to index
      %get3A_478 = arith.index_cast %mul3A_476 : i32 to index
      %get3A_479 = tpu.vector_load %arg5[%get3A_477, %get3A_478] {strides = array<i32>} : memref<8x1664xi32, #tpu.memory_space<vmem>>, vector<1x16xi32>,
      %get3A_480 = vector.shape_cast %get3A_479 : vector<1x16xi32> to vector<16xi32>
      %get3A_481 = arith.constant 0 : index
      %get3A_482 = tpu.vector_load %arg6[%get3A_481] {strides = array<i32>} : memref<208xi32, #tpu.memory_space<vmem>>, vector<16xi32>,
      %get3A_483 = vector.shape_cast %get3A_482 : vector<16xi32> to vector<16xi32>
      %add3A_484 = arith.addi %get3A_480, %get3A_483 : vector<16xi32>
      %swap3A = arith.constant 2 : i32
      %swap3A_485 = arith.index_cast %swap3A : i32 to index
      %swap3A_486 = arith.index_cast %mul3A_476 : i32 to index
      %swap3A_487 = tpu.vector_load %arg5[%swap3A_485, %swap3A_486] {strides = array<i32>} : memref<8x1664xi32, #tpu.memory_space<vmem>>, vector<1x16xi32>,
      %swap3A_488 = vector.shape_cast %swap3A_487 : vector<1x16xi32> to vector<16xi32>
      %swap3A_489 = vector.shape_cast %add3A_484 : vector<16xi32> to vector<1x16xi32>
      tpu.vector_store %arg5[%swap3A_485, %swap3A_486], %swap3A_489 {strides = array<i32>} : memref<8x1664xi32, #tpu.memory_space<vmem>>, vector<1x16xi32>,
      %mul3A_490 = arith.constant 13 : i32
      %mul3A_491 = arith.muli %scan3A_470, %mul3A_490 : i32
      %add3A_492 = arith.constant 1 : i32
      %add3A_493 = arith.addi %mul3A_491, %add3A_492 : i32
      %mul3A_494 = arith.constant 16 : i32
      %mul3A_495 = arith.muli %add3A_493, %mul3A_494 : i32
      %get3A_496 = arith.constant 2 : i32
      %get3A_497 = arith.index_cast %get3A_496 : i32 to index
      %get3A_498 = arith.index_cast %mul3A_495 : i32 to index
      %get3A_499 = tpu.vector_load %arg5[%get3A_497, %get3A_498] {strides = array<i32>} : memref<8x1664xi32, #tpu.memory_space<vmem>>, vector<1x16xi32>,
      %get3A_500 = vector.shape_cast %get3A_499 : vector<1x16xi32> to vector<16xi32>
      %get3A_501 = arith.constant 16 : index
      %get3A_502 = tpu.vector_load %arg6[%get3A_501] {strides = array<i32>} : memref<208xi32, #tpu.memory_space<vmem>>, vector<16xi32>,
      %get3A_503 = vector.shape_cast %get3A_502 : vector<16xi32> to vector<16xi32>
      %add3A_504 = arith.addi %get3A_500, %get3A_503 : vector<16xi32>
      %swap3A_505 = arith.constant 2 : i32
      %swap3A_506 = arith.index_cast %swap3A_505 : i32 to index
      %swap3A_507 = arith.index_cast %mul3A_495 : i32 to index
      %swap3A_508 = tpu.vector_load %arg5[%swap3A_506, %swap3A_507] {strides = array<i32>} : memref<8x1664xi32, #tpu.memory_space<vmem>>, vector<1x16xi32>,
      %swap3A_509 = vector.shape_cast %swap3A_508 : vector<1x16xi32> to vector<16xi32>
      %swap3A_510 = vector.shape_cast %add3A_504 : vector<16xi32> to vector<1x16xi32>
      tpu.vector_store %arg5[%swap3A_506, %swap3A_507], %swap3A_510 {strides = array<i32>} : memref<8x1664xi32, #tpu.memory_space<vmem>>, vector<1x16xi32>,
      %mul3A_511 = arith.constant 13 : i32
      %mul3A_512 = arith.muli %scan3A_470, %mul3A_511 : i32
      %add3A_513 = arith.constant 2 : i32
      %add3A_514 = arith.addi %mul3A_512, %add3A_513 : i32
      %mul3A_515 = arith.constant 16 : i32
      %mul3A_516 = arith.muli %add3A_514, %mul3A_515 : i32
      %get3A_517 = arith.constant 2 : i32
      %get3A_518 = arith.index_cast %get3A_517 : i32 to index
      %get3A_519 = arith.index_cast %mul3A_516 : i32 to index
      %get3A_520 = tpu.vector_load %arg5[%get3A_518, %get3A_519] {strides = array<i32>} : memref<8x1664xi32, #tpu.memory_space<vmem>>, vector<1x16xi32>,
      %get3A_521 = vector.shape_cast %get3A_520 : vector<1x16xi32> to vector<16xi32>
      %get3A_522 = arith.constant 32 : index
      %get3A_523 = tpu.vector_load %arg6[%get3A_522] {strides = array<i32>} : memref<208xi32, #tpu.memory_space<vmem>>, vector<16xi32>,
      %get3A_524 = vector.shape_cast %get3A_523 : vector<16xi32> to vector<16xi32>
      %add3A_525 = arith.addi %get3A_521, %get3A_524 : vector<16xi32>
      %swap3A_526 = arith.constant 2 : i32
      %swap3A_527 = arith.index_cast %swap3A_526 : i32 to index
      %swap3A_528 = arith.index_cast %mul3A_516 : i32 to index
      %swap3A_529 = tpu.vector_load %arg5[%swap3A_527, %swap3A_528] {strides = array<i32>} : memref<8x1664xi32, #tpu.memory_space<vmem>>, vector<1x16xi32>,
      %swap3A_530 = vector.shape_cast %swap3A_529 : vector<1x16xi32> to vector<16xi32>
      %swap3A_531 = vector.shape_cast %add3A_525 : vector<16xi32> to vector<1x16xi32>
      tpu.vector_store %arg5[%swap3A_527, %swap3A_528], %swap3A_531 {strides = array<i32>} : memref<8x1664xi32, #tpu.memory_space<vmem>>, vector<1x16xi32>,
      %mul3A_532 = arith.constant 13 : i32
      %mul3A_533 = arith.muli %scan3A_470, %mul3A_532 : i32
      %add3A_534 = arith.constant 3 : i32
      %add3A_535 = arith.addi %mul3A_533, %add3A_534 : i32
      %mul3A_536 = arith.constant 16 : i32
      %mul3A_537 = arith.muli %add3A_535, %mul3A_536 : i32
      %get3A_538 = arith.constant 2 : i32
      %get3A_539 = arith.index_cast %get3A_538 : i32 to index
      %get3A_540 = arith.index_cast %mul3A_537 : i32 to index
      %get3A_541 = tpu.vector_load %arg5[%get3A_539, %get3A_540] {strides = array<i32>} : memref<8x1664xi32, #tpu.memory_space<vmem>>, vector<1x16xi32>,
      %get3A_542 = vector.shape_cast %get3A_541 : vector<1x16xi32> to vector<16xi32>
      %get3A_543 = arith.constant 48 : index
      %get3A_544 = tpu.vector_load %arg6[%get3A_543] {strides = array<i32>} : memref<208xi32, #tpu.memory_space<vmem>>, vector<16xi32>,
      %get3A_545 = vector.shape_cast %get3A_544 : vector<16xi32> to vector<16xi32>
      %add3A_546 = arith.addi %get3A_542, %get3A_545 : vector<16xi32>
      %swap3A_547 = arith.constant 2 : i32
      %swap3A_548 = arith.index_cast %swap3A_547 : i32 to index
      %swap3A_549 = arith.index_cast %mul3A_537 : i32 to index
      %swap3A_550 = tpu.vector_load %arg5[%swap3A_548, %swap3A_549] {strides = array<i32>} : memref<8x1664xi32, #tpu.memory_space<vmem>>, vector<1x16xi32>,
      %swap3A_551 = vector.shape_cast %swap3A_550 : vector<1x16xi32> to vector<16xi32>
      %swap3A_552 = vector.shape_cast %add3A_546 : vector<16xi32> to vector<1x16xi32>
      tpu.vector_store %arg5[%swap3A_548, %swap3A_549], %swap3A_552 {strides = array<i32>} : memref<8x1664xi32, #tpu.memory_space<vmem>>, vector<1x16xi32>,
      %mul3A_553 = arith.constant 13 : i32
      %mul3A_554 = arith.muli %scan3A_470, %mul3A_553 : i32
      %add3A_555 = arith.constant 4 : i32
      %add3A_556 = arith.addi %mul3A_554, %add3A_555 : i32
      %mul3A_557 = arith.constant 16 : i32
      %mul3A_558 = arith.muli %add3A_556, %mul3A_557 : i32
      %get3A_559 = arith.constant 2 : i32
      %get3A_560 = arith.index_cast %get3A_559 : i32 to index
      %get3A_561 = arith.index_cast %mul3A_558 : i32 to index
      %get3A_562 = tpu.vector_load %arg5[%get3A_560, %get3A_561] {strides = array<i32>} : memref<8x1664xi32, #tpu.memory_space<vmem>>, vector<1x16xi32>,
      %get3A_563 = vector.shape_cast %get3A_562 : vector<1x16xi32> to vector<16xi32>
      %get3A_564 = arith.constant 64 : index
      %get3A_565 = tpu.vector_load %arg6[%get3A_564] {strides = array<i32>} : memref<208xi32, #tpu.memory_space<vmem>>, vector<16xi32>,
      %get3A_566 = vector.shape_cast %get3A_565 : vector<16xi32> to vector<16xi32>
      %add3A_567 = arith.addi %get3A_563, %get3A_566 : vector<16xi32>
      %swap3A_568 = arith.constant 2 : i32
      %swap3A_569 = arith.index_cast %swap3A_568 : i32 to index
      %swap3A_570 = arith.index_cast %mul3A_558 : i32 to index
      %swap3A_571 = tpu.vector_load %arg5[%swap3A_569, %swap3A_570] {strides = array<i32>} : memref<8x1664xi32, #tpu.memory_space<vmem>>, vector<1x16xi32>,
      %swap3A_572 = vector.shape_cast %swap3A_571 : vector<1x16xi32> to vector<16xi32>
      %swap3A_573 = vector.shape_cast %add3A_567 : vector<16xi32> to vector<1x16xi32>
      tpu.vector_store %arg5[%swap3A_569, %swap3A_570], %swap3A_573 {strides = array<i32>} : memref<8x1664xi32, #tpu.memory_space<vmem>>, vector<1x16xi32>,
      %mul3A_574 = arith.constant 13 : i32
      %mul3A_575 = arith.muli %scan3A_470, %mul3A_574 : i32
      %add3A_576 = arith.constant 5 : i32
      %add3A_577 = arith.addi %mul3A_575, %add3A_576 : i32
      %mul3A_578 = arith.constant 16 : i32
      %mul3A_579 = arith.muli %add3A_577, %mul3A_578 : i32
      %get3A_580 = arith.constant 2 : i32
      %get3A_581 = arith.index_cast %get3A_580 : i32 to index
      %get3A_582 = arith.index_cast %mul3A_579 : i32 to index
      %get3A_583 = tpu.vector_load %arg5[%get3A_581, %get3A_582] {strides = array<i32>} : memref<8x1664xi32, #tpu.memory_space<vmem>>, vector<1x16xi32>,
      %get3A_584 = vector.shape_cast %get3A_583 : vector<1x16xi32> to vector<16xi32>
      %get3A_585 = arith.constant 80 : index
      %get3A_586 = tpu.vector_load %arg6[%get3A_585] {strides = array<i32>} : memref<208xi32, #tpu.memory_space<vmem>>, vector<16xi32>,
      %get3A_587 = vector.shape_cast %get3A_586 : vector<16xi32> to vector<16xi32>
      %add3A_588 = arith.addi %get3A_584, %get3A_587 : vector<16xi32>
      %swap3A_589 = arith.constant 2 : i32
      %swap3A_590 = arith.index_cast %swap3A_589 : i32 to index
      %swap3A_591 = arith.index_cast %mul3A_579 : i32 to index
      %swap3A_592 = tpu.vector_load %arg5[%swap3A_590, %swap3A_591] {strides = array<i32>} : memref<8x1664xi32, #tpu.memory_space<vmem>>, vector<1x16xi32>,
      %swap3A_593 = vector.shape_cast %swap3A_592 : vector<1x16xi32> to vector<16xi32>
      %swap3A_594 = vector.shape_cast %add3A_588 : vector<16xi32> to vector<1x16xi32>
      tpu.vector_store %arg5[%swap3A_590, %swap3A_591], %swap3A_594 {strides = array<i32>} : memref<8x1664xi32, #tpu.memory_space<vmem>>, vector<1x16xi32>,
      %mul3A_595 = arith.constant 13 : i32
      %mul3A_596 = arith.muli %scan3A_470, %mul3A_595 : i32
      %add3A_597 = arith.constant 6 : i32
      %add3A_598 = arith.addi %mul3A_596, %add3A_597 : i32
      %mul3A_599 = arith.constant 16 : i32
      %mul3A_600 = arith.muli %add3A_598, %mul3A_599 : i32
      %get3A_601 = arith.constant 2 : i32
      %get3A_602 = arith.index_cast %get3A_601 : i32 to index
      %get3A_603 = arith.index_cast %mul3A_600 : i32 to index
      %get3A_604 = tpu.vector_load %arg5[%get3A_602, %get3A_603] {strides = array<i32>} : memref<8x1664xi32, #tpu.memory_space<vmem>>, vector<1x16xi32>,
      %get3A_605 = vector.shape_cast %get3A_604 : vector<1x16xi32> to vector<16xi32>
      %get3A_606 = arith.constant 96 : index
      %get3A_607 = tpu.vector_load %arg6[%get3A_606] {strides = array<i32>} : memref<208xi32, #tpu.memory_space<vmem>>, vector<16xi32>,
      %get3A_608 = vector.shape_cast %get3A_607 : vector<16xi32> to vector<16xi32>
      %add3A_609 = arith.addi %get3A_605, %get3A_608 : vector<16xi32>
      %swap3A_610 = arith.constant 2 : i32
      %swap3A_611 = arith.index_cast %swap3A_610 : i32 to index
      %swap3A_612 = arith.index_cast %mul3A_600 : i32 to index
      %swap3A_613 = tpu.vector_load %arg5[%swap3A_611, %swap3A_612] {strides = array<i32>} : memref<8x1664xi32, #tpu.memory_space<vmem>>, vector<1x16xi32>,
      %swap3A_614 = vector.shape_cast %swap3A_613 : vector<1x16xi32> to vector<16xi32>
      %swap3A_615 = vector.shape_cast %add3A_609 : vector<16xi32> to vector<1x16xi32>
      tpu.vector_store %arg5[%swap3A_611, %swap3A_612], %swap3A_615 {strides = array<i32>} : memref<8x1664xi32, #tpu.memory_space<vmem>>, vector<1x16xi32>,
      %mul3A_616 = arith.constant 13 : i32
      %mul3A_617 = arith.muli %scan3A_470, %mul3A_616 : i32
      %add3A_618 = arith.constant 7 : i32
      %add3A_619 = arith.addi %mul3A_617, %add3A_618 : i32
      %mul3A_620 = arith.constant 16 : i32
      %mul3A_621 = arith.muli %add3A_619, %mul3A_620 : i32
      %get3A_622 = arith.constant 2 : i32
      %get3A_623 = arith.index_cast %get3A_622 : i32 to index
      %get3A_624 = arith.index_cast %mul3A_621 : i32 to index
      %get3A_625 = tpu.vector_load %arg5[%get3A_623, %get3A_624] {strides = array<i32>} : memref<8x1664xi32, #tpu.memory_space<vmem>>, vector<1x16xi32>,
      %get3A_626 = vector.shape_cast %get3A_625 : vector<1x16xi32> to vector<16xi32>
      %get3A_627 = arith.constant 112 : index
      %get3A_628 = tpu.vector_load %arg6[%get3A_627] {strides = array<i32>} : memref<208xi32, #tpu.memory_space<vmem>>, vector<16xi32>,
      %get3A_629 = vector.shape_cast %get3A_628 : vector<16xi32> to vector<16xi32>
      %add3A_630 = arith.addi %get3A_626, %get3A_629 : vector<16xi32>
      %swap3A_631 = arith.constant 2 : i32
      %swap3A_632 = arith.index_cast %swap3A_631 : i32 to index
      %swap3A_633 = arith.index_cast %mul3A_621 : i32 to index
      %swap3A_634 = tpu.vector_load %arg5[%swap3A_632, %swap3A_633] {strides = array<i32>} : memref<8x1664xi32, #tpu.memory_space<vmem>>, vector<1x16xi32>,
      %swap3A_635 = vector.shape_cast %swap3A_634 : vector<1x16xi32> to vector<16xi32>
      %swap3A_636 = vector.shape_cast %add3A_630 : vector<16xi32> to vector<1x16xi32>
      tpu.vector_store %arg5[%swap3A_632, %swap3A_633], %swap3A_636 {strides = array<i32>} : memref<8x1664xi32, #tpu.memory_space<vmem>>, vector<1x16xi32>,
      %mul3A_637 = arith.constant 13 : i32
      %mul3A_638 = arith.muli %scan3A_470, %mul3A_637 : i32
      %add3A_639 = arith.constant 8 : i32
      %add3A_640 = arith.addi %mul3A_638, %add3A_639 : i32
      %mul3A_641 = arith.constant 16 : i32
      %mul3A_642 = arith.muli %add3A_640, %mul3A_641 : i32
      %get3A_643 = arith.constant 2 : i32
      %get3A_644 = arith.index_cast %get3A_643 : i32 to index
      %get3A_645 = arith.index_cast %mul3A_642 : i32 to index
      %get3A_646 = tpu.vector_load %arg5[%get3A_644, %get3A_645] {strides = array<i32>} : memref<8x1664xi32, #tpu.memory_space<vmem>>, vector<1x16xi32>,
      %get3A_647 = vector.shape_cast %get3A_646 : vector<1x16xi32> to vector<16xi32>
      %get3A_648 = arith.constant 128 : index
      %get3A_649 = tpu.vector_load %arg6[%get3A_648] {strides = array<i32>} : memref<208xi32, #tpu.memory_space<vmem>>, vector<16xi32>,
      %get3A_650 = vector.shape_cast %get3A_649 : vector<16xi32> to vector<16xi32>
      %add3A_651 = arith.addi %get3A_647, %get3A_650 : vector<16xi32>
      %swap3A_652 = arith.constant 2 : i32
      %swap3A_653 = arith.index_cast %swap3A_652 : i32 to index
      %swap3A_654 = arith.index_cast %mul3A_642 : i32 to index
      %swap3A_655 = tpu.vector_load %arg5[%swap3A_653, %swap3A_654] {strides = array<i32>} : memref<8x1664xi32, #tpu.memory_space<vmem>>, vector<1x16xi32>,
      %swap3A_656 = vector.shape_cast %swap3A_655 : vector<1x16xi32> to vector<16xi32>
      %swap3A_657 = vector.shape_cast %add3A_651 : vector<16xi32> to vector<1x16xi32>
      tpu.vector_store %arg5[%swap3A_653, %swap3A_654], %swap3A_657 {strides = array<i32>} : memref<8x1664xi32, #tpu.memory_space<vmem>>, vector<1x16xi32>,
      %mul3A_658 = arith.constant 13 : i32
      %mul3A_659 = arith.muli %scan3A_470, %mul3A_658 : i32
      %add3A_660 = arith.constant 9 : i32
      %add3A_661 = arith.addi %mul3A_659, %add3A_660 : i32
      %mul3A_662 = arith.constant 16 : i32
      %mul3A_663 = arith.muli %add3A_661, %mul3A_662 : i32
      %get3A_664 = arith.constant 2 : i32
      %get3A_665 = arith.index_cast %get3A_664 : i32 to index
      %get3A_666 = arith.index_cast %mul3A_663 : i32 to index
      %get3A_667 = tpu.vector_load %arg5[%get3A_665, %get3A_666] {strides = array<i32>} : memref<8x1664xi32, #tpu.memory_space<vmem>>, vector<1x16xi32>,
      %get3A_668 = vector.shape_cast %get3A_667 : vector<1x16xi32> to vector<16xi32>
      %get3A_669 = arith.constant 144 : index
      %get3A_670 = tpu.vector_load %arg6[%get3A_669] {strides = array<i32>} : memref<208xi32, #tpu.memory_space<vmem>>, vector<16xi32>,
      %get3A_671 = vector.shape_cast %get3A_670 : vector<16xi32> to vector<16xi32>
      %add3A_672 = arith.addi %get3A_668, %get3A_671 : vector<16xi32>
      %swap3A_673 = arith.constant 2 : i32
      %swap3A_674 = arith.index_cast %swap3A_673 : i32 to index
      %swap3A_675 = arith.index_cast %mul3A_663 : i32 to index
      %swap3A_676 = tpu.vector_load %arg5[%swap3A_674, %swap3A_675] {strides = array<i32>} : memref<8x1664xi32, #tpu.memory_space<vmem>>, vector<1x16xi32>,
      %swap3A_677 = vector.shape_cast %swap3A_676 : vector<1x16xi32> to vector<16xi32>
      %swap3A_678 = vector.shape_cast %add3A_672 : vector<16xi32> to vector<1x16xi32>
      tpu.vector_store %arg5[%swap3A_674, %swap3A_675], %swap3A_678 {strides = array<i32>} : memref<8x1664xi32, #tpu.memory_space<vmem>>, vector<1x16xi32>,
      %mul3A_679 = arith.constant 13 : i32
      %mul3A_680 = arith.muli %scan3A_470, %mul3A_679 : i32
      %add3A_681 = arith.constant 10 : i32
      %add3A_682 = arith.addi %mul3A_680, %add3A_681 : i32
      %mul3A_683 = arith.constant 16 : i32
      %mul3A_684 = arith.muli %add3A_682, %mul3A_683 : i32
      %get3A_685 = arith.constant 2 : i32
      %get3A_686 = arith.index_cast %get3A_685 : i32 to index
      %get3A_687 = arith.index_cast %mul3A_684 : i32 to index
      %get3A_688 = tpu.vector_load %arg5[%get3A_686, %get3A_687] {strides = array<i32>} : memref<8x1664xi32, #tpu.memory_space<vmem>>, vector<1x16xi32>,
      %get3A_689 = vector.shape_cast %get3A_688 : vector<1x16xi32> to vector<16xi32>
      %get3A_690 = arith.constant 160 : index
      %get3A_691 = tpu.vector_load %arg6[%get3A_690] {strides = array<i32>} : memref<208xi32, #tpu.memory_space<vmem>>, vector<16xi32>,
      %get3A_692 = vector.shape_cast %get3A_691 : vector<16xi32> to vector<16xi32>
      %add3A_693 = arith.addi %get3A_689, %get3A_692 : vector<16xi32>
      %swap3A_694 = arith.constant 2 : i32
      %swap3A_695 = arith.index_cast %swap3A_694 : i32 to index
      %swap3A_696 = arith.index_cast %mul3A_684 : i32 to index
      %swap3A_697 = tpu.vector_load %arg5[%swap3A_695, %swap3A_696] {strides = array<i32>} : memref<8x1664xi32, #tpu.memory_space<vmem>>, vector<1x16xi32>,
      %swap3A_698 = vector.shape_cast %swap3A_697 : vector<1x16xi32> to vector<16xi32>
      %swap3A_699 = vector.shape_cast %add3A_693 : vector<16xi32> to vector<1x16xi32>
      tpu.vector_store %arg5[%swap3A_695, %swap3A_696], %swap3A_699 {strides = array<i32>} : memref<8x1664xi32, #tpu.memory_space<vmem>>, vector<1x16xi32>,
      %mul3A_700 = arith.constant 13 : i32
      %mul3A_701 = arith.muli %scan3A_470, %mul3A_700 : i32
      %add3A_702 = arith.constant 11 : i32
      %add3A_703 = arith.addi %mul3A_701, %add3A_702 : i32
      %mul3A_704 = arith.constant 16 : i32
      %mul3A_705 = arith.muli %add3A_703, %mul3A_704 : i32
      %get3A_706 = arith.constant 2 : i32
      %get3A_707 = arith.index_cast %get3A_706 : i32 to index
      %get3A_708 = arith.index_cast %mul3A_705 : i32 to index
      %get3A_709 = tpu.vector_load %arg5[%get3A_707, %get3A_708] {strides = array<i32>} : memref<8x1664xi32, #tpu.memory_space<vmem>>, vector<1x16xi32>,
      %get3A_710 = vector.shape_cast %get3A_709 : vector<1x16xi32> to vector<16xi32>
      %get3A_711 = arith.constant 176 : index
      %get3A_712 = tpu.vector_load %arg6[%get3A_711] {strides = array<i32>} : memref<208xi32, #tpu.memory_space<vmem>>, vector<16xi32>,
      %get3A_713 = vector.shape_cast %get3A_712 : vector<16xi32> to vector<16xi32>
      %add3A_714 = arith.addi %get3A_710, %get3A_713 : vector<16xi32>
      %swap3A_715 = arith.constant 2 : i32
      %swap3A_716 = arith.index_cast %swap3A_715 : i32 to index
      %swap3A_717 = arith.index_cast %mul3A_705 : i32 to index
      %swap3A_718 = tpu.vector_load %arg5[%swap3A_716, %swap3A_717] {strides = array<i32>} : memref<8x1664xi32, #tpu.memory_space<vmem>>, vector<1x16xi32>,
      %swap3A_719 = vector.shape_cast %swap3A_718 : vector<1x16xi32> to vector<16xi32>
      %swap3A_720 = vector.shape_cast %add3A_714 : vector<16xi32> to vector<1x16xi32>
      tpu.vector_store %arg5[%swap3A_716, %swap3A_717], %swap3A_720 {strides = array<i32>} : memref<8x1664xi32, #tpu.memory_space<vmem>>, vector<1x16xi32>,
      %mul3A_721 = arith.constant 13 : i32
      %mul3A_722 = arith.muli %scan3A_470, %mul3A_721 : i32
      %add3A_723 = arith.constant 12 : i32
      %add3A_724 = arith.addi %mul3A_722, %add3A_723 : i32
      %mul3A_725 = arith.constant 16 : i32
      %mul3A_726 = arith.muli %add3A_724, %mul3A_725 : i32
      %get3A_727 = arith.constant 2 : i32
      %get3A_728 = arith.index_cast %get3A_727 : i32 to index
      %get3A_729 = arith.index_cast %mul3A_726 : i32 to index
      %get3A_730 = tpu.vector_load %arg5[%get3A_728, %get3A_729] {strides = array<i32>} : memref<8x1664xi32, #tpu.memory_space<vmem>>, vector<1x16xi32>,
      %get3A_731 = vector.shape_cast %get3A_730 : vector<1x16xi32> to vector<16xi32>
      %get3A_732 = arith.constant 192 : index
      %get3A_733 = tpu.vector_load %arg6[%get3A_732] {strides = array<i32>} : memref<208xi32, #tpu.memory_space<vmem>>, vector<16xi32>,
      %get3A_734 = vector.shape_cast %get3A_733 : vector<16xi32> to vector<16xi32>
      %add3A_735 = arith.addi %get3A_731, %get3A_734 : vector<16xi32>
      %swap3A_736 = arith.constant 2 : i32
      %swap3A_737 = arith.index_cast %swap3A_736 : i32 to index
      %swap3A_738 = arith.index_cast %mul3A_726 : i32 to index
      %swap3A_739 = tpu.vector_load %arg5[%swap3A_737, %swap3A_738] {strides = array<i32>} : memref<8x1664xi32, #tpu.memory_space<vmem>>, vector<1x16xi32>,
      %swap3A_740 = vector.shape_cast %swap3A_739 : vector<1x16xi32> to vector<16xi32>
      %swap3A_741 = vector.shape_cast %add3A_735 : vector<16xi32> to vector<1x16xi32>
      tpu.vector_store %arg5[%swap3A_737, %swap3A_738], %swap3A_741 {strides = array<i32>} : memref<8x1664xi32, #tpu.memory_space<vmem>>, vector<1x16xi32>,
    }
    %scan3A_74 = arith.constant 8 : i32
    %dma_wait3A_75 = arith.constant 0 : i32
    %dma_wait3A_76 = arith.constant 0 : i32
    %dma_wait3A_77 = arith.constant 0 : i32
    %dma_wait3A_78 = tpu.memref_slice %arg7[%dma_wait3A_75, %dma_wait3A_76, %dma_wait3A_77] : memref<2x1664x32xf32, #tpu.memory_space<vmem>> -> memref<1x1664x32xf32, #tpu.memory_space<vmem>>
    %dma_wait3A_79 = tpu.memref_squeeze %dma_wait3A_78 : memref<1x1664x32xf32, #tpu.memory_space<vmem>> -> memref<1664x32xf32, #tpu.memory_space<vmem>>
    %dma_wait3A_80 = arith.constant 0 : i32
    %dma_wait3A_81 = tpu.memref_slice %arg4[%add3A_55, %dma_wait3A_80] : memref<425984x32xf32, #tpu.memory_space<hbm>> -> memref<1664x32xf32, #tpu.memory_space<hbm>>
    %dma_wait3A_82 = arith.constant 0 : i32
    %dma_wait3A_83 = tpu.memref_slice %arg4[%add3A_55, %dma_wait3A_82] : memref<425984x32xf32, #tpu.memory_space<hbm>> -> memref<1664x32xf32, #tpu.memory_space<hbm>>
    %dma_wait3A_84 = arith.constant 0 : i32
    %dma_wait3A_85 = arith.constant 0 : i32
    %dma_wait3A_86 = tpu.memref_slice %arg7[%dma_wait3A_75, %dma_wait3A_84, %dma_wait3A_85] : memref<2x1664x32xf32, #tpu.memory_space<vmem>> -> memref<1x1664x32xf32, #tpu.memory_space<vmem>>
    %dma_wait3A_87 = tpu.memref_squeeze %dma_wait3A_86 : memref<1x1664x32xf32, #tpu.memory_space<vmem>> -> memref<1664x32xf32, #tpu.memory_space<vmem>>
    tpu.wait_dma2 semaphore(%arg9 : memref<!tpu.dma_semaphore, #tpu.memory_space<semaphore_mem>>) src(%dma_wait3A_87 : memref<1664x32xf32, #tpu.memory_space<vmem>>) dst(%dma_wait3A_83 : memref<1664x32xf32, #tpu.memory_space<hbm>>)
    %dma_start3A_88 = arith.constant 2 : i32
    %dma_start3A_89 = arith.constant 0 : i32
    %dma_start3A_90 = arith.constant 0 : i32
    %dma_start3A_91 = arith.constant 0 : i32
    %dma_start3A_92 = tpu.memref_slice %arg7[%dma_start3A_89, %dma_start3A_90, %dma_start3A_91] : memref<2x1664x32xf32, #tpu.memory_space<vmem>> -> memref<1x1664x32xf32, #tpu.memory_space<vmem>>
    %dma_start3A_93 = tpu.memref_squeeze %dma_start3A_92 : memref<1x1664x32xf32, #tpu.memory_space<vmem>> -> memref<1664x32xf32, #tpu.memory_space<vmem>>
    %dma_start3A_94 = arith.constant 0 : i32
    %dma_start3A_95 = tpu.memref_slice %arg5[%dma_start3A_88, %dma_start3A_94] : memref<8x1664xi32, #tpu.memory_space<vmem>> -> memref<1x1664xi32, #tpu.memory_space<vmem>>
    %dma_start3A_96 = tpu.memref_squeeze %dma_start3A_95 : memref<1x1664xi32, #tpu.memory_space<vmem>> -> memref<1664xi32, #tpu.memory_space<vmem>>
    %dma_start3A_97 = arith.constant 0 : i32
    %dma_start3A_98 = arith.constant 0 : i32
    %dma_start3A_99 = tpu.memref_slice %arg3[%dma_start3A_97, %dma_start3A_98] : memref<2600000x32xf32, #tpu.memory_space<hbm>> -> memref<2600000x32xf32, #tpu.memory_space<hbm>>
    tpu.enqueue_indirect_dma source(%dma_start3A_99 : memref<2600000x32xf32, #tpu.memory_space<hbm>>) target(%dma_start3A_93 : memref<1664x32xf32, #tpu.memory_space<vmem>>) offsets(%dma_start3A_96 : memref<1664xi32, #tpu.memory_space<vmem>>) semaphore(%arg8 : memref<!tpu.dma_semaphore, #tpu.memory_space<semaphore_mem>>)
    %dma_wait3A_100 = arith.constant 1 : i32
    %dma_wait3A_101 = arith.constant 1 : i32
    %dma_wait3A_102 = arith.constant 0 : i32
    %dma_wait3A_103 = arith.constant 0 : i32
    %dma_wait3A_104 = tpu.memref_slice %arg7[%dma_wait3A_101, %dma_wait3A_102, %dma_wait3A_103] : memref<2x1664x32xf32, #tpu.memory_space<vmem>> -> memref<1x1664x32xf32, #tpu.memory_space<vmem>>
    %dma_wait3A_105 = tpu.memref_squeeze %dma_wait3A_104 : memref<1x1664x32xf32, #tpu.memory_space<vmem>> -> memref<1664x32xf32, #tpu.memory_space<vmem>>
    %dma_wait3A_106 = arith.constant 0 : i32
    %dma_wait3A_107 = tpu.memref_slice %arg5[%dma_wait3A_100, %dma_wait3A_106] : memref<8x1664xi32, #tpu.memory_space<vmem>> -> memref<1x1664xi32, #tpu.memory_space<vmem>>
    %dma_wait3A_108 = tpu.memref_squeeze %dma_wait3A_107 : memref<1x1664xi32, #tpu.memory_space<vmem>> -> memref<1664xi32, #tpu.memory_space<vmem>>
    %dma_wait3A_109 = arith.constant 0 : i32
    %dma_wait3A_110 = arith.constant 0 : i32
    %dma_wait3A_111 = tpu.memref_slice %arg3[%dma_wait3A_109, %dma_wait3A_110] : memref<2600000x32xf32, #tpu.memory_space<hbm>> -> memref<2600000x32xf32, #tpu.memory_space<hbm>>
    tpu.wait_indirect_dma semaphore(%arg8 : memref<!tpu.dma_semaphore, #tpu.memory_space<semaphore_mem>>) src(%dma_wait3A_111 : memref<2600000x32xf32, #tpu.memory_space<hbm>>) dst(%dma_wait3A_105 : memref<1664x32xf32, #tpu.memory_space<vmem>>)
    %add3A_112 = arith.constant 1664 : i32
    %add3A_113 = arith.addi %mul3A_2, %add3A_112 : i32
    %dma_start3A_114 = arith.constant 1 : i32
    %dma_start3A_115 = arith.constant 0 : i32
    %dma_start3A_116 = arith.constant 0 : i32
    %dma_start3A_117 = tpu.memref_slice %arg7[%dma_start3A_114, %dma_start3A_115, %dma_start3A_116] : memref<2x1664x32xf32, #tpu.memory_space<vmem>> -> memref<1x1664x32xf32, #tpu.memory_space<vmem>>
    %dma_start3A_118 = tpu.memref_squeeze %dma_start3A_117 : memref<1x1664x32xf32, #tpu.memory_space<vmem>> -> memref<1664x32xf32, #tpu.memory_space<vmem>>
    %dma_start3A_119 = arith.constant 0 : i32
    %dma_start3A_120 = tpu.memref_slice %arg4[%add3A_113, %dma_start3A_119] : memref<425984x32xf32, #tpu.memory_space<hbm>> -> memref<1664x32xf32, #tpu.memory_space<hbm>>
    %dma_start3A_121 = arith.constant 0 : i32
    %dma_start3A_122 = tpu.memref_slice %arg4[%add3A_113, %dma_start3A_121] : memref<425984x32xf32, #tpu.memory_space<hbm>> -> memref<1664x32xf32, #tpu.memory_space<hbm>>
    %dma_start3A_123 = arith.constant 0 : i32
    %dma_start3A_124 = arith.constant 0 : i32
    %dma_start3A_125 = tpu.memref_slice %arg7[%dma_start3A_114, %dma_start3A_123, %dma_start3A_124] : memref<2x1664x32xf32, #tpu.memory_space<vmem>> -> memref<1x1664x32xf32, #tpu.memory_space<vmem>>
    %dma_start3A_126 = tpu.memref_squeeze %dma_start3A_125 : memref<1x1664x32xf32, #tpu.memory_space<vmem>> -> memref<1664x32xf32, #tpu.memory_space<vmem>>
    tpu.enqueue_dma source(%dma_start3A_126 : memref<1664x32xf32, #tpu.memory_space<vmem>>) target(%dma_start3A_122 : memref<1664x32xf32, #tpu.memory_space<hbm>>) target_semaphore(%arg9 : memref<!tpu.dma_semaphore, #tpu.memory_space<semaphore_mem>>)
    %scan3A_127 = arith.constant 0 : i32
    %scan3A_128 = arith.constant 0 : i32
    %scan3A_129 = arith.constant 8 : i32
    %scan3A_130 = arith.addi %scan3A_128, %scan3A_129 : i32
    %scan3A_131 = arith.constant 1 : i32
    scf.for %scan3A_470 = %scan3A_128 to %scan3A_130 step %scan3A_131  : i32 {
      %mul3A_471 = arith.constant 13 : i32
      %mul3A_472 = arith.muli %scan3A_470, %mul3A_471 : i32
      %add3A_473 = arith.constant 0 : i32
      %add3A_474 = arith.addi %mul3A_472, %add3A_473 : i32
      %mul3A_475 = arith.constant 16 : i32
      %mul3A_476 = arith.muli %add3A_474, %mul3A_475 : i32
      %get3A = arith.constant 3 : i32
      %get3A_477 = arith.index_cast %get3A : i32 to index
      %get3A_478 = arith.index_cast %mul3A_476 : i32 to index
      %get3A_479 = tpu.vector_load %arg5[%get3A_477, %get3A_478] {strides = array<i32>} : memref<8x1664xi32, #tpu.memory_space<vmem>>, vector<1x16xi32>,
      %get3A_480 = vector.shape_cast %get3A_479 : vector<1x16xi32> to vector<16xi32>
      %get3A_481 = arith.constant 0 : index
      %get3A_482 = tpu.vector_load %arg6[%get3A_481] {strides = array<i32>} : memref<208xi32, #tpu.memory_space<vmem>>, vector<16xi32>,
      %get3A_483 = vector.shape_cast %get3A_482 : vector<16xi32> to vector<16xi32>
      %add3A_484 = arith.addi %get3A_480, %get3A_483 : vector<16xi32>
      %swap3A = arith.constant 3 : i32
      %swap3A_485 = arith.index_cast %swap3A : i32 to index
      %swap3A_486 = arith.index_cast %mul3A_476 : i32 to index
      %swap3A_487 = tpu.vector_load %arg5[%swap3A_485, %swap3A_486] {strides = array<i32>} : memref<8x1664xi32, #tpu.memory_space<vmem>>, vector<1x16xi32>,
      %swap3A_488 = vector.shape_cast %swap3A_487 : vector<1x16xi32> to vector<16xi32>
      %swap3A_489 = vector.shape_cast %add3A_484 : vector<16xi32> to vector<1x16xi32>
      tpu.vector_store %arg5[%swap3A_485, %swap3A_486], %swap3A_489 {strides = array<i32>} : memref<8x1664xi32, #tpu.memory_space<vmem>>, vector<1x16xi32>,
      %mul3A_490 = arith.constant 13 : i32
      %mul3A_491 = arith.muli %scan3A_470, %mul3A_490 : i32
      %add3A_492 = arith.constant 1 : i32
      %add3A_493 = arith.addi %mul3A_491, %add3A_492 : i32
      %mul3A_494 = arith.constant 16 : i32
      %mul3A_495 = arith.muli %add3A_493, %mul3A_494 : i32
      %get3A_496 = arith.constant 3 : i32
      %get3A_497 = arith.index_cast %get3A_496 : i32 to index
      %get3A_498 = arith.index_cast %mul3A_495 : i32 to index
      %get3A_499 = tpu.vector_load %arg5[%get3A_497, %get3A_498] {strides = array<i32>} : memref<8x1664xi32, #tpu.memory_space<vmem>>, vector<1x16xi32>,
      %get3A_500 = vector.shape_cast %get3A_499 : vector<1x16xi32> to vector<16xi32>
      %get3A_501 = arith.constant 16 : index
      %get3A_502 = tpu.vector_load %arg6[%get3A_501] {strides = array<i32>} : memref<208xi32, #tpu.memory_space<vmem>>, vector<16xi32>,
      %get3A_503 = vector.shape_cast %get3A_502 : vector<16xi32> to vector<16xi32>
      %add3A_504 = arith.addi %get3A_500, %get3A_503 : vector<16xi32>
      %swap3A_505 = arith.constant 3 : i32
      %swap3A_506 = arith.index_cast %swap3A_505 : i32 to index
      %swap3A_507 = arith.index_cast %mul3A_495 : i32 to index
      %swap3A_508 = tpu.vector_load %arg5[%swap3A_506, %swap3A_507] {strides = array<i32>} : memref<8x1664xi32, #tpu.memory_space<vmem>>, vector<1x16xi32>,
      %swap3A_509 = vector.shape_cast %swap3A_508 : vector<1x16xi32> to vector<16xi32>
      %swap3A_510 = vector.shape_cast %add3A_504 : vector<16xi32> to vector<1x16xi32>
      tpu.vector_store %arg5[%swap3A_506, %swap3A_507], %swap3A_510 {strides = array<i32>} : memref<8x1664xi32, #tpu.memory_space<vmem>>, vector<1x16xi32>,
      %mul3A_511 = arith.constant 13 : i32
      %mul3A_512 = arith.muli %scan3A_470, %mul3A_511 : i32
      %add3A_513 = arith.constant 2 : i32
      %add3A_514 = arith.addi %mul3A_512, %add3A_513 : i32
      %mul3A_515 = arith.constant 16 : i32
      %mul3A_516 = arith.muli %add3A_514, %mul3A_515 : i32
      %get3A_517 = arith.constant 3 : i32
      %get3A_518 = arith.index_cast %get3A_517 : i32 to index
      %get3A_519 = arith.index_cast %mul3A_516 : i32 to index
      %get3A_520 = tpu.vector_load %arg5[%get3A_518, %get3A_519] {strides = array<i32>} : memref<8x1664xi32, #tpu.memory_space<vmem>>, vector<1x16xi32>,
      %get3A_521 = vector.shape_cast %get3A_520 : vector<1x16xi32> to vector<16xi32>
      %get3A_522 = arith.constant 32 : index
      %get3A_523 = tpu.vector_load %arg6[%get3A_522] {strides = array<i32>} : memref<208xi32, #tpu.memory_space<vmem>>, vector<16xi32>,
      %get3A_524 = vector.shape_cast %get3A_523 : vector<16xi32> to vector<16xi32>
      %add3A_525 = arith.addi %get3A_521, %get3A_524 : vector<16xi32>
      %swap3A_526 = arith.constant 3 : i32
      %swap3A_527 = arith.index_cast %swap3A_526 : i32 to index
      %swap3A_528 = arith.index_cast %mul3A_516 : i32 to index
      %swap3A_529 = tpu.vector_load %arg5[%swap3A_527, %swap3A_528] {strides = array<i32>} : memref<8x1664xi32, #tpu.memory_space<vmem>>, vector<1x16xi32>,
      %swap3A_530 = vector.shape_cast %swap3A_529 : vector<1x16xi32> to vector<16xi32>
      %swap3A_531 = vector.shape_cast %add3A_525 : vector<16xi32> to vector<1x16xi32>
      tpu.vector_store %arg5[%swap3A_527, %swap3A_528], %swap3A_531 {strides = array<i32>} : memref<8x1664xi32, #tpu.memory_space<vmem>>, vector<1x16xi32>,
      %mul3A_532 = arith.constant 13 : i32
      %mul3A_533 = arith.muli %scan3A_470, %mul3A_532 : i32
      %add3A_534 = arith.constant 3 : i32
      %add3A_535 = arith.addi %mul3A_533, %add3A_534 : i32
      %mul3A_536 = arith.constant 16 : i32
      %mul3A_537 = arith.muli %add3A_535, %mul3A_536 : i32
      %get3A_538 = arith.constant 3 : i32
      %get3A_539 = arith.index_cast %get3A_538 : i32 to index
      %get3A_540 = arith.index_cast %mul3A_537 : i32 to index
      %get3A_541 = tpu.vector_load %arg5[%get3A_539, %get3A_540] {strides = array<i32>} : memref<8x1664xi32, #tpu.memory_space<vmem>>, vector<1x16xi32>,
      %get3A_542 = vector.shape_cast %get3A_541 : vector<1x16xi32> to vector<16xi32>
      %get3A_543 = arith.constant 48 : index
      %get3A_544 = tpu.vector_load %arg6[%get3A_543] {strides = array<i32>} : memref<208xi32, #tpu.memory_space<vmem>>, vector<16xi32>,
      %get3A_545 = vector.shape_cast %get3A_544 : vector<16xi32> to vector<16xi32>
      %add3A_546 = arith.addi %get3A_542, %get3A_545 : vector<16xi32>
      %swap3A_547 = arith.constant 3 : i32
      %swap3A_548 = arith.index_cast %swap3A_547 : i32 to index
      %swap3A_549 = arith.index_cast %mul3A_537 : i32 to index
      %swap3A_550 = tpu.vector_load %arg5[%swap3A_548, %swap3A_549] {strides = array<i32>} : memref<8x1664xi32, #tpu.memory_space<vmem>>, vector<1x16xi32>,
      %swap3A_551 = vector.shape_cast %swap3A_550 : vector<1x16xi32> to vector<16xi32>
      %swap3A_552 = vector.shape_cast %add3A_546 : vector<16xi32> to vector<1x16xi32>
      tpu.vector_store %arg5[%swap3A_548, %swap3A_549], %swap3A_552 {strides = array<i32>} : memref<8x1664xi32, #tpu.memory_space<vmem>>, vector<1x16xi32>,
      %mul3A_553 = arith.constant 13 : i32
      %mul3A_554 = arith.muli %scan3A_470, %mul3A_553 : i32
      %add3A_555 = arith.constant 4 : i32
      %add3A_556 = arith.addi %mul3A_554, %add3A_555 : i32
      %mul3A_557 = arith.constant 16 : i32
      %mul3A_558 = arith.muli %add3A_556, %mul3A_557 : i32
      %get3A_559 = arith.constant 3 : i32
      %get3A_560 = arith.index_cast %get3A_559 : i32 to index
      %get3A_561 = arith.index_cast %mul3A_558 : i32 to index
      %get3A_562 = tpu.vector_load %arg5[%get3A_560, %get3A_561] {strides = array<i32>} : memref<8x1664xi32, #tpu.memory_space<vmem>>, vector<1x16xi32>,
      %get3A_563 = vector.shape_cast %get3A_562 : vector<1x16xi32> to vector<16xi32>
      %get3A_564 = arith.constant 64 : index
      %get3A_565 = tpu.vector_load %arg6[%get3A_564] {strides = array<i32>} : memref<208xi32, #tpu.memory_space<vmem>>, vector<16xi32>,
      %get3A_566 = vector.shape_cast %get3A_565 : vector<16xi32> to vector<16xi32>
      %add3A_567 = arith.addi %get3A_563, %get3A_566 : vector<16xi32>
      %swap3A_568 = arith.constant 3 : i32
      %swap3A_569 = arith.index_cast %swap3A_568 : i32 to index
      %swap3A_570 = arith.index_cast %mul3A_558 : i32 to index
      %swap3A_571 = tpu.vector_load %arg5[%swap3A_569, %swap3A_570] {strides = array<i32>} : memref<8x1664xi32, #tpu.memory_space<vmem>>, vector<1x16xi32>,
      %swap3A_572 = vector.shape_cast %swap3A_571 : vector<1x16xi32> to vector<16xi32>
      %swap3A_573 = vector.shape_cast %add3A_567 : vector<16xi32> to vector<1x16xi32>
      tpu.vector_store %arg5[%swap3A_569, %swap3A_570], %swap3A_573 {strides = array<i32>} : memref<8x1664xi32, #tpu.memory_space<vmem>>, vector<1x16xi32>,
      %mul3A_574 = arith.constant 13 : i32
      %mul3A_575 = arith.muli %scan3A_470, %mul3A_574 : i32
      %add3A_576 = arith.constant 5 : i32
      %add3A_577 = arith.addi %mul3A_575, %add3A_576 : i32
      %mul3A_578 = arith.constant 16 : i32
      %mul3A_579 = arith.muli %add3A_577, %mul3A_578 : i32
      %get3A_580 = arith.constant 3 : i32
      %get3A_581 = arith.index_cast %get3A_580 : i32 to index
      %get3A_582 = arith.index_cast %mul3A_579 : i32 to index
      %get3A_583 = tpu.vector_load %arg5[%get3A_581, %get3A_582] {strides = array<i32>} : memref<8x1664xi32, #tpu.memory_space<vmem>>, vector<1x16xi32>,
      %get3A_584 = vector.shape_cast %get3A_583 : vector<1x16xi32> to vector<16xi32>
      %get3A_585 = arith.constant 80 : index
      %get3A_586 = tpu.vector_load %arg6[%get3A_585] {strides = array<i32>} : memref<208xi32, #tpu.memory_space<vmem>>, vector<16xi32>,
      %get3A_587 = vector.shape_cast %get3A_586 : vector<16xi32> to vector<16xi32>
      %add3A_588 = arith.addi %get3A_584, %get3A_587 : vector<16xi32>
      %swap3A_589 = arith.constant 3 : i32
      %swap3A_590 = arith.index_cast %swap3A_589 : i32 to index
      %swap3A_591 = arith.index_cast %mul3A_579 : i32 to index
      %swap3A_592 = tpu.vector_load %arg5[%swap3A_590, %swap3A_591] {strides = array<i32>} : memref<8x1664xi32, #tpu.memory_space<vmem>>, vector<1x16xi32>,
      %swap3A_593 = vector.shape_cast %swap3A_592 : vector<1x16xi32> to vector<16xi32>
      %swap3A_594 = vector.shape_cast %add3A_588 : vector<16xi32> to vector<1x16xi32>
      tpu.vector_store %arg5[%swap3A_590, %swap3A_591], %swap3A_594 {strides = array<i32>} : memref<8x1664xi32, #tpu.memory_space<vmem>>, vector<1x16xi32>,
      %mul3A_595 = arith.constant 13 : i32
      %mul3A_596 = arith.muli %scan3A_470, %mul3A_595 : i32
      %add3A_597 = arith.constant 6 : i32
      %add3A_598 = arith.addi %mul3A_596, %add3A_597 : i32
      %mul3A_599 = arith.constant 16 : i32
      %mul3A_600 = arith.muli %add3A_598, %mul3A_599 : i32
      %get3A_601 = arith.constant 3 : i32
      %get3A_602 = arith.index_cast %get3A_601 : i32 to index
      %get3A_603 = arith.index_cast %mul3A_600 : i32 to index
      %get3A_604 = tpu.vector_load %arg5[%get3A_602, %get3A_603] {strides = array<i32>} : memref<8x1664xi32, #tpu.memory_space<vmem>>, vector<1x16xi32>,
      %get3A_605 = vector.shape_cast %get3A_604 : vector<1x16xi32> to vector<16xi32>
      %get3A_606 = arith.constant 96 : index
      %get3A_607 = tpu.vector_load %arg6[%get3A_606] {strides = array<i32>} : memref<208xi32, #tpu.memory_space<vmem>>, vector<16xi32>,
      %get3A_608 = vector.shape_cast %get3A_607 : vector<16xi32> to vector<16xi32>
      %add3A_609 = arith.addi %get3A_605, %get3A_608 : vector<16xi32>
      %swap3A_610 = arith.constant 3 : i32
      %swap3A_611 = arith.index_cast %swap3A_610 : i32 to index
      %swap3A_612 = arith.index_cast %mul3A_600 : i32 to index
      %swap3A_613 = tpu.vector_load %arg5[%swap3A_611, %swap3A_612] {strides = array<i32>} : memref<8x1664xi32, #tpu.memory_space<vmem>>, vector<1x16xi32>,
      %swap3A_614 = vector.shape_cast %swap3A_613 : vector<1x16xi32> to vector<16xi32>
      %swap3A_615 = vector.shape_cast %add3A_609 : vector<16xi32> to vector<1x16xi32>
      tpu.vector_store %arg5[%swap3A_611, %swap3A_612], %swap3A_615 {strides = array<i32>} : memref<8x1664xi32, #tpu.memory_space<vmem>>, vector<1x16xi32>,
      %mul3A_616 = arith.constant 13 : i32
      %mul3A_617 = arith.muli %scan3A_470, %mul3A_616 : i32
      %add3A_618 = arith.constant 7 : i32
      %add3A_619 = arith.addi %mul3A_617, %add3A_618 : i32
      %mul3A_620 = arith.constant 16 : i32
      %mul3A_621 = arith.muli %add3A_619, %mul3A_620 : i32
      %get3A_622 = arith.constant 3 : i32
      %get3A_623 = arith.index_cast %get3A_622 : i32 to index
      %get3A_624 = arith.index_cast %mul3A_621 : i32 to index
      %get3A_625 = tpu.vector_load %arg5[%get3A_623, %get3A_624] {strides = array<i32>} : memref<8x1664xi32, #tpu.memory_space<vmem>>, vector<1x16xi32>,
      %get3A_626 = vector.shape_cast %get3A_625 : vector<1x16xi32> to vector<16xi32>
      %get3A_627 = arith.constant 112 : index
      %get3A_628 = tpu.vector_load %arg6[%get3A_627] {strides = array<i32>} : memref<208xi32, #tpu.memory_space<vmem>>, vector<16xi32>,
      %get3A_629 = vector.shape_cast %get3A_628 : vector<16xi32> to vector<16xi32>
      %add3A_630 = arith.addi %get3A_626, %get3A_629 : vector<16xi32>
      %swap3A_631 = arith.constant 3 : i32
      %swap3A_632 = arith.index_cast %swap3A_631 : i32 to index
      %swap3A_633 = arith.index_cast %mul3A_621 : i32 to index
      %swap3A_634 = tpu.vector_load %arg5[%swap3A_632, %swap3A_633] {strides = array<i32>} : memref<8x1664xi32, #tpu.memory_space<vmem>>, vector<1x16xi32>,
      %swap3A_635 = vector.shape_cast %swap3A_634 : vector<1x16xi32> to vector<16xi32>
      %swap3A_636 = vector.shape_cast %add3A_630 : vector<16xi32> to vector<1x16xi32>
      tpu.vector_store %arg5[%swap3A_632, %swap3A_633], %swap3A_636 {strides = array<i32>} : memref<8x1664xi32, #tpu.memory_space<vmem>>, vector<1x16xi32>,
      %mul3A_637 = arith.constant 13 : i32
      %mul3A_638 = arith.muli %scan3A_470, %mul3A_637 : i32
      %add3A_639 = arith.constant 8 : i32
      %add3A_640 = arith.addi %mul3A_638, %add3A_639 : i32
      %mul3A_641 = arith.constant 16 : i32
      %mul3A_642 = arith.muli %add3A_640, %mul3A_641 : i32
      %get3A_643 = arith.constant 3 : i32
      %get3A_644 = arith.index_cast %get3A_643 : i32 to index
      %get3A_645 = arith.index_cast %mul3A_642 : i32 to index
      %get3A_646 = tpu.vector_load %arg5[%get3A_644, %get3A_645] {strides = array<i32>} : memref<8x1664xi32, #tpu.memory_space<vmem>>, vector<1x16xi32>,
      %get3A_647 = vector.shape_cast %get3A_646 : vector<1x16xi32> to vector<16xi32>
      %get3A_648 = arith.constant 128 : index
      %get3A_649 = tpu.vector_load %arg6[%get3A_648] {strides = array<i32>} : memref<208xi32, #tpu.memory_space<vmem>>, vector<16xi32>,
      %get3A_650 = vector.shape_cast %get3A_649 : vector<16xi32> to vector<16xi32>
      %add3A_651 = arith.addi %get3A_647, %get3A_650 : vector<16xi32>
      %swap3A_652 = arith.constant 3 : i32
      %swap3A_653 = arith.index_cast %swap3A_652 : i32 to index
      %swap3A_654 = arith.index_cast %mul3A_642 : i32 to index
      %swap3A_655 = tpu.vector_load %arg5[%swap3A_653, %swap3A_654] {strides = array<i32>} : memref<8x1664xi32, #tpu.memory_space<vmem>>, vector<1x16xi32>,
      %swap3A_656 = vector.shape_cast %swap3A_655 : vector<1x16xi32> to vector<16xi32>
      %swap3A_657 = vector.shape_cast %add3A_651 : vector<16xi32> to vector<1x16xi32>
      tpu.vector_store %arg5[%swap3A_653, %swap3A_654], %swap3A_657 {strides = array<i32>} : memref<8x1664xi32, #tpu.memory_space<vmem>>, vector<1x16xi32>,
      %mul3A_658 = arith.constant 13 : i32
      %mul3A_659 = arith.muli %scan3A_470, %mul3A_658 : i32
      %add3A_660 = arith.constant 9 : i32
      %add3A_661 = arith.addi %mul3A_659, %add3A_660 : i32
      %mul3A_662 = arith.constant 16 : i32
      %mul3A_663 = arith.muli %add3A_661, %mul3A_662 : i32
      %get3A_664 = arith.constant 3 : i32
      %get3A_665 = arith.index_cast %get3A_664 : i32 to index
      %get3A_666 = arith.index_cast %mul3A_663 : i32 to index
      %get3A_667 = tpu.vector_load %arg5[%get3A_665, %get3A_666] {strides = array<i32>} : memref<8x1664xi32, #tpu.memory_space<vmem>>, vector<1x16xi32>,
      %get3A_668 = vector.shape_cast %get3A_667 : vector<1x16xi32> to vector<16xi32>
      %get3A_669 = arith.constant 144 : index
      %get3A_670 = tpu.vector_load %arg6[%get3A_669] {strides = array<i32>} : memref<208xi32, #tpu.memory_space<vmem>>, vector<16xi32>,
      %get3A_671 = vector.shape_cast %get3A_670 : vector<16xi32> to vector<16xi32>
      %add3A_672 = arith.addi %get3A_668, %get3A_671 : vector<16xi32>
      %swap3A_673 = arith.constant 3 : i32
      %swap3A_674 = arith.index_cast %swap3A_673 : i32 to index
      %swap3A_675 = arith.index_cast %mul3A_663 : i32 to index
      %swap3A_676 = tpu.vector_load %arg5[%swap3A_674, %swap3A_675] {strides = array<i32>} : memref<8x1664xi32, #tpu.memory_space<vmem>>, vector<1x16xi32>,
      %swap3A_677 = vector.shape_cast %swap3A_676 : vector<1x16xi32> to vector<16xi32>
      %swap3A_678 = vector.shape_cast %add3A_672 : vector<16xi32> to vector<1x16xi32>
      tpu.vector_store %arg5[%swap3A_674, %swap3A_675], %swap3A_678 {strides = array<i32>} : memref<8x1664xi32, #tpu.memory_space<vmem>>, vector<1x16xi32>,
      %mul3A_679 = arith.constant 13 : i32
      %mul3A_680 = arith.muli %scan3A_470, %mul3A_679 : i32
      %add3A_681 = arith.constant 10 : i32
      %add3A_682 = arith.addi %mul3A_680, %add3A_681 : i32
      %mul3A_683 = arith.constant 16 : i32
      %mul3A_684 = arith.muli %add3A_682, %mul3A_683 : i32
      %get3A_685 = arith.constant 3 : i32
      %get3A_686 = arith.index_cast %get3A_685 : i32 to index
      %get3A_687 = arith.index_cast %mul3A_684 : i32 to index
      %get3A_688 = tpu.vector_load %arg5[%get3A_686, %get3A_687] {strides = array<i32>} : memref<8x1664xi32, #tpu.memory_space<vmem>>, vector<1x16xi32>,
      %get3A_689 = vector.shape_cast %get3A_688 : vector<1x16xi32> to vector<16xi32>
      %get3A_690 = arith.constant 160 : index
      %get3A_691 = tpu.vector_load %arg6[%get3A_690] {strides = array<i32>} : memref<208xi32, #tpu.memory_space<vmem>>, vector<16xi32>,
      %get3A_692 = vector.shape_cast %get3A_691 : vector<16xi32> to vector<16xi32>
      %add3A_693 = arith.addi %get3A_689, %get3A_692 : vector<16xi32>
      %swap3A_694 = arith.constant 3 : i32
      %swap3A_695 = arith.index_cast %swap3A_694 : i32 to index
      %swap3A_696 = arith.index_cast %mul3A_684 : i32 to index
      %swap3A_697 = tpu.vector_load %arg5[%swap3A_695, %swap3A_696] {strides = array<i32>} : memref<8x1664xi32, #tpu.memory_space<vmem>>, vector<1x16xi32>,
      %swap3A_698 = vector.shape_cast %swap3A_697 : vector<1x16xi32> to vector<16xi32>
      %swap3A_699 = vector.shape_cast %add3A_693 : vector<16xi32> to vector<1x16xi32>
      tpu.vector_store %arg5[%swap3A_695, %swap3A_696], %swap3A_699 {strides = array<i32>} : memref<8x1664xi32, #tpu.memory_space<vmem>>, vector<1x16xi32>,
      %mul3A_700 = arith.constant 13 : i32
      %mul3A_701 = arith.muli %scan3A_470, %mul3A_700 : i32
      %add3A_702 = arith.constant 11 : i32
      %add3A_703 = arith.addi %mul3A_701, %add3A_702 : i32
      %mul3A_704 = arith.constant 16 : i32
      %mul3A_705 = arith.muli %add3A_703, %mul3A_704 : i32
      %get3A_706 = arith.constant 3 : i32
      %get3A_707 = arith.index_cast %get3A_706 : i32 to index
      %get3A_708 = arith.index_cast %mul3A_705 : i32 to index
      %get3A_709 = tpu.vector_load %arg5[%get3A_707, %get3A_708] {strides = array<i32>} : memref<8x1664xi32, #tpu.memory_space<vmem>>, vector<1x16xi32>,
      %get3A_710 = vector.shape_cast %get3A_709 : vector<1x16xi32> to vector<16xi32>
      %get3A_711 = arith.constant 176 : index
      %get3A_712 = tpu.vector_load %arg6[%get3A_711] {strides = array<i32>} : memref<208xi32, #tpu.memory_space<vmem>>, vector<16xi32>,
      %get3A_713 = vector.shape_cast %get3A_712 : vector<16xi32> to vector<16xi32>
      %add3A_714 = arith.addi %get3A_710, %get3A_713 : vector<16xi32>
      %swap3A_715 = arith.constant 3 : i32
      %swap3A_716 = arith.index_cast %swap3A_715 : i32 to index
      %swap3A_717 = arith.index_cast %mul3A_705 : i32 to index
      %swap3A_718 = tpu.vector_load %arg5[%swap3A_716, %swap3A_717] {strides = array<i32>} : memref<8x1664xi32, #tpu.memory_space<vmem>>, vector<1x16xi32>,
      %swap3A_719 = vector.shape_cast %swap3A_718 : vector<1x16xi32> to vector<16xi32>
      %swap3A_720 = vector.shape_cast %add3A_714 : vector<16xi32> to vector<1x16xi32>
      tpu.vector_store %arg5[%swap3A_716, %swap3A_717], %swap3A_720 {strides = array<i32>} : memref<8x1664xi32, #tpu.memory_space<vmem>>, vector<1x16xi32>,
      %mul3A_721 = arith.constant 13 : i32
      %mul3A_722 = arith.muli %scan3A_470, %mul3A_721 : i32
      %add3A_723 = arith.constant 12 : i32
      %add3A_724 = arith.addi %mul3A_722, %add3A_723 : i32
      %mul3A_725 = arith.constant 16 : i32
      %mul3A_726 = arith.muli %add3A_724, %mul3A_725 : i32
      %get3A_727 = arith.constant 3 : i32
      %get3A_728 = arith.index_cast %get3A_727 : i32 to index
      %get3A_729 = arith.index_cast %mul3A_726 : i32 to index
      %get3A_730 = tpu.vector_load %arg5[%get3A_728, %get3A_729] {strides = array<i32>} : memref<8x1664xi32, #tpu.memory_space<vmem>>, vector<1x16xi32>,
      %get3A_731 = vector.shape_cast %get3A_730 : vector<1x16xi32> to vector<16xi32>
      %get3A_732 = arith.constant 192 : index
      %get3A_733 = tpu.vector_load %arg6[%get3A_732] {strides = array<i32>} : memref<208xi32, #tpu.memory_space<vmem>>, vector<16xi32>,
      %get3A_734 = vector.shape_cast %get3A_733 : vector<16xi32> to vector<16xi32>
      %add3A_735 = arith.addi %get3A_731, %get3A_734 : vector<16xi32>
      %swap3A_736 = arith.constant 3 : i32
      %swap3A_737 = arith.index_cast %swap3A_736 : i32 to index
      %swap3A_738 = arith.index_cast %mul3A_726 : i32 to index
      %swap3A_739 = tpu.vector_load %arg5[%swap3A_737, %swap3A_738] {strides = array<i32>} : memref<8x1664xi32, #tpu.memory_space<vmem>>, vector<1x16xi32>,
      %swap3A_740 = vector.shape_cast %swap3A_739 : vector<1x16xi32> to vector<16xi32>
      %swap3A_741 = vector.shape_cast %add3A_735 : vector<16xi32> to vector<1x16xi32>
      tpu.vector_store %arg5[%swap3A_737, %swap3A_738], %swap3A_741 {strides = array<i32>} : memref<8x1664xi32, #tpu.memory_space<vmem>>, vector<1x16xi32>,
    }
    %scan3A_132 = arith.constant 8 : i32
    %dma_wait3A_133 = arith.constant 1 : i32
    %dma_wait3A_134 = arith.constant 0 : i32
    %dma_wait3A_135 = arith.constant 0 : i32
    %dma_wait3A_136 = tpu.memref_slice %arg7[%dma_wait3A_133, %dma_wait3A_134, %dma_wait3A_135] : memref<2x1664x32xf32, #tpu.memory_space<vmem>> -> memref<1x1664x32xf32, #tpu.memory_space<vmem>>
    %dma_wait3A_137 = tpu.memref_squeeze %dma_wait3A_136 : memref<1x1664x32xf32, #tpu.memory_space<vmem>> -> memref<1664x32xf32, #tpu.memory_space<vmem>>
    %dma_wait3A_138 = arith.constant 0 : i32
    %dma_wait3A_139 = tpu.memref_slice %arg4[%add3A_113, %dma_wait3A_138] : memref<425984x32xf32, #tpu.memory_space<hbm>> -> memref<1664x32xf32, #tpu.memory_space<hbm>>
    %dma_wait3A_140 = arith.constant 0 : i32
    %dma_wait3A_141 = tpu.memref_slice %arg4[%add3A_113, %dma_wait3A_140] : memref<425984x32xf32, #tpu.memory_space<hbm>> -> memref<1664x32xf32, #tpu.memory_space<hbm>>
    %dma_wait3A_142 = arith.constant 0 : i32
    %dma_wait3A_143 = arith.constant 0 : i32
    %dma_wait3A_144 = tpu.memref_slice %arg7[%dma_wait3A_133, %dma_wait3A_142, %dma_wait3A_143] : memref<2x1664x32xf32, #tpu.memory_space<vmem>> -> memref<1x1664x32xf32, #tpu.memory_space<vmem>>
    %dma_wait3A_145 = tpu.memref_squeeze %dma_wait3A_144 : memref<1x1664x32xf32, #tpu.memory_space<vmem>> -> memref<1664x32xf32, #tpu.memory_space<vmem>>
    tpu.wait_dma2 semaphore(%arg9 : memref<!tpu.dma_semaphore, #tpu.memory_space<semaphore_mem>>) src(%dma_wait3A_145 : memref<1664x32xf32, #tpu.memory_space<vmem>>) dst(%dma_wait3A_141 : memref<1664x32xf32, #tpu.memory_space<hbm>>)
    %dma_start3A_146 = arith.constant 3 : i32
    %dma_start3A_147 = arith.constant 1 : i32
    %dma_start3A_148 = arith.constant 0 : i32
    %dma_start3A_149 = arith.constant 0 : i32
    %dma_start3A_150 = tpu.memref_slice %arg7[%dma_start3A_147, %dma_start3A_148, %dma_start3A_149] : memref<2x1664x32xf32, #tpu.memory_space<vmem>> -> memref<1x1664x32xf32, #tpu.memory_space<vmem>>
    %dma_start3A_151 = tpu.memref_squeeze %dma_start3A_150 : memref<1x1664x32xf32, #tpu.memory_space<vmem>> -> memref<1664x32xf32, #tpu.memory_space<vmem>>
    %dma_start3A_152 = arith.constant 0 : i32
    %dma_start3A_153 = tpu.memref_slice %arg5[%dma_start3A_146, %dma_start3A_152] : memref<8x1664xi32, #tpu.memory_space<vmem>> -> memref<1x1664xi32, #tpu.memory_space<vmem>>
    %dma_start3A_154 = tpu.memref_squeeze %dma_start3A_153 : memref<1x1664xi32, #tpu.memory_space<vmem>> -> memref<1664xi32, #tpu.memory_space<vmem>>
    %dma_start3A_155 = arith.constant 0 : i32
    %dma_start3A_156 = arith.constant 0 : i32
    %dma_start3A_157 = tpu.memref_slice %arg3[%dma_start3A_155, %dma_start3A_156] : memref<2600000x32xf32, #tpu.memory_space<hbm>> -> memref<2600000x32xf32, #tpu.memory_space<hbm>>
    tpu.enqueue_indirect_dma source(%dma_start3A_157 : memref<2600000x32xf32, #tpu.memory_space<hbm>>) target(%dma_start3A_151 : memref<1664x32xf32, #tpu.memory_space<vmem>>) offsets(%dma_start3A_154 : memref<1664xi32, #tpu.memory_space<vmem>>) semaphore(%arg8 : memref<!tpu.dma_semaphore, #tpu.memory_space<semaphore_mem>>)
    %dma_wait3A_158 = arith.constant 2 : i32
    %dma_wait3A_159 = arith.constant 0 : i32
    %dma_wait3A_160 = arith.constant 0 : i32
    %dma_wait3A_161 = arith.constant 0 : i32
    %dma_wait3A_162 = tpu.memref_slice %arg7[%dma_wait3A_159, %dma_wait3A_160, %dma_wait3A_161] : memref<2x1664x32xf32, #tpu.memory_space<vmem>> -> memref<1x1664x32xf32, #tpu.memory_space<vmem>>
    %dma_wait3A_163 = tpu.memref_squeeze %dma_wait3A_162 : memref<1x1664x32xf32, #tpu.memory_space<vmem>> -> memref<1664x32xf32, #tpu.memory_space<vmem>>
    %dma_wait3A_164 = arith.constant 0 : i32
    %dma_wait3A_165 = tpu.memref_slice %arg5[%dma_wait3A_158, %dma_wait3A_164] : memref<8x1664xi32, #tpu.memory_space<vmem>> -> memref<1x1664xi32, #tpu.memory_space<vmem>>
    %dma_wait3A_166 = tpu.memref_squeeze %dma_wait3A_165 : memref<1x1664xi32, #tpu.memory_space<vmem>> -> memref<1664xi32, #tpu.memory_space<vmem>>
    %dma_wait3A_167 = arith.constant 0 : i32
    %dma_wait3A_168 = arith.constant 0 : i32
    %dma_wait3A_169 = tpu.memref_slice %arg3[%dma_wait3A_167, %dma_wait3A_168] : memref<2600000x32xf32, #tpu.memory_space<hbm>> -> memref<2600000x32xf32, #tpu.memory_space<hbm>>
    tpu.wait_indirect_dma semaphore(%arg8 : memref<!tpu.dma_semaphore, #tpu.memory_space<semaphore_mem>>) src(%dma_wait3A_169 : memref<2600000x32xf32, #tpu.memory_space<hbm>>) dst(%dma_wait3A_163 : memref<1664x32xf32, #tpu.memory_space<vmem>>)
    %add3A_170 = arith.constant 3328 : i32
    %add3A_171 = arith.addi %mul3A_2, %add3A_170 : i32
    %dma_start3A_172 = arith.constant 0 : i32
    %dma_start3A_173 = arith.constant 0 : i32
    %dma_start3A_174 = arith.constant 0 : i32
    %dma_start3A_175 = tpu.memref_slice %arg7[%dma_start3A_172, %dma_start3A_173, %dma_start3A_174] : memref<2x1664x32xf32, #tpu.memory_space<vmem>> -> memref<1x1664x32xf32, #tpu.memory_space<vmem>>
    %dma_start3A_176 = tpu.memref_squeeze %dma_start3A_175 : memref<1x1664x32xf32, #tpu.memory_space<vmem>> -> memref<1664x32xf32, #tpu.memory_space<vmem>>
    %dma_start3A_177 = arith.constant 0 : i32
    %dma_start3A_178 = tpu.memref_slice %arg4[%add3A_171, %dma_start3A_177] : memref<425984x32xf32, #tpu.memory_space<hbm>> -> memref<1664x32xf32, #tpu.memory_space<hbm>>
    %dma_start3A_179 = arith.constant 0 : i32
    %dma_start3A_180 = tpu.memref_slice %arg4[%add3A_171, %dma_start3A_179] : memref<425984x32xf32, #tpu.memory_space<hbm>> -> memref<1664x32xf32, #tpu.memory_space<hbm>>
    %dma_start3A_181 = arith.constant 0 : i32
    %dma_start3A_182 = arith.constant 0 : i32
    %dma_start3A_183 = tpu.memref_slice %arg7[%dma_start3A_172, %dma_start3A_181, %dma_start3A_182] : memref<2x1664x32xf32, #tpu.memory_space<vmem>> -> memref<1x1664x32xf32, #tpu.memory_space<vmem>>
    %dma_start3A_184 = tpu.memref_squeeze %dma_start3A_183 : memref<1x1664x32xf32, #tpu.memory_space<vmem>> -> memref<1664x32xf32, #tpu.memory_space<vmem>>
    tpu.enqueue_dma source(%dma_start3A_184 : memref<1664x32xf32, #tpu.memory_space<vmem>>) target(%dma_start3A_180 : memref<1664x32xf32, #tpu.memory_space<hbm>>) target_semaphore(%arg9 : memref<!tpu.dma_semaphore, #tpu.memory_space<semaphore_mem>>)
    %scan3A_185 = arith.constant 0 : i32
    %scan3A_186 = arith.constant 0 : i32
    %scan3A_187 = arith.constant 8 : i32
    %scan3A_188 = arith.addi %scan3A_186, %scan3A_187 : i32
    %scan3A_189 = arith.constant 1 : i32
    scf.for %scan3A_470 = %scan3A_186 to %scan3A_188 step %scan3A_189  : i32 {
      %mul3A_471 = arith.constant 13 : i32
      %mul3A_472 = arith.muli %scan3A_470, %mul3A_471 : i32
      %add3A_473 = arith.constant 0 : i32
      %add3A_474 = arith.addi %mul3A_472, %add3A_473 : i32
      %mul3A_475 = arith.constant 16 : i32
      %mul3A_476 = arith.muli %add3A_474, %mul3A_475 : i32
      %get3A = arith.constant 4 : i32
      %get3A_477 = arith.index_cast %get3A : i32 to index
      %get3A_478 = arith.index_cast %mul3A_476 : i32 to index
      %get3A_479 = tpu.vector_load %arg5[%get3A_477, %get3A_478] {strides = array<i32>} : memref<8x1664xi32, #tpu.memory_space<vmem>>, vector<1x16xi32>,
      %get3A_480 = vector.shape_cast %get3A_479 : vector<1x16xi32> to vector<16xi32>
      %get3A_481 = arith.constant 0 : index
      %get3A_482 = tpu.vector_load %arg6[%get3A_481] {strides = array<i32>} : memref<208xi32, #tpu.memory_space<vmem>>, vector<16xi32>,
      %get3A_483 = vector.shape_cast %get3A_482 : vector<16xi32> to vector<16xi32>
      %add3A_484 = arith.addi %get3A_480, %get3A_483 : vector<16xi32>
      %swap3A = arith.constant 4 : i32
      %swap3A_485 = arith.index_cast %swap3A : i32 to index
      %swap3A_486 = arith.index_cast %mul3A_476 : i32 to index
      %swap3A_487 = tpu.vector_load %arg5[%swap3A_485, %swap3A_486] {strides = array<i32>} : memref<8x1664xi32, #tpu.memory_space<vmem>>, vector<1x16xi32>,
      %swap3A_488 = vector.shape_cast %swap3A_487 : vector<1x16xi32> to vector<16xi32>
      %swap3A_489 = vector.shape_cast %add3A_484 : vector<16xi32> to vector<1x16xi32>
      tpu.vector_store %arg5[%swap3A_485, %swap3A_486], %swap3A_489 {strides = array<i32>} : memref<8x1664xi32, #tpu.memory_space<vmem>>, vector<1x16xi32>,
      %mul3A_490 = arith.constant 13 : i32
      %mul3A_491 = arith.muli %scan3A_470, %mul3A_490 : i32
      %add3A_492 = arith.constant 1 : i32
      %add3A_493 = arith.addi %mul3A_491, %add3A_492 : i32
      %mul3A_494 = arith.constant 16 : i32
      %mul3A_495 = arith.muli %add3A_493, %mul3A_494 : i32
      %get3A_496 = arith.constant 4 : i32
      %get3A_497 = arith.index_cast %get3A_496 : i32 to index
      %get3A_498 = arith.index_cast %mul3A_495 : i32 to index
      %get3A_499 = tpu.vector_load %arg5[%get3A_497, %get3A_498] {strides = array<i32>} : memref<8x1664xi32, #tpu.memory_space<vmem>>, vector<1x16xi32>,
      %get3A_500 = vector.shape_cast %get3A_499 : vector<1x16xi32> to vector<16xi32>
      %get3A_501 = arith.constant 16 : index
      %get3A_502 = tpu.vector_load %arg6[%get3A_501] {strides = array<i32>} : memref<208xi32, #tpu.memory_space<vmem>>, vector<16xi32>,
      %get3A_503 = vector.shape_cast %get3A_502 : vector<16xi32> to vector<16xi32>
      %add3A_504 = arith.addi %get3A_500, %get3A_503 : vector<16xi32>
      %swap3A_505 = arith.constant 4 : i32
      %swap3A_506 = arith.index_cast %swap3A_505 : i32 to index
      %swap3A_507 = arith.index_cast %mul3A_495 : i32 to index
      %swap3A_508 = tpu.vector_load %arg5[%swap3A_506, %swap3A_507] {strides = array<i32>} : memref<8x1664xi32, #tpu.memory_space<vmem>>, vector<1x16xi32>,
      %swap3A_509 = vector.shape_cast %swap3A_508 : vector<1x16xi32> to vector<16xi32>
      %swap3A_510 = vector.shape_cast %add3A_504 : vector<16xi32> to vector<1x16xi32>
      tpu.vector_store %arg5[%swap3A_506, %swap3A_507], %swap3A_510 {strides = array<i32>} : memref<8x1664xi32, #tpu.memory_space<vmem>>, vector<1x16xi32>,
      %mul3A_511 = arith.constant 13 : i32
      %mul3A_512 = arith.muli %scan3A_470, %mul3A_511 : i32
      %add3A_513 = arith.constant 2 : i32
      %add3A_514 = arith.addi %mul3A_512, %add3A_513 : i32
      %mul3A_515 = arith.constant 16 : i32
      %mul3A_516 = arith.muli %add3A_514, %mul3A_515 : i32
      %get3A_517 = arith.constant 4 : i32
      %get3A_518 = arith.index_cast %get3A_517 : i32 to index
      %get3A_519 = arith.index_cast %mul3A_516 : i32 to index
      %get3A_520 = tpu.vector_load %arg5[%get3A_518, %get3A_519] {strides = array<i32>} : memref<8x1664xi32, #tpu.memory_space<vmem>>, vector<1x16xi32>,
      %get3A_521 = vector.shape_cast %get3A_520 : vector<1x16xi32> to vector<16xi32>
      %get3A_522 = arith.constant 32 : index
      %get3A_523 = tpu.vector_load %arg6[%get3A_522] {strides = array<i32>} : memref<208xi32, #tpu.memory_space<vmem>>, vector<16xi32>,
      %get3A_524 = vector.shape_cast %get3A_523 : vector<16xi32> to vector<16xi32>
      %add3A_525 = arith.addi %get3A_521, %get3A_524 : vector<16xi32>
      %swap3A_526 = arith.constant 4 : i32
      %swap3A_527 = arith.index_cast %swap3A_526 : i32 to index
      %swap3A_528 = arith.index_cast %mul3A_516 : i32 to index
      %swap3A_529 = tpu.vector_load %arg5[%swap3A_527, %swap3A_528] {strides = array<i32>} : memref<8x1664xi32, #tpu.memory_space<vmem>>, vector<1x16xi32>,
      %swap3A_530 = vector.shape_cast %swap3A_529 : vector<1x16xi32> to vector<16xi32>
      %swap3A_531 = vector.shape_cast %add3A_525 : vector<16xi32> to vector<1x16xi32>
      tpu.vector_store %arg5[%swap3A_527, %swap3A_528], %swap3A_531 {strides = array<i32>} : memref<8x1664xi32, #tpu.memory_space<vmem>>, vector<1x16xi32>,
      %mul3A_532 = arith.constant 13 : i32
      %mul3A_533 = arith.muli %scan3A_470, %mul3A_532 : i32
      %add3A_534 = arith.constant 3 : i32
      %add3A_535 = arith.addi %mul3A_533, %add3A_534 : i32
      %mul3A_536 = arith.constant 16 : i32
      %mul3A_537 = arith.muli %add3A_535, %mul3A_536 : i32
      %get3A_538 = arith.constant 4 : i32
      %get3A_539 = arith.index_cast %get3A_538 : i32 to index
      %get3A_540 = arith.index_cast %mul3A_537 : i32 to index
      %get3A_541 = tpu.vector_load %arg5[%get3A_539, %get3A_540] {strides = array<i32>} : memref<8x1664xi32, #tpu.memory_space<vmem>>, vector<1x16xi32>,
      %get3A_542 = vector.shape_cast %get3A_541 : vector<1x16xi32> to vector<16xi32>
      %get3A_543 = arith.constant 48 : index
      %get3A_544 = tpu.vector_load %arg6[%get3A_543] {strides = array<i32>} : memref<208xi32, #tpu.memory_space<vmem>>, vector<16xi32>,
      %get3A_545 = vector.shape_cast %get3A_544 : vector<16xi32> to vector<16xi32>
      %add3A_546 = arith.addi %get3A_542, %get3A_545 : vector<16xi32>
      %swap3A_547 = arith.constant 4 : i32
      %swap3A_548 = arith.index_cast %swap3A_547 : i32 to index
      %swap3A_549 = arith.index_cast %mul3A_537 : i32 to index
      %swap3A_550 = tpu.vector_load %arg5[%swap3A_548, %swap3A_549] {strides = array<i32>} : memref<8x1664xi32, #tpu.memory_space<vmem>>, vector<1x16xi32>,
      %swap3A_551 = vector.shape_cast %swap3A_550 : vector<1x16xi32> to vector<16xi32>
      %swap3A_552 = vector.shape_cast %add3A_546 : vector<16xi32> to vector<1x16xi32>
      tpu.vector_store %arg5[%swap3A_548, %swap3A_549], %swap3A_552 {strides = array<i32>} : memref<8x1664xi32, #tpu.memory_space<vmem>>, vector<1x16xi32>,
      %mul3A_553 = arith.constant 13 : i32
      %mul3A_554 = arith.muli %scan3A_470, %mul3A_553 : i32
      %add3A_555 = arith.constant 4 : i32
      %add3A_556 = arith.addi %mul3A_554, %add3A_555 : i32
      %mul3A_557 = arith.constant 16 : i32
      %mul3A_558 = arith.muli %add3A_556, %mul3A_557 : i32
      %get3A_559 = arith.constant 4 : i32
      %get3A_560 = arith.index_cast %get3A_559 : i32 to index
      %get3A_561 = arith.index_cast %mul3A_558 : i32 to index
      %get3A_562 = tpu.vector_load %arg5[%get3A_560, %get3A_561] {strides = array<i32>} : memref<8x1664xi32, #tpu.memory_space<vmem>>, vector<1x16xi32>,
      %get3A_563 = vector.shape_cast %get3A_562 : vector<1x16xi32> to vector<16xi32>
      %get3A_564 = arith.constant 64 : index
      %get3A_565 = tpu.vector_load %arg6[%get3A_564] {strides = array<i32>} : memref<208xi32, #tpu.memory_space<vmem>>, vector<16xi32>,
      %get3A_566 = vector.shape_cast %get3A_565 : vector<16xi32> to vector<16xi32>
      %add3A_567 = arith.addi %get3A_563, %get3A_566 : vector<16xi32>
      %swap3A_568 = arith.constant 4 : i32
      %swap3A_569 = arith.index_cast %swap3A_568 : i32 to index
      %swap3A_570 = arith.index_cast %mul3A_558 : i32 to index
      %swap3A_571 = tpu.vector_load %arg5[%swap3A_569, %swap3A_570] {strides = array<i32>} : memref<8x1664xi32, #tpu.memory_space<vmem>>, vector<1x16xi32>,
      %swap3A_572 = vector.shape_cast %swap3A_571 : vector<1x16xi32> to vector<16xi32>
      %swap3A_573 = vector.shape_cast %add3A_567 : vector<16xi32> to vector<1x16xi32>
      tpu.vector_store %arg5[%swap3A_569, %swap3A_570], %swap3A_573 {strides = array<i32>} : memref<8x1664xi32, #tpu.memory_space<vmem>>, vector<1x16xi32>,
      %mul3A_574 = arith.constant 13 : i32
      %mul3A_575 = arith.muli %scan3A_470, %mul3A_574 : i32
      %add3A_576 = arith.constant 5 : i32
      %add3A_577 = arith.addi %mul3A_575, %add3A_576 : i32
      %mul3A_578 = arith.constant 16 : i32
      %mul3A_579 = arith.muli %add3A_577, %mul3A_578 : i32
      %get3A_580 = arith.constant 4 : i32
      %get3A_581 = arith.index_cast %get3A_580 : i32 to index
      %get3A_582 = arith.index_cast %mul3A_579 : i32 to index
      %get3A_583 = tpu.vector_load %arg5[%get3A_581, %get3A_582] {strides = array<i32>} : memref<8x1664xi32, #tpu.memory_space<vmem>>, vector<1x16xi32>,
      %get3A_584 = vector.shape_cast %get3A_583 : vector<1x16xi32> to vector<16xi32>
      %get3A_585 = arith.constant 80 : index
      %get3A_586 = tpu.vector_load %arg6[%get3A_585] {strides = array<i32>} : memref<208xi32, #tpu.memory_space<vmem>>, vector<16xi32>,
      %get3A_587 = vector.shape_cast %get3A_586 : vector<16xi32> to vector<16xi32>
      %add3A_588 = arith.addi %get3A_584, %get3A_587 : vector<16xi32>
      %swap3A_589 = arith.constant 4 : i32
      %swap3A_590 = arith.index_cast %swap3A_589 : i32 to index
      %swap3A_591 = arith.index_cast %mul3A_579 : i32 to index
      %swap3A_592 = tpu.vector_load %arg5[%swap3A_590, %swap3A_591] {strides = array<i32>} : memref<8x1664xi32, #tpu.memory_space<vmem>>, vector<1x16xi32>,
      %swap3A_593 = vector.shape_cast %swap3A_592 : vector<1x16xi32> to vector<16xi32>
      %swap3A_594 = vector.shape_cast %add3A_588 : vector<16xi32> to vector<1x16xi32>
      tpu.vector_store %arg5[%swap3A_590, %swap3A_591], %swap3A_594 {strides = array<i32>} : memref<8x1664xi32, #tpu.memory_space<vmem>>, vector<1x16xi32>,
      %mul3A_595 = arith.constant 13 : i32
      %mul3A_596 = arith.muli %scan3A_470, %mul3A_595 : i32
      %add3A_597 = arith.constant 6 : i32
      %add3A_598 = arith.addi %mul3A_596, %add3A_597 : i32
      %mul3A_599 = arith.constant 16 : i32
      %mul3A_600 = arith.muli %add3A_598, %mul3A_599 : i32
      %get3A_601 = arith.constant 4 : i32
      %get3A_602 = arith.index_cast %get3A_601 : i32 to index
      %get3A_603 = arith.index_cast %mul3A_600 : i32 to index
      %get3A_604 = tpu.vector_load %arg5[%get3A_602, %get3A_603] {strides = array<i32>} : memref<8x1664xi32, #tpu.memory_space<vmem>>, vector<1x16xi32>,
      %get3A_605 = vector.shape_cast %get3A_604 : vector<1x16xi32> to vector<16xi32>
      %get3A_606 = arith.constant 96 : index
      %get3A_607 = tpu.vector_load %arg6[%get3A_606] {strides = array<i32>} : memref<208xi32, #tpu.memory_space<vmem>>, vector<16xi32>,
      %get3A_608 = vector.shape_cast %get3A_607 : vector<16xi32> to vector<16xi32>
      %add3A_609 = arith.addi %get3A_605, %get3A_608 : vector<16xi32>
      %swap3A_610 = arith.constant 4 : i32
      %swap3A_611 = arith.index_cast %swap3A_610 : i32 to index
      %swap3A_612 = arith.index_cast %mul3A_600 : i32 to index
      %swap3A_613 = tpu.vector_load %arg5[%swap3A_611, %swap3A_612] {strides = array<i32>} : memref<8x1664xi32, #tpu.memory_space<vmem>>, vector<1x16xi32>,
      %swap3A_614 = vector.shape_cast %swap3A_613 : vector<1x16xi32> to vector<16xi32>
      %swap3A_615 = vector.shape_cast %add3A_609 : vector<16xi32> to vector<1x16xi32>
      tpu.vector_store %arg5[%swap3A_611, %swap3A_612], %swap3A_615 {strides = array<i32>} : memref<8x1664xi32, #tpu.memory_space<vmem>>, vector<1x16xi32>,
      %mul3A_616 = arith.constant 13 : i32
      %mul3A_617 = arith.muli %scan3A_470, %mul3A_616 : i32
      %add3A_618 = arith.constant 7 : i32
      %add3A_619 = arith.addi %mul3A_617, %add3A_618 : i32
      %mul3A_620 = arith.constant 16 : i32
      %mul3A_621 = arith.muli %add3A_619, %mul3A_620 : i32
      %get3A_622 = arith.constant 4 : i32
      %get3A_623 = arith.index_cast %get3A_622 : i32 to index
      %get3A_624 = arith.index_cast %mul3A_621 : i32 to index
      %get3A_625 = tpu.vector_load %arg5[%get3A_623, %get3A_624] {strides = array<i32>} : memref<8x1664xi32, #tpu.memory_space<vmem>>, vector<1x16xi32>,
      %get3A_626 = vector.shape_cast %get3A_625 : vector<1x16xi32> to vector<16xi32>
      %get3A_627 = arith.constant 112 : index
      %get3A_628 = tpu.vector_load %arg6[%get3A_627] {strides = array<i32>} : memref<208xi32, #tpu.memory_space<vmem>>, vector<16xi32>,
      %get3A_629 = vector.shape_cast %get3A_628 : vector<16xi32> to vector<16xi32>
      %add3A_630 = arith.addi %get3A_626, %get3A_629 : vector<16xi32>
      %swap3A_631 = arith.constant 4 : i32
      %swap3A_632 = arith.index_cast %swap3A_631 : i32 to index
      %swap3A_633 = arith.index_cast %mul3A_621 : i32 to index
      %swap3A_634 = tpu.vector_load %arg5[%swap3A_632, %swap3A_633] {strides = array<i32>} : memref<8x1664xi32, #tpu.memory_space<vmem>>, vector<1x16xi32>,
      %swap3A_635 = vector.shape_cast %swap3A_634 : vector<1x16xi32> to vector<16xi32>
      %swap3A_636 = vector.shape_cast %add3A_630 : vector<16xi32> to vector<1x16xi32>
      tpu.vector_store %arg5[%swap3A_632, %swap3A_633], %swap3A_636 {strides = array<i32>} : memref<8x1664xi32, #tpu.memory_space<vmem>>, vector<1x16xi32>,
      %mul3A_637 = arith.constant 13 : i32
      %mul3A_638 = arith.muli %scan3A_470, %mul3A_637 : i32
      %add3A_639 = arith.constant 8 : i32
      %add3A_640 = arith.addi %mul3A_638, %add3A_639 : i32
      %mul3A_641 = arith.constant 16 : i32
      %mul3A_642 = arith.muli %add3A_640, %mul3A_641 : i32
      %get3A_643 = arith.constant 4 : i32
      %get3A_644 = arith.index_cast %get3A_643 : i32 to index
      %get3A_645 = arith.index_cast %mul3A_642 : i32 to index
      %get3A_646 = tpu.vector_load %arg5[%get3A_644, %get3A_645] {strides = array<i32>} : memref<8x1664xi32, #tpu.memory_space<vmem>>, vector<1x16xi32>,
      %get3A_647 = vector.shape_cast %get3A_646 : vector<1x16xi32> to vector<16xi32>
      %get3A_648 = arith.constant 128 : index
      %get3A_649 = tpu.vector_load %arg6[%get3A_648] {strides = array<i32>} : memref<208xi32, #tpu.memory_space<vmem>>, vector<16xi32>,
      %get3A_650 = vector.shape_cast %get3A_649 : vector<16xi32> to vector<16xi32>
      %add3A_651 = arith.addi %get3A_647, %get3A_650 : vector<16xi32>
      %swap3A_652 = arith.constant 4 : i32
      %swap3A_653 = arith.index_cast %swap3A_652 : i32 to index
      %swap3A_654 = arith.index_cast %mul3A_642 : i32 to index
      %swap3A_655 = tpu.vector_load %arg5[%swap3A_653, %swap3A_654] {strides = array<i32>} : memref<8x1664xi32, #tpu.memory_space<vmem>>, vector<1x16xi32>,
      %swap3A_656 = vector.shape_cast %swap3A_655 : vector<1x16xi32> to vector<16xi32>
      %swap3A_657 = vector.shape_cast %add3A_651 : vector<16xi32> to vector<1x16xi32>
      tpu.vector_store %arg5[%swap3A_653, %swap3A_654], %swap3A_657 {strides = array<i32>} : memref<8x1664xi32, #tpu.memory_space<vmem>>, vector<1x16xi32>,
      %mul3A_658 = arith.constant 13 : i32
      %mul3A_659 = arith.muli %scan3A_470, %mul3A_658 : i32
      %add3A_660 = arith.constant 9 : i32
      %add3A_661 = arith.addi %mul3A_659, %add3A_660 : i32
      %mul3A_662 = arith.constant 16 : i32
      %mul3A_663 = arith.muli %add3A_661, %mul3A_662 : i32
      %get3A_664 = arith.constant 4 : i32
      %get3A_665 = arith.index_cast %get3A_664 : i32 to index
      %get3A_666 = arith.index_cast %mul3A_663 : i32 to index
      %get3A_667 = tpu.vector_load %arg5[%get3A_665, %get3A_666] {strides = array<i32>} : memref<8x1664xi32, #tpu.memory_space<vmem>>, vector<1x16xi32>,
      %get3A_668 = vector.shape_cast %get3A_667 : vector<1x16xi32> to vector<16xi32>
      %get3A_669 = arith.constant 144 : index
      %get3A_670 = tpu.vector_load %arg6[%get3A_669] {strides = array<i32>} : memref<208xi32, #tpu.memory_space<vmem>>, vector<16xi32>,
      %get3A_671 = vector.shape_cast %get3A_670 : vector<16xi32> to vector<16xi32>
      %add3A_672 = arith.addi %get3A_668, %get3A_671 : vector<16xi32>
      %swap3A_673 = arith.constant 4 : i32
      %swap3A_674 = arith.index_cast %swap3A_673 : i32 to index
      %swap3A_675 = arith.index_cast %mul3A_663 : i32 to index
      %swap3A_676 = tpu.vector_load %arg5[%swap3A_674, %swap3A_675] {strides = array<i32>} : memref<8x1664xi32, #tpu.memory_space<vmem>>, vector<1x16xi32>,
      %swap3A_677 = vector.shape_cast %swap3A_676 : vector<1x16xi32> to vector<16xi32>
      %swap3A_678 = vector.shape_cast %add3A_672 : vector<16xi32> to vector<1x16xi32>
      tpu.vector_store %arg5[%swap3A_674, %swap3A_675], %swap3A_678 {strides = array<i32>} : memref<8x1664xi32, #tpu.memory_space<vmem>>, vector<1x16xi32>,
      %mul3A_679 = arith.constant 13 : i32
      %mul3A_680 = arith.muli %scan3A_470, %mul3A_679 : i32
      %add3A_681 = arith.constant 10 : i32
      %add3A_682 = arith.addi %mul3A_680, %add3A_681 : i32
      %mul3A_683 = arith.constant 16 : i32
      %mul3A_684 = arith.muli %add3A_682, %mul3A_683 : i32
      %get3A_685 = arith.constant 4 : i32
      %get3A_686 = arith.index_cast %get3A_685 : i32 to index
      %get3A_687 = arith.index_cast %mul3A_684 : i32 to index
      %get3A_688 = tpu.vector_load %arg5[%get3A_686, %get3A_687] {strides = array<i32>} : memref<8x1664xi32, #tpu.memory_space<vmem>>, vector<1x16xi32>,
      %get3A_689 = vector.shape_cast %get3A_688 : vector<1x16xi32> to vector<16xi32>
      %get3A_690 = arith.constant 160 : index
      %get3A_691 = tpu.vector_load %arg6[%get3A_690] {strides = array<i32>} : memref<208xi32, #tpu.memory_space<vmem>>, vector<16xi32>,
      %get3A_692 = vector.shape_cast %get3A_691 : vector<16xi32> to vector<16xi32>
      %add3A_693 = arith.addi %get3A_689, %get3A_692 : vector<16xi32>
      %swap3A_694 = arith.constant 4 : i32
      %swap3A_695 = arith.index_cast %swap3A_694 : i32 to index
      %swap3A_696 = arith.index_cast %mul3A_684 : i32 to index
      %swap3A_697 = tpu.vector_load %arg5[%swap3A_695, %swap3A_696] {strides = array<i32>} : memref<8x1664xi32, #tpu.memory_space<vmem>>, vector<1x16xi32>,
      %swap3A_698 = vector.shape_cast %swap3A_697 : vector<1x16xi32> to vector<16xi32>
      %swap3A_699 = vector.shape_cast %add3A_693 : vector<16xi32> to vector<1x16xi32>
      tpu.vector_store %arg5[%swap3A_695, %swap3A_696], %swap3A_699 {strides = array<i32>} : memref<8x1664xi32, #tpu.memory_space<vmem>>, vector<1x16xi32>,
      %mul3A_700 = arith.constant 13 : i32
      %mul3A_701 = arith.muli %scan3A_470, %mul3A_700 : i32
      %add3A_702 = arith.constant 11 : i32
      %add3A_703 = arith.addi %mul3A_701, %add3A_702 : i32
      %mul3A_704 = arith.constant 16 : i32
      %mul3A_705 = arith.muli %add3A_703, %mul3A_704 : i32
      %get3A_706 = arith.constant 4 : i32
      %get3A_707 = arith.index_cast %get3A_706 : i32 to index
      %get3A_708 = arith.index_cast %mul3A_705 : i32 to index
      %get3A_709 = tpu.vector_load %arg5[%get3A_707, %get3A_708] {strides = array<i32>} : memref<8x1664xi32, #tpu.memory_space<vmem>>, vector<1x16xi32>,
      %get3A_710 = vector.shape_cast %get3A_709 : vector<1x16xi32> to vector<16xi32>
      %get3A_711 = arith.constant 176 : index
      %get3A_712 = tpu.vector_load %arg6[%get3A_711] {strides = array<i32>} : memref<208xi32, #tpu.memory_space<vmem>>, vector<16xi32>,
      %get3A_713 = vector.shape_cast %get3A_712 : vector<16xi32> to vector<16xi32>
      %add3A_714 = arith.addi %get3A_710, %get3A_713 : vector<16xi32>
      %swap3A_715 = arith.constant 4 : i32
      %swap3A_716 = arith.index_cast %swap3A_715 : i32 to index
      %swap3A_717 = arith.index_cast %mul3A_705 : i32 to index
      %swap3A_718 = tpu.vector_load %arg5[%swap3A_716, %swap3A_717] {strides = array<i32>} : memref<8x1664xi32, #tpu.memory_space<vmem>>, vector<1x16xi32>,
      %swap3A_719 = vector.shape_cast %swap3A_718 : vector<1x16xi32> to vector<16xi32>
      %swap3A_720 = vector.shape_cast %add3A_714 : vector<16xi32> to vector<1x16xi32>
      tpu.vector_store %arg5[%swap3A_716, %swap3A_717], %swap3A_720 {strides = array<i32>} : memref<8x1664xi32, #tpu.memory_space<vmem>>, vector<1x16xi32>,
      %mul3A_721 = arith.constant 13 : i32
      %mul3A_722 = arith.muli %scan3A_470, %mul3A_721 : i32
      %add3A_723 = arith.constant 12 : i32
      %add3A_724 = arith.addi %mul3A_722, %add3A_723 : i32
      %mul3A_725 = arith.constant 16 : i32
      %mul3A_726 = arith.muli %add3A_724, %mul3A_725 : i32
      %get3A_727 = arith.constant 4 : i32
      %get3A_728 = arith.index_cast %get3A_727 : i32 to index
      %get3A_729 = arith.index_cast %mul3A_726 : i32 to index
      %get3A_730 = tpu.vector_load %arg5[%get3A_728, %get3A_729] {strides = array<i32>} : memref<8x1664xi32, #tpu.memory_space<vmem>>, vector<1x16xi32>,
      %get3A_731 = vector.shape_cast %get3A_730 : vector<1x16xi32> to vector<16xi32>
      %get3A_732 = arith.constant 192 : index
      %get3A_733 = tpu.vector_load %arg6[%get3A_732] {strides = array<i32>} : memref<208xi32, #tpu.memory_space<vmem>>, vector<16xi32>,
      %get3A_734 = vector.shape_cast %get3A_733 : vector<16xi32> to vector<16xi32>
      %add3A_735 = arith.addi %get3A_731, %get3A_734 : vector<16xi32>
      %swap3A_736 = arith.constant 4 : i32
      %swap3A_737 = arith.index_cast %swap3A_736 : i32 to index
      %swap3A_738 = arith.index_cast %mul3A_726 : i32 to index
      %swap3A_739 = tpu.vector_load %arg5[%swap3A_737, %swap3A_738] {strides = array<i32>} : memref<8x1664xi32, #tpu.memory_space<vmem>>, vector<1x16xi32>,
      %swap3A_740 = vector.shape_cast %swap3A_739 : vector<1x16xi32> to vector<16xi32>
      %swap3A_741 = vector.shape_cast %add3A_735 : vector<16xi32> to vector<1x16xi32>
      tpu.vector_store %arg5[%swap3A_737, %swap3A_738], %swap3A_741 {strides = array<i32>} : memref<8x1664xi32, #tpu.memory_space<vmem>>, vector<1x16xi32>,
    }
    %scan3A_190 = arith.constant 8 : i32
    %dma_wait3A_191 = arith.constant 0 : i32
    %dma_wait3A_192 = arith.constant 0 : i32
    %dma_wait3A_193 = arith.constant 0 : i32
    %dma_wait3A_194 = tpu.memref_slice %arg7[%dma_wait3A_191, %dma_wait3A_192, %dma_wait3A_193] : memref<2x1664x32xf32, #tpu.memory_space<vmem>> -> memref<1x1664x32xf32, #tpu.memory_space<vmem>>
    %dma_wait3A_195 = tpu.memref_squeeze %dma_wait3A_194 : memref<1x1664x32xf32, #tpu.memory_space<vmem>> -> memref<1664x32xf32, #tpu.memory_space<vmem>>
    %dma_wait3A_196 = arith.constant 0 : i32
    %dma_wait3A_197 = tpu.memref_slice %arg4[%add3A_171, %dma_wait3A_196] : memref<425984x32xf32, #tpu.memory_space<hbm>> -> memref<1664x32xf32, #tpu.memory_space<hbm>>
    %dma_wait3A_198 = arith.constant 0 : i32
    %dma_wait3A_199 = tpu.memref_slice %arg4[%add3A_171, %dma_wait3A_198] : memref<425984x32xf32, #tpu.memory_space<hbm>> -> memref<1664x32xf32, #tpu.memory_space<hbm>>
    %dma_wait3A_200 = arith.constant 0 : i32
    %dma_wait3A_201 = arith.constant 0 : i32
    %dma_wait3A_202 = tpu.memref_slice %arg7[%dma_wait3A_191, %dma_wait3A_200, %dma_wait3A_201] : memref<2x1664x32xf32, #tpu.memory_space<vmem>> -> memref<1x1664x32xf32, #tpu.memory_space<vmem>>
    %dma_wait3A_203 = tpu.memref_squeeze %dma_wait3A_202 : memref<1x1664x32xf32, #tpu.memory_space<vmem>> -> memref<1664x32xf32, #tpu.memory_space<vmem>>
    tpu.wait_dma2 semaphore(%arg9 : memref<!tpu.dma_semaphore, #tpu.memory_space<semaphore_mem>>) src(%dma_wait3A_203 : memref<1664x32xf32, #tpu.memory_space<vmem>>) dst(%dma_wait3A_199 : memref<1664x32xf32, #tpu.memory_space<hbm>>)
    %dma_start3A_204 = arith.constant 4 : i32
    %dma_start3A_205 = arith.constant 0 : i32
    %dma_start3A_206 = arith.constant 0 : i32
    %dma_start3A_207 = arith.constant 0 : i32
    %dma_start3A_208 = tpu.memref_slice %arg7[%dma_start3A_205, %dma_start3A_206, %dma_start3A_207] : memref<2x1664x32xf32, #tpu.memory_space<vmem>> -> memref<1x1664x32xf32, #tpu.memory_space<vmem>>
    %dma_start3A_209 = tpu.memref_squeeze %dma_start3A_208 : memref<1x1664x32xf32, #tpu.memory_space<vmem>> -> memref<1664x32xf32, #tpu.memory_space<vmem>>
    %dma_start3A_210 = arith.constant 0 : i32
    %dma_start3A_211 = tpu.memref_slice %arg5[%dma_start3A_204, %dma_start3A_210] : memref<8x1664xi32, #tpu.memory_space<vmem>> -> memref<1x1664xi32, #tpu.memory_space<vmem>>
    %dma_start3A_212 = tpu.memref_squeeze %dma_start3A_211 : memref<1x1664xi32, #tpu.memory_space<vmem>> -> memref<1664xi32, #tpu.memory_space<vmem>>
    %dma_start3A_213 = arith.constant 0 : i32
    %dma_start3A_214 = arith.constant 0 : i32
    %dma_start3A_215 = tpu.memref_slice %arg3[%dma_start3A_213, %dma_start3A_214] : memref<2600000x32xf32, #tpu.memory_space<hbm>> -> memref<2600000x32xf32, #tpu.memory_space<hbm>>
    tpu.enqueue_indirect_dma source(%dma_start3A_215 : memref<2600000x32xf32, #tpu.memory_space<hbm>>) target(%dma_start3A_209 : memref<1664x32xf32, #tpu.memory_space<vmem>>) offsets(%dma_start3A_212 : memref<1664xi32, #tpu.memory_space<vmem>>) semaphore(%arg8 : memref<!tpu.dma_semaphore, #tpu.memory_space<semaphore_mem>>)
    %dma_wait3A_216 = arith.constant 3 : i32
    %dma_wait3A_217 = arith.constant 1 : i32
    %dma_wait3A_218 = arith.constant 0 : i32
    %dma_wait3A_219 = arith.constant 0 : i32
    %dma_wait3A_220 = tpu.memref_slice %arg7[%dma_wait3A_217, %dma_wait3A_218, %dma_wait3A_219] : memref<2x1664x32xf32, #tpu.memory_space<vmem>> -> memref<1x1664x32xf32, #tpu.memory_space<vmem>>
    %dma_wait3A_221 = tpu.memref_squeeze %dma_wait3A_220 : memref<1x1664x32xf32, #tpu.memory_space<vmem>> -> memref<1664x32xf32, #tpu.memory_space<vmem>>
    %dma_wait3A_222 = arith.constant 0 : i32
    %dma_wait3A_223 = tpu.memref_slice %arg5[%dma_wait3A_216, %dma_wait3A_222] : memref<8x1664xi32, #tpu.memory_space<vmem>> -> memref<1x1664xi32, #tpu.memory_space<vmem>>
    %dma_wait3A_224 = tpu.memref_squeeze %dma_wait3A_223 : memref<1x1664xi32, #tpu.memory_space<vmem>> -> memref<1664xi32, #tpu.memory_space<vmem>>
    %dma_wait3A_225 = arith.constant 0 : i32
    %dma_wait3A_226 = arith.constant 0 : i32
    %dma_wait3A_227 = tpu.memref_slice %arg3[%dma_wait3A_225, %dma_wait3A_226] : memref<2600000x32xf32, #tpu.memory_space<hbm>> -> memref<2600000x32xf32, #tpu.memory_space<hbm>>
    tpu.wait_indirect_dma semaphore(%arg8 : memref<!tpu.dma_semaphore, #tpu.memory_space<semaphore_mem>>) src(%dma_wait3A_227 : memref<2600000x32xf32, #tpu.memory_space<hbm>>) dst(%dma_wait3A_221 : memref<1664x32xf32, #tpu.memory_space<vmem>>)
    %add3A_228 = arith.constant 4992 : i32
    %add3A_229 = arith.addi %mul3A_2, %add3A_228 : i32
    %dma_start3A_230 = arith.constant 1 : i32
    %dma_start3A_231 = arith.constant 0 : i32
    %dma_start3A_232 = arith.constant 0 : i32
    %dma_start3A_233 = tpu.memref_slice %arg7[%dma_start3A_230, %dma_start3A_231, %dma_start3A_232] : memref<2x1664x32xf32, #tpu.memory_space<vmem>> -> memref<1x1664x32xf32, #tpu.memory_space<vmem>>
    %dma_start3A_234 = tpu.memref_squeeze %dma_start3A_233 : memref<1x1664x32xf32, #tpu.memory_space<vmem>> -> memref<1664x32xf32, #tpu.memory_space<vmem>>
    %dma_start3A_235 = arith.constant 0 : i32
    %dma_start3A_236 = tpu.memref_slice %arg4[%add3A_229, %dma_start3A_235] : memref<425984x32xf32, #tpu.memory_space<hbm>> -> memref<1664x32xf32, #tpu.memory_space<hbm>>
    %dma_start3A_237 = arith.constant 0 : i32
    %dma_start3A_238 = tpu.memref_slice %arg4[%add3A_229, %dma_start3A_237] : memref<425984x32xf32, #tpu.memory_space<hbm>> -> memref<1664x32xf32, #tpu.memory_space<hbm>>
    %dma_start3A_239 = arith.constant 0 : i32
    %dma_start3A_240 = arith.constant 0 : i32
    %dma_start3A_241 = tpu.memref_slice %arg7[%dma_start3A_230, %dma_start3A_239, %dma_start3A_240] : memref<2x1664x32xf32, #tpu.memory_space<vmem>> -> memref<1x1664x32xf32, #tpu.memory_space<vmem>>
    %dma_start3A_242 = tpu.memref_squeeze %dma_start3A_241 : memref<1x1664x32xf32, #tpu.memory_space<vmem>> -> memref<1664x32xf32, #tpu.memory_space<vmem>>
    tpu.enqueue_dma source(%dma_start3A_242 : memref<1664x32xf32, #tpu.memory_space<vmem>>) target(%dma_start3A_238 : memref<1664x32xf32, #tpu.memory_space<hbm>>) target_semaphore(%arg9 : memref<!tpu.dma_semaphore, #tpu.memory_space<semaphore_mem>>)
    %scan3A_243 = arith.constant 0 : i32
    %scan3A_244 = arith.constant 0 : i32
    %scan3A_245 = arith.constant 8 : i32
    %scan3A_246 = arith.addi %scan3A_244, %scan3A_245 : i32
    %scan3A_247 = arith.constant 1 : i32
    scf.for %scan3A_470 = %scan3A_244 to %scan3A_246 step %scan3A_247  : i32 {
      %mul3A_471 = arith.constant 13 : i32
      %mul3A_472 = arith.muli %scan3A_470, %mul3A_471 : i32
      %add3A_473 = arith.constant 0 : i32
      %add3A_474 = arith.addi %mul3A_472, %add3A_473 : i32
      %mul3A_475 = arith.constant 16 : i32
      %mul3A_476 = arith.muli %add3A_474, %mul3A_475 : i32
      %get3A = arith.constant 5 : i32
      %get3A_477 = arith.index_cast %get3A : i32 to index
      %get3A_478 = arith.index_cast %mul3A_476 : i32 to index
      %get3A_479 = tpu.vector_load %arg5[%get3A_477, %get3A_478] {strides = array<i32>} : memref<8x1664xi32, #tpu.memory_space<vmem>>, vector<1x16xi32>,
      %get3A_480 = vector.shape_cast %get3A_479 : vector<1x16xi32> to vector<16xi32>
      %get3A_481 = arith.constant 0 : index
      %get3A_482 = tpu.vector_load %arg6[%get3A_481] {strides = array<i32>} : memref<208xi32, #tpu.memory_space<vmem>>, vector<16xi32>,
      %get3A_483 = vector.shape_cast %get3A_482 : vector<16xi32> to vector<16xi32>
      %add3A_484 = arith.addi %get3A_480, %get3A_483 : vector<16xi32>
      %swap3A = arith.constant 5 : i32
      %swap3A_485 = arith.index_cast %swap3A : i32 to index
      %swap3A_486 = arith.index_cast %mul3A_476 : i32 to index
      %swap3A_487 = tpu.vector_load %arg5[%swap3A_485, %swap3A_486] {strides = array<i32>} : memref<8x1664xi32, #tpu.memory_space<vmem>>, vector<1x16xi32>,
      %swap3A_488 = vector.shape_cast %swap3A_487 : vector<1x16xi32> to vector<16xi32>
      %swap3A_489 = vector.shape_cast %add3A_484 : vector<16xi32> to vector<1x16xi32>
      tpu.vector_store %arg5[%swap3A_485, %swap3A_486], %swap3A_489 {strides = array<i32>} : memref<8x1664xi32, #tpu.memory_space<vmem>>, vector<1x16xi32>,
      %mul3A_490 = arith.constant 13 : i32
      %mul3A_491 = arith.muli %scan3A_470, %mul3A_490 : i32
      %add3A_492 = arith.constant 1 : i32
      %add3A_493 = arith.addi %mul3A_491, %add3A_492 : i32
      %mul3A_494 = arith.constant 16 : i32
      %mul3A_495 = arith.muli %add3A_493, %mul3A_494 : i32
      %get3A_496 = arith.constant 5 : i32
      %get3A_497 = arith.index_cast %get3A_496 : i32 to index
      %get3A_498 = arith.index_cast %mul3A_495 : i32 to index
      %get3A_499 = tpu.vector_load %arg5[%get3A_497, %get3A_498] {strides = array<i32>} : memref<8x1664xi32, #tpu.memory_space<vmem>>, vector<1x16xi32>,
      %get3A_500 = vector.shape_cast %get3A_499 : vector<1x16xi32> to vector<16xi32>
      %get3A_501 = arith.constant 16 : index
      %get3A_502 = tpu.vector_load %arg6[%get3A_501] {strides = array<i32>} : memref<208xi32, #tpu.memory_space<vmem>>, vector<16xi32>,
      %get3A_503 = vector.shape_cast %get3A_502 : vector<16xi32> to vector<16xi32>
      %add3A_504 = arith.addi %get3A_500, %get3A_503 : vector<16xi32>
      %swap3A_505 = arith.constant 5 : i32
      %swap3A_506 = arith.index_cast %swap3A_505 : i32 to index
      %swap3A_507 = arith.index_cast %mul3A_495 : i32 to index
      %swap3A_508 = tpu.vector_load %arg5[%swap3A_506, %swap3A_507] {strides = array<i32>} : memref<8x1664xi32, #tpu.memory_space<vmem>>, vector<1x16xi32>,
      %swap3A_509 = vector.shape_cast %swap3A_508 : vector<1x16xi32> to vector<16xi32>
      %swap3A_510 = vector.shape_cast %add3A_504 : vector<16xi32> to vector<1x16xi32>
      tpu.vector_store %arg5[%swap3A_506, %swap3A_507], %swap3A_510 {strides = array<i32>} : memref<8x1664xi32, #tpu.memory_space<vmem>>, vector<1x16xi32>,
      %mul3A_511 = arith.constant 13 : i32
      %mul3A_512 = arith.muli %scan3A_470, %mul3A_511 : i32
      %add3A_513 = arith.constant 2 : i32
      %add3A_514 = arith.addi %mul3A_512, %add3A_513 : i32
      %mul3A_515 = arith.constant 16 : i32
      %mul3A_516 = arith.muli %add3A_514, %mul3A_515 : i32
      %get3A_517 = arith.constant 5 : i32
      %get3A_518 = arith.index_cast %get3A_517 : i32 to index
      %get3A_519 = arith.index_cast %mul3A_516 : i32 to index
      %get3A_520 = tpu.vector_load %arg5[%get3A_518, %get3A_519] {strides = array<i32>} : memref<8x1664xi32, #tpu.memory_space<vmem>>, vector<1x16xi32>,
      %get3A_521 = vector.shape_cast %get3A_520 : vector<1x16xi32> to vector<16xi32>
      %get3A_522 = arith.constant 32 : index
      %get3A_523 = tpu.vector_load %arg6[%get3A_522] {strides = array<i32>} : memref<208xi32, #tpu.memory_space<vmem>>, vector<16xi32>,
      %get3A_524 = vector.shape_cast %get3A_523 : vector<16xi32> to vector<16xi32>
      %add3A_525 = arith.addi %get3A_521, %get3A_524 : vector<16xi32>
      %swap3A_526 = arith.constant 5 : i32
      %swap3A_527 = arith.index_cast %swap3A_526 : i32 to index
      %swap3A_528 = arith.index_cast %mul3A_516 : i32 to index
      %swap3A_529 = tpu.vector_load %arg5[%swap3A_527, %swap3A_528] {strides = array<i32>} : memref<8x1664xi32, #tpu.memory_space<vmem>>, vector<1x16xi32>,
      %swap3A_530 = vector.shape_cast %swap3A_529 : vector<1x16xi32> to vector<16xi32>
      %swap3A_531 = vector.shape_cast %add3A_525 : vector<16xi32> to vector<1x16xi32>
      tpu.vector_store %arg5[%swap3A_527, %swap3A_528], %swap3A_531 {strides = array<i32>} : memref<8x1664xi32, #tpu.memory_space<vmem>>, vector<1x16xi32>,
      %mul3A_532 = arith.constant 13 : i32
      %mul3A_533 = arith.muli %scan3A_470, %mul3A_532 : i32
      %add3A_534 = arith.constant 3 : i32
      %add3A_535 = arith.addi %mul3A_533, %add3A_534 : i32
      %mul3A_536 = arith.constant 16 : i32
      %mul3A_537 = arith.muli %add3A_535, %mul3A_536 : i32
      %get3A_538 = arith.constant 5 : i32
      %get3A_539 = arith.index_cast %get3A_538 : i32 to index
      %get3A_540 = arith.index_cast %mul3A_537 : i32 to index
      %get3A_541 = tpu.vector_load %arg5[%get3A_539, %get3A_540] {strides = array<i32>} : memref<8x1664xi32, #tpu.memory_space<vmem>>, vector<1x16xi32>,
      %get3A_542 = vector.shape_cast %get3A_541 : vector<1x16xi32> to vector<16xi32>
      %get3A_543 = arith.constant 48 : index
      %get3A_544 = tpu.vector_load %arg6[%get3A_543] {strides = array<i32>} : memref<208xi32, #tpu.memory_space<vmem>>, vector<16xi32>,
      %get3A_545 = vector.shape_cast %get3A_544 : vector<16xi32> to vector<16xi32>
      %add3A_546 = arith.addi %get3A_542, %get3A_545 : vector<16xi32>
      %swap3A_547 = arith.constant 5 : i32
      %swap3A_548 = arith.index_cast %swap3A_547 : i32 to index
      %swap3A_549 = arith.index_cast %mul3A_537 : i32 to index
      %swap3A_550 = tpu.vector_load %arg5[%swap3A_548, %swap3A_549] {strides = array<i32>} : memref<8x1664xi32, #tpu.memory_space<vmem>>, vector<1x16xi32>,
      %swap3A_551 = vector.shape_cast %swap3A_550 : vector<1x16xi32> to vector<16xi32>
      %swap3A_552 = vector.shape_cast %add3A_546 : vector<16xi32> to vector<1x16xi32>
      tpu.vector_store %arg5[%swap3A_548, %swap3A_549], %swap3A_552 {strides = array<i32>} : memref<8x1664xi32, #tpu.memory_space<vmem>>, vector<1x16xi32>,
      %mul3A_553 = arith.constant 13 : i32
      %mul3A_554 = arith.muli %scan3A_470, %mul3A_553 : i32
      %add3A_555 = arith.constant 4 : i32
      %add3A_556 = arith.addi %mul3A_554, %add3A_555 : i32
      %mul3A_557 = arith.constant 16 : i32
      %mul3A_558 = arith.muli %add3A_556, %mul3A_557 : i32
      %get3A_559 = arith.constant 5 : i32
      %get3A_560 = arith.index_cast %get3A_559 : i32 to index
      %get3A_561 = arith.index_cast %mul3A_558 : i32 to index
      %get3A_562 = tpu.vector_load %arg5[%get3A_560, %get3A_561] {strides = array<i32>} : memref<8x1664xi32, #tpu.memory_space<vmem>>, vector<1x16xi32>,
      %get3A_563 = vector.shape_cast %get3A_562 : vector<1x16xi32> to vector<16xi32>
      %get3A_564 = arith.constant 64 : index
      %get3A_565 = tpu.vector_load %arg6[%get3A_564] {strides = array<i32>} : memref<208xi32, #tpu.memory_space<vmem>>, vector<16xi32>,
      %get3A_566 = vector.shape_cast %get3A_565 : vector<16xi32> to vector<16xi32>
      %add3A_567 = arith.addi %get3A_563, %get3A_566 : vector<16xi32>
      %swap3A_568 = arith.constant 5 : i32
      %swap3A_569 = arith.index_cast %swap3A_568 : i32 to index
      %swap3A_570 = arith.index_cast %mul3A_558 : i32 to index
      %swap3A_571 = tpu.vector_load %arg5[%swap3A_569, %swap3A_570] {strides = array<i32>} : memref<8x1664xi32, #tpu.memory_space<vmem>>, vector<1x16xi32>,
      %swap3A_572 = vector.shape_cast %swap3A_571 : vector<1x16xi32> to vector<16xi32>
      %swap3A_573 = vector.shape_cast %add3A_567 : vector<16xi32> to vector<1x16xi32>
      tpu.vector_store %arg5[%swap3A_569, %swap3A_570], %swap3A_573 {strides = array<i32>} : memref<8x1664xi32, #tpu.memory_space<vmem>>, vector<1x16xi32>,
      %mul3A_574 = arith.constant 13 : i32
      %mul3A_575 = arith.muli %scan3A_470, %mul3A_574 : i32
      %add3A_576 = arith.constant 5 : i32
      %add3A_577 = arith.addi %mul3A_575, %add3A_576 : i32
      %mul3A_578 = arith.constant 16 : i32
      %mul3A_579 = arith.muli %add3A_577, %mul3A_578 : i32
      %get3A_580 = arith.constant 5 : i32
      %get3A_581 = arith.index_cast %get3A_580 : i32 to index
      %get3A_582 = arith.index_cast %mul3A_579 : i32 to index
      %get3A_583 = tpu.vector_load %arg5[%get3A_581, %get3A_582] {strides = array<i32>} : memref<8x1664xi32, #tpu.memory_space<vmem>>, vector<1x16xi32>,
      %get3A_584 = vector.shape_cast %get3A_583 : vector<1x16xi32> to vector<16xi32>
      %get3A_585 = arith.constant 80 : index
      %get3A_586 = tpu.vector_load %arg6[%get3A_585] {strides = array<i32>} : memref<208xi32, #tpu.memory_space<vmem>>, vector<16xi32>,
      %get3A_587 = vector.shape_cast %get3A_586 : vector<16xi32> to vector<16xi32>
      %add3A_588 = arith.addi %get3A_584, %get3A_587 : vector<16xi32>
      %swap3A_589 = arith.constant 5 : i32
      %swap3A_590 = arith.index_cast %swap3A_589 : i32 to index
      %swap3A_591 = arith.index_cast %mul3A_579 : i32 to index
      %swap3A_592 = tpu.vector_load %arg5[%swap3A_590, %swap3A_591] {strides = array<i32>} : memref<8x1664xi32, #tpu.memory_space<vmem>>, vector<1x16xi32>,
      %swap3A_593 = vector.shape_cast %swap3A_592 : vector<1x16xi32> to vector<16xi32>
      %swap3A_594 = vector.shape_cast %add3A_588 : vector<16xi32> to vector<1x16xi32>
      tpu.vector_store %arg5[%swap3A_590, %swap3A_591], %swap3A_594 {strides = array<i32>} : memref<8x1664xi32, #tpu.memory_space<vmem>>, vector<1x16xi32>,
      %mul3A_595 = arith.constant 13 : i32
      %mul3A_596 = arith.muli %scan3A_470, %mul3A_595 : i32
      %add3A_597 = arith.constant 6 : i32
      %add3A_598 = arith.addi %mul3A_596, %add3A_597 : i32
      %mul3A_599 = arith.constant 16 : i32
      %mul3A_600 = arith.muli %add3A_598, %mul3A_599 : i32
      %get3A_601 = arith.constant 5 : i32
      %get3A_602 = arith.index_cast %get3A_601 : i32 to index
      %get3A_603 = arith.index_cast %mul3A_600 : i32 to index
      %get3A_604 = tpu.vector_load %arg5[%get3A_602, %get3A_603] {strides = array<i32>} : memref<8x1664xi32, #tpu.memory_space<vmem>>, vector<1x16xi32>,
      %get3A_605 = vector.shape_cast %get3A_604 : vector<1x16xi32> to vector<16xi32>
      %get3A_606 = arith.constant 96 : index
      %get3A_607 = tpu.vector_load %arg6[%get3A_606] {strides = array<i32>} : memref<208xi32, #tpu.memory_space<vmem>>, vector<16xi32>,
      %get3A_608 = vector.shape_cast %get3A_607 : vector<16xi32> to vector<16xi32>
      %add3A_609 = arith.addi %get3A_605, %get3A_608 : vector<16xi32>
      %swap3A_610 = arith.constant 5 : i32
      %swap3A_611 = arith.index_cast %swap3A_610 : i32 to index
      %swap3A_612 = arith.index_cast %mul3A_600 : i32 to index
      %swap3A_613 = tpu.vector_load %arg5[%swap3A_611, %swap3A_612] {strides = array<i32>} : memref<8x1664xi32, #tpu.memory_space<vmem>>, vector<1x16xi32>,
      %swap3A_614 = vector.shape_cast %swap3A_613 : vector<1x16xi32> to vector<16xi32>
      %swap3A_615 = vector.shape_cast %add3A_609 : vector<16xi32> to vector<1x16xi32>
      tpu.vector_store %arg5[%swap3A_611, %swap3A_612], %swap3A_615 {strides = array<i32>} : memref<8x1664xi32, #tpu.memory_space<vmem>>, vector<1x16xi32>,
      %mul3A_616 = arith.constant 13 : i32
      %mul3A_617 = arith.muli %scan3A_470, %mul3A_616 : i32
      %add3A_618 = arith.constant 7 : i32
      %add3A_619 = arith.addi %mul3A_617, %add3A_618 : i32
      %mul3A_620 = arith.constant 16 : i32
      %mul3A_621 = arith.muli %add3A_619, %mul3A_620 : i32
      %get3A_622 = arith.constant 5 : i32
      %get3A_623 = arith.index_cast %get3A_622 : i32 to index
      %get3A_624 = arith.index_cast %mul3A_621 : i32 to index
      %get3A_625 = tpu.vector_load %arg5[%get3A_623, %get3A_624] {strides = array<i32>} : memref<8x1664xi32, #tpu.memory_space<vmem>>, vector<1x16xi32>,
      %get3A_626 = vector.shape_cast %get3A_625 : vector<1x16xi32> to vector<16xi32>
      %get3A_627 = arith.constant 112 : index
      %get3A_628 = tpu.vector_load %arg6[%get3A_627] {strides = array<i32>} : memref<208xi32, #tpu.memory_space<vmem>>, vector<16xi32>,
      %get3A_629 = vector.shape_cast %get3A_628 : vector<16xi32> to vector<16xi32>
      %add3A_630 = arith.addi %get3A_626, %get3A_629 : vector<16xi32>
      %swap3A_631 = arith.constant 5 : i32
      %swap3A_632 = arith.index_cast %swap3A_631 : i32 to index
      %swap3A_633 = arith.index_cast %mul3A_621 : i32 to index
      %swap3A_634 = tpu.vector_load %arg5[%swap3A_632, %swap3A_633] {strides = array<i32>} : memref<8x1664xi32, #tpu.memory_space<vmem>>, vector<1x16xi32>,
      %swap3A_635 = vector.shape_cast %swap3A_634 : vector<1x16xi32> to vector<16xi32>
      %swap3A_636 = vector.shape_cast %add3A_630 : vector<16xi32> to vector<1x16xi32>
      tpu.vector_store %arg5[%swap3A_632, %swap3A_633], %swap3A_636 {strides = array<i32>} : memref<8x1664xi32, #tpu.memory_space<vmem>>, vector<1x16xi32>,
      %mul3A_637 = arith.constant 13 : i32
      %mul3A_638 = arith.muli %scan3A_470, %mul3A_637 : i32
      %add3A_639 = arith.constant 8 : i32
      %add3A_640 = arith.addi %mul3A_638, %add3A_639 : i32
      %mul3A_641 = arith.constant 16 : i32
      %mul3A_642 = arith.muli %add3A_640, %mul3A_641 : i32
      %get3A_643 = arith.constant 5 : i32
      %get3A_644 = arith.index_cast %get3A_643 : i32 to index
      %get3A_645 = arith.index_cast %mul3A_642 : i32 to index
      %get3A_646 = tpu.vector_load %arg5[%get3A_644, %get3A_645] {strides = array<i32>} : memref<8x1664xi32, #tpu.memory_space<vmem>>, vector<1x16xi32>,
      %get3A_647 = vector.shape_cast %get3A_646 : vector<1x16xi32> to vector<16xi32>
      %get3A_648 = arith.constant 128 : index
      %get3A_649 = tpu.vector_load %arg6[%get3A_648] {strides = array<i32>} : memref<208xi32, #tpu.memory_space<vmem>>, vector<16xi32>,
      %get3A_650 = vector.shape_cast %get3A_649 : vector<16xi32> to vector<16xi32>
      %add3A_651 = arith.addi %get3A_647, %get3A_650 : vector<16xi32>
      %swap3A_652 = arith.constant 5 : i32
      %swap3A_653 = arith.index_cast %swap3A_652 : i32 to index
      %swap3A_654 = arith.index_cast %mul3A_642 : i32 to index
      %swap3A_655 = tpu.vector_load %arg5[%swap3A_653, %swap3A_654] {strides = array<i32>} : memref<8x1664xi32, #tpu.memory_space<vmem>>, vector<1x16xi32>,
      %swap3A_656 = vector.shape_cast %swap3A_655 : vector<1x16xi32> to vector<16xi32>
      %swap3A_657 = vector.shape_cast %add3A_651 : vector<16xi32> to vector<1x16xi32>
      tpu.vector_store %arg5[%swap3A_653, %swap3A_654], %swap3A_657 {strides = array<i32>} : memref<8x1664xi32, #tpu.memory_space<vmem>>, vector<1x16xi32>,
      %mul3A_658 = arith.constant 13 : i32
      %mul3A_659 = arith.muli %scan3A_470, %mul3A_658 : i32
      %add3A_660 = arith.constant 9 : i32
      %add3A_661 = arith.addi %mul3A_659, %add3A_660 : i32
      %mul3A_662 = arith.constant 16 : i32
      %mul3A_663 = arith.muli %add3A_661, %mul3A_662 : i32
      %get3A_664 = arith.constant 5 : i32
      %get3A_665 = arith.index_cast %get3A_664 : i32 to index
      %get3A_666 = arith.index_cast %mul3A_663 : i32 to index
      %get3A_667 = tpu.vector_load %arg5[%get3A_665, %get3A_666] {strides = array<i32>} : memref<8x1664xi32, #tpu.memory_space<vmem>>, vector<1x16xi32>,
      %get3A_668 = vector.shape_cast %get3A_667 : vector<1x16xi32> to vector<16xi32>
      %get3A_669 = arith.constant 144 : index
      %get3A_670 = tpu.vector_load %arg6[%get3A_669] {strides = array<i32>} : memref<208xi32, #tpu.memory_space<vmem>>, vector<16xi32>,
      %get3A_671 = vector.shape_cast %get3A_670 : vector<16xi32> to vector<16xi32>
      %add3A_672 = arith.addi %get3A_668, %get3A_671 : vector<16xi32>
      %swap3A_673 = arith.constant 5 : i32
      %swap3A_674 = arith.index_cast %swap3A_673 : i32 to index
      %swap3A_675 = arith.index_cast %mul3A_663 : i32 to index
      %swap3A_676 = tpu.vector_load %arg5[%swap3A_674, %swap3A_675] {strides = array<i32>} : memref<8x1664xi32, #tpu.memory_space<vmem>>, vector<1x16xi32>,
      %swap3A_677 = vector.shape_cast %swap3A_676 : vector<1x16xi32> to vector<16xi32>
      %swap3A_678 = vector.shape_cast %add3A_672 : vector<16xi32> to vector<1x16xi32>
      tpu.vector_store %arg5[%swap3A_674, %swap3A_675], %swap3A_678 {strides = array<i32>} : memref<8x1664xi32, #tpu.memory_space<vmem>>, vector<1x16xi32>,
      %mul3A_679 = arith.constant 13 : i32
      %mul3A_680 = arith.muli %scan3A_470, %mul3A_679 : i32
      %add3A_681 = arith.constant 10 : i32
      %add3A_682 = arith.addi %mul3A_680, %add3A_681 : i32
      %mul3A_683 = arith.constant 16 : i32
      %mul3A_684 = arith.muli %add3A_682, %mul3A_683 : i32
      %get3A_685 = arith.constant 5 : i32
      %get3A_686 = arith.index_cast %get3A_685 : i32 to index
      %get3A_687 = arith.index_cast %mul3A_684 : i32 to index
      %get3A_688 = tpu.vector_load %arg5[%get3A_686, %get3A_687] {strides = array<i32>} : memref<8x1664xi32, #tpu.memory_space<vmem>>, vector<1x16xi32>,
      %get3A_689 = vector.shape_cast %get3A_688 : vector<1x16xi32> to vector<16xi32>
      %get3A_690 = arith.constant 160 : index
      %get3A_691 = tpu.vector_load %arg6[%get3A_690] {strides = array<i32>} : memref<208xi32, #tpu.memory_space<vmem>>, vector<16xi32>,
      %get3A_692 = vector.shape_cast %get3A_691 : vector<16xi32> to vector<16xi32>
      %add3A_693 = arith.addi %get3A_689, %get3A_692 : vector<16xi32>
      %swap3A_694 = arith.constant 5 : i32
      %swap3A_695 = arith.index_cast %swap3A_694 : i32 to index
      %swap3A_696 = arith.index_cast %mul3A_684 : i32 to index
      %swap3A_697 = tpu.vector_load %arg5[%swap3A_695, %swap3A_696] {strides = array<i32>} : memref<8x1664xi32, #tpu.memory_space<vmem>>, vector<1x16xi32>,
      %swap3A_698 = vector.shape_cast %swap3A_697 : vector<1x16xi32> to vector<16xi32>
      %swap3A_699 = vector.shape_cast %add3A_693 : vector<16xi32> to vector<1x16xi32>
      tpu.vector_store %arg5[%swap3A_695, %swap3A_696], %swap3A_699 {strides = array<i32>} : memref<8x1664xi32, #tpu.memory_space<vmem>>, vector<1x16xi32>,
      %mul3A_700 = arith.constant 13 : i32
      %mul3A_701 = arith.muli %scan3A_470, %mul3A_700 : i32
      %add3A_702 = arith.constant 11 : i32
      %add3A_703 = arith.addi %mul3A_701, %add3A_702 : i32
      %mul3A_704 = arith.constant 16 : i32
      %mul3A_705 = arith.muli %add3A_703, %mul3A_704 : i32
      %get3A_706 = arith.constant 5 : i32
      %get3A_707 = arith.index_cast %get3A_706 : i32 to index
      %get3A_708 = arith.index_cast %mul3A_705 : i32 to index
      %get3A_709 = tpu.vector_load %arg5[%get3A_707, %get3A_708] {strides = array<i32>} : memref<8x1664xi32, #tpu.memory_space<vmem>>, vector<1x16xi32>,
      %get3A_710 = vector.shape_cast %get3A_709 : vector<1x16xi32> to vector<16xi32>
      %get3A_711 = arith.constant 176 : index
      %get3A_712 = tpu.vector_load %arg6[%get3A_711] {strides = array<i32>} : memref<208xi32, #tpu.memory_space<vmem>>, vector<16xi32>,
      %get3A_713 = vector.shape_cast %get3A_712 : vector<16xi32> to vector<16xi32>
      %add3A_714 = arith.addi %get3A_710, %get3A_713 : vector<16xi32>
      %swap3A_715 = arith.constant 5 : i32
      %swap3A_716 = arith.index_cast %swap3A_715 : i32 to index
      %swap3A_717 = arith.index_cast %mul3A_705 : i32 to index
      %swap3A_718 = tpu.vector_load %arg5[%swap3A_716, %swap3A_717] {strides = array<i32>} : memref<8x1664xi32, #tpu.memory_space<vmem>>, vector<1x16xi32>,
      %swap3A_719 = vector.shape_cast %swap3A_718 : vector<1x16xi32> to vector<16xi32>
      %swap3A_720 = vector.shape_cast %add3A_714 : vector<16xi32> to vector<1x16xi32>
      tpu.vector_store %arg5[%swap3A_716, %swap3A_717], %swap3A_720 {strides = array<i32>} : memref<8x1664xi32, #tpu.memory_space<vmem>>, vector<1x16xi32>,
      %mul3A_721 = arith.constant 13 : i32
      %mul3A_722 = arith.muli %scan3A_470, %mul3A_721 : i32
      %add3A_723 = arith.constant 12 : i32
      %add3A_724 = arith.addi %mul3A_722, %add3A_723 : i32
      %mul3A_725 = arith.constant 16 : i32
      %mul3A_726 = arith.muli %add3A_724, %mul3A_725 : i32
      %get3A_727 = arith.constant 5 : i32
      %get3A_728 = arith.index_cast %get3A_727 : i32 to index
      %get3A_729 = arith.index_cast %mul3A_726 : i32 to index
      %get3A_730 = tpu.vector_load %arg5[%get3A_728, %get3A_729] {strides = array<i32>} : memref<8x1664xi32, #tpu.memory_space<vmem>>, vector<1x16xi32>,
      %get3A_731 = vector.shape_cast %get3A_730 : vector<1x16xi32> to vector<16xi32>
      %get3A_732 = arith.constant 192 : index
      %get3A_733 = tpu.vector_load %arg6[%get3A_732] {strides = array<i32>} : memref<208xi32, #tpu.memory_space<vmem>>, vector<16xi32>,
      %get3A_734 = vector.shape_cast %get3A_733 : vector<16xi32> to vector<16xi32>
      %add3A_735 = arith.addi %get3A_731, %get3A_734 : vector<16xi32>
      %swap3A_736 = arith.constant 5 : i32
      %swap3A_737 = arith.index_cast %swap3A_736 : i32 to index
      %swap3A_738 = arith.index_cast %mul3A_726 : i32 to index
      %swap3A_739 = tpu.vector_load %arg5[%swap3A_737, %swap3A_738] {strides = array<i32>} : memref<8x1664xi32, #tpu.memory_space<vmem>>, vector<1x16xi32>,
      %swap3A_740 = vector.shape_cast %swap3A_739 : vector<1x16xi32> to vector<16xi32>
      %swap3A_741 = vector.shape_cast %add3A_735 : vector<16xi32> to vector<1x16xi32>
      tpu.vector_store %arg5[%swap3A_737, %swap3A_738], %swap3A_741 {strides = array<i32>} : memref<8x1664xi32, #tpu.memory_space<vmem>>, vector<1x16xi32>,
    }
    %scan3A_248 = arith.constant 8 : i32
    %dma_wait3A_249 = arith.constant 1 : i32
    %dma_wait3A_250 = arith.constant 0 : i32
    %dma_wait3A_251 = arith.constant 0 : i32
    %dma_wait3A_252 = tpu.memref_slice %arg7[%dma_wait3A_249, %dma_wait3A_250, %dma_wait3A_251] : memref<2x1664x32xf32, #tpu.memory_space<vmem>> -> memref<1x1664x32xf32, #tpu.memory_space<vmem>>
    %dma_wait3A_253 = tpu.memref_squeeze %dma_wait3A_252 : memref<1x1664x32xf32, #tpu.memory_space<vmem>> -> memref<1664x32xf32, #tpu.memory_space<vmem>>
    %dma_wait3A_254 = arith.constant 0 : i32
    %dma_wait3A_255 = tpu.memref_slice %arg4[%add3A_229, %dma_wait3A_254] : memref<425984x32xf32, #tpu.memory_space<hbm>> -> memref<1664x32xf32, #tpu.memory_space<hbm>>
    %dma_wait3A_256 = arith.constant 0 : i32
    %dma_wait3A_257 = tpu.memref_slice %arg4[%add3A_229, %dma_wait3A_256] : memref<425984x32xf32, #tpu.memory_space<hbm>> -> memref<1664x32xf32, #tpu.memory_space<hbm>>
    %dma_wait3A_258 = arith.constant 0 : i32
    %dma_wait3A_259 = arith.constant 0 : i32
    %dma_wait3A_260 = tpu.memref_slice %arg7[%dma_wait3A_249, %dma_wait3A_258, %dma_wait3A_259] : memref<2x1664x32xf32, #tpu.memory_space<vmem>> -> memref<1x1664x32xf32, #tpu.memory_space<vmem>>
    %dma_wait3A_261 = tpu.memref_squeeze %dma_wait3A_260 : memref<1x1664x32xf32, #tpu.memory_space<vmem>> -> memref<1664x32xf32, #tpu.memory_space<vmem>>
    tpu.wait_dma2 semaphore(%arg9 : memref<!tpu.dma_semaphore, #tpu.memory_space<semaphore_mem>>) src(%dma_wait3A_261 : memref<1664x32xf32, #tpu.memory_space<vmem>>) dst(%dma_wait3A_257 : memref<1664x32xf32, #tpu.memory_space<hbm>>)
    %dma_start3A_262 = arith.constant 5 : i32
    %dma_start3A_263 = arith.constant 1 : i32
    %dma_start3A_264 = arith.constant 0 : i32
    %dma_start3A_265 = arith.constant 0 : i32
    %dma_start3A_266 = tpu.memref_slice %arg7[%dma_start3A_263, %dma_start3A_264, %dma_start3A_265] : memref<2x1664x32xf32, #tpu.memory_space<vmem>> -> memref<1x1664x32xf32, #tpu.memory_space<vmem>>
    %dma_start3A_267 = tpu.memref_squeeze %dma_start3A_266 : memref<1x1664x32xf32, #tpu.memory_space<vmem>> -> memref<1664x32xf32, #tpu.memory_space<vmem>>
    %dma_start3A_268 = arith.constant 0 : i32
    %dma_start3A_269 = tpu.memref_slice %arg5[%dma_start3A_262, %dma_start3A_268] : memref<8x1664xi32, #tpu.memory_space<vmem>> -> memref<1x1664xi32, #tpu.memory_space<vmem>>
    %dma_start3A_270 = tpu.memref_squeeze %dma_start3A_269 : memref<1x1664xi32, #tpu.memory_space<vmem>> -> memref<1664xi32, #tpu.memory_space<vmem>>
    %dma_start3A_271 = arith.constant 0 : i32
    %dma_start3A_272 = arith.constant 0 : i32
    %dma_start3A_273 = tpu.memref_slice %arg3[%dma_start3A_271, %dma_start3A_272] : memref<2600000x32xf32, #tpu.memory_space<hbm>> -> memref<2600000x32xf32, #tpu.memory_space<hbm>>
    tpu.enqueue_indirect_dma source(%dma_start3A_273 : memref<2600000x32xf32, #tpu.memory_space<hbm>>) target(%dma_start3A_267 : memref<1664x32xf32, #tpu.memory_space<vmem>>) offsets(%dma_start3A_270 : memref<1664xi32, #tpu.memory_space<vmem>>) semaphore(%arg8 : memref<!tpu.dma_semaphore, #tpu.memory_space<semaphore_mem>>)
    %dma_wait3A_274 = arith.constant 4 : i32
    %dma_wait3A_275 = arith.constant 0 : i32
    %dma_wait3A_276 = arith.constant 0 : i32
    %dma_wait3A_277 = arith.constant 0 : i32
    %dma_wait3A_278 = tpu.memref_slice %arg7[%dma_wait3A_275, %dma_wait3A_276, %dma_wait3A_277] : memref<2x1664x32xf32, #tpu.memory_space<vmem>> -> memref<1x1664x32xf32, #tpu.memory_space<vmem>>
    %dma_wait3A_279 = tpu.memref_squeeze %dma_wait3A_278 : memref<1x1664x32xf32, #tpu.memory_space<vmem>> -> memref<1664x32xf32, #tpu.memory_space<vmem>>
    %dma_wait3A_280 = arith.constant 0 : i32
    %dma_wait3A_281 = tpu.memref_slice %arg5[%dma_wait3A_274, %dma_wait3A_280] : memref<8x1664xi32, #tpu.memory_space<vmem>> -> memref<1x1664xi32, #tpu.memory_space<vmem>>
    %dma_wait3A_282 = tpu.memref_squeeze %dma_wait3A_281 : memref<1x1664xi32, #tpu.memory_space<vmem>> -> memref<1664xi32, #tpu.memory_space<vmem>>
    %dma_wait3A_283 = arith.constant 0 : i32
    %dma_wait3A_284 = arith.constant 0 : i32
    %dma_wait3A_285 = tpu.memref_slice %arg3[%dma_wait3A_283, %dma_wait3A_284] : memref<2600000x32xf32, #tpu.memory_space<hbm>> -> memref<2600000x32xf32, #tpu.memory_space<hbm>>
    tpu.wait_indirect_dma semaphore(%arg8 : memref<!tpu.dma_semaphore, #tpu.memory_space<semaphore_mem>>) src(%dma_wait3A_285 : memref<2600000x32xf32, #tpu.memory_space<hbm>>) dst(%dma_wait3A_279 : memref<1664x32xf32, #tpu.memory_space<vmem>>)
    %add3A_286 = arith.constant 6656 : i32
    %add3A_287 = arith.addi %mul3A_2, %add3A_286 : i32
    %dma_start3A_288 = arith.constant 0 : i32
    %dma_start3A_289 = arith.constant 0 : i32
    %dma_start3A_290 = arith.constant 0 : i32
    %dma_start3A_291 = tpu.memref_slice %arg7[%dma_start3A_288, %dma_start3A_289, %dma_start3A_290] : memref<2x1664x32xf32, #tpu.memory_space<vmem>> -> memref<1x1664x32xf32, #tpu.memory_space<vmem>>
    %dma_start3A_292 = tpu.memref_squeeze %dma_start3A_291 : memref<1x1664x32xf32, #tpu.memory_space<vmem>> -> memref<1664x32xf32, #tpu.memory_space<vmem>>
    %dma_start3A_293 = arith.constant 0 : i32
    %dma_start3A_294 = tpu.memref_slice %arg4[%add3A_287, %dma_start3A_293] : memref<425984x32xf32, #tpu.memory_space<hbm>> -> memref<1664x32xf32, #tpu.memory_space<hbm>>
    %dma_start3A_295 = arith.constant 0 : i32
    %dma_start3A_296 = tpu.memref_slice %arg4[%add3A_287, %dma_start3A_295] : memref<425984x32xf32, #tpu.memory_space<hbm>> -> memref<1664x32xf32, #tpu.memory_space<hbm>>
    %dma_start3A_297 = arith.constant 0 : i32
    %dma_start3A_298 = arith.constant 0 : i32
    %dma_start3A_299 = tpu.memref_slice %arg7[%dma_start3A_288, %dma_start3A_297, %dma_start3A_298] : memref<2x1664x32xf32, #tpu.memory_space<vmem>> -> memref<1x1664x32xf32, #tpu.memory_space<vmem>>
    %dma_start3A_300 = tpu.memref_squeeze %dma_start3A_299 : memref<1x1664x32xf32, #tpu.memory_space<vmem>> -> memref<1664x32xf32, #tpu.memory_space<vmem>>
    tpu.enqueue_dma source(%dma_start3A_300 : memref<1664x32xf32, #tpu.memory_space<vmem>>) target(%dma_start3A_296 : memref<1664x32xf32, #tpu.memory_space<hbm>>) target_semaphore(%arg9 : memref<!tpu.dma_semaphore, #tpu.memory_space<semaphore_mem>>)
    %scan3A_301 = arith.constant 0 : i32
    %scan3A_302 = arith.constant 0 : i32
    %scan3A_303 = arith.constant 8 : i32
    %scan3A_304 = arith.addi %scan3A_302, %scan3A_303 : i32
    %scan3A_305 = arith.constant 1 : i32
    scf.for %scan3A_470 = %scan3A_302 to %scan3A_304 step %scan3A_305  : i32 {
      %mul3A_471 = arith.constant 13 : i32
      %mul3A_472 = arith.muli %scan3A_470, %mul3A_471 : i32
      %add3A_473 = arith.constant 0 : i32
      %add3A_474 = arith.addi %mul3A_472, %add3A_473 : i32
      %mul3A_475 = arith.constant 16 : i32
      %mul3A_476 = arith.muli %add3A_474, %mul3A_475 : i32
      %get3A = arith.constant 6 : i32
      %get3A_477 = arith.index_cast %get3A : i32 to index
      %get3A_478 = arith.index_cast %mul3A_476 : i32 to index
      %get3A_479 = tpu.vector_load %arg5[%get3A_477, %get3A_478] {strides = array<i32>} : memref<8x1664xi32, #tpu.memory_space<vmem>>, vector<1x16xi32>,
      %get3A_480 = vector.shape_cast %get3A_479 : vector<1x16xi32> to vector<16xi32>
      %get3A_481 = arith.constant 0 : index
      %get3A_482 = tpu.vector_load %arg6[%get3A_481] {strides = array<i32>} : memref<208xi32, #tpu.memory_space<vmem>>, vector<16xi32>,
      %get3A_483 = vector.shape_cast %get3A_482 : vector<16xi32> to vector<16xi32>
      %add3A_484 = arith.addi %get3A_480, %get3A_483 : vector<16xi32>
      %swap3A = arith.constant 6 : i32
      %swap3A_485 = arith.index_cast %swap3A : i32 to index
      %swap3A_486 = arith.index_cast %mul3A_476 : i32 to index
      %swap3A_487 = tpu.vector_load %arg5[%swap3A_485, %swap3A_486] {strides = array<i32>} : memref<8x1664xi32, #tpu.memory_space<vmem>>, vector<1x16xi32>,
      %swap3A_488 = vector.shape_cast %swap3A_487 : vector<1x16xi32> to vector<16xi32>
      %swap3A_489 = vector.shape_cast %add3A_484 : vector<16xi32> to vector<1x16xi32>
      tpu.vector_store %arg5[%swap3A_485, %swap3A_486], %swap3A_489 {strides = array<i32>} : memref<8x1664xi32, #tpu.memory_space<vmem>>, vector<1x16xi32>,
      %mul3A_490 = arith.constant 13 : i32
      %mul3A_491 = arith.muli %scan3A_470, %mul3A_490 : i32
      %add3A_492 = arith.constant 1 : i32
      %add3A_493 = arith.addi %mul3A_491, %add3A_492 : i32
      %mul3A_494 = arith.constant 16 : i32
      %mul3A_495 = arith.muli %add3A_493, %mul3A_494 : i32
      %get3A_496 = arith.constant 6 : i32
      %get3A_497 = arith.index_cast %get3A_496 : i32 to index
      %get3A_498 = arith.index_cast %mul3A_495 : i32 to index
      %get3A_499 = tpu.vector_load %arg5[%get3A_497, %get3A_498] {strides = array<i32>} : memref<8x1664xi32, #tpu.memory_space<vmem>>, vector<1x16xi32>,
      %get3A_500 = vector.shape_cast %get3A_499 : vector<1x16xi32> to vector<16xi32>
      %get3A_501 = arith.constant 16 : index
      %get3A_502 = tpu.vector_load %arg6[%get3A_501] {strides = array<i32>} : memref<208xi32, #tpu.memory_space<vmem>>, vector<16xi32>,
      %get3A_503 = vector.shape_cast %get3A_502 : vector<16xi32> to vector<16xi32>
      %add3A_504 = arith.addi %get3A_500, %get3A_503 : vector<16xi32>
      %swap3A_505 = arith.constant 6 : i32
      %swap3A_506 = arith.index_cast %swap3A_505 : i32 to index
      %swap3A_507 = arith.index_cast %mul3A_495 : i32 to index
      %swap3A_508 = tpu.vector_load %arg5[%swap3A_506, %swap3A_507] {strides = array<i32>} : memref<8x1664xi32, #tpu.memory_space<vmem>>, vector<1x16xi32>,
      %swap3A_509 = vector.shape_cast %swap3A_508 : vector<1x16xi32> to vector<16xi32>
      %swap3A_510 = vector.shape_cast %add3A_504 : vector<16xi32> to vector<1x16xi32>
      tpu.vector_store %arg5[%swap3A_506, %swap3A_507], %swap3A_510 {strides = array<i32>} : memref<8x1664xi32, #tpu.memory_space<vmem>>, vector<1x16xi32>,
      %mul3A_511 = arith.constant 13 : i32
      %mul3A_512 = arith.muli %scan3A_470, %mul3A_511 : i32
      %add3A_513 = arith.constant 2 : i32
      %add3A_514 = arith.addi %mul3A_512, %add3A_513 : i32
      %mul3A_515 = arith.constant 16 : i32
      %mul3A_516 = arith.muli %add3A_514, %mul3A_515 : i32
      %get3A_517 = arith.constant 6 : i32
      %get3A_518 = arith.index_cast %get3A_517 : i32 to index
      %get3A_519 = arith.index_cast %mul3A_516 : i32 to index
      %get3A_520 = tpu.vector_load %arg5[%get3A_518, %get3A_519] {strides = array<i32>} : memref<8x1664xi32, #tpu.memory_space<vmem>>, vector<1x16xi32>,
      %get3A_521 = vector.shape_cast %get3A_520 : vector<1x16xi32> to vector<16xi32>
      %get3A_522 = arith.constant 32 : index
      %get3A_523 = tpu.vector_load %arg6[%get3A_522] {strides = array<i32>} : memref<208xi32, #tpu.memory_space<vmem>>, vector<16xi32>,
      %get3A_524 = vector.shape_cast %get3A_523 : vector<16xi32> to vector<16xi32>
      %add3A_525 = arith.addi %get3A_521, %get3A_524 : vector<16xi32>
      %swap3A_526 = arith.constant 6 : i32
      %swap3A_527 = arith.index_cast %swap3A_526 : i32 to index
      %swap3A_528 = arith.index_cast %mul3A_516 : i32 to index
      %swap3A_529 = tpu.vector_load %arg5[%swap3A_527, %swap3A_528] {strides = array<i32>} : memref<8x1664xi32, #tpu.memory_space<vmem>>, vector<1x16xi32>,
      %swap3A_530 = vector.shape_cast %swap3A_529 : vector<1x16xi32> to vector<16xi32>
      %swap3A_531 = vector.shape_cast %add3A_525 : vector<16xi32> to vector<1x16xi32>
      tpu.vector_store %arg5[%swap3A_527, %swap3A_528], %swap3A_531 {strides = array<i32>} : memref<8x1664xi32, #tpu.memory_space<vmem>>, vector<1x16xi32>,
      %mul3A_532 = arith.constant 13 : i32
      %mul3A_533 = arith.muli %scan3A_470, %mul3A_532 : i32
      %add3A_534 = arith.constant 3 : i32
      %add3A_535 = arith.addi %mul3A_533, %add3A_534 : i32
      %mul3A_536 = arith.constant 16 : i32
      %mul3A_537 = arith.muli %add3A_535, %mul3A_536 : i32
      %get3A_538 = arith.constant 6 : i32
      %get3A_539 = arith.index_cast %get3A_538 : i32 to index
      %get3A_540 = arith.index_cast %mul3A_537 : i32 to index
      %get3A_541 = tpu.vector_load %arg5[%get3A_539, %get3A_540] {strides = array<i32>} : memref<8x1664xi32, #tpu.memory_space<vmem>>, vector<1x16xi32>,
      %get3A_542 = vector.shape_cast %get3A_541 : vector<1x16xi32> to vector<16xi32>
      %get3A_543 = arith.constant 48 : index
      %get3A_544 = tpu.vector_load %arg6[%get3A_543] {strides = array<i32>} : memref<208xi32, #tpu.memory_space<vmem>>, vector<16xi32>,
      %get3A_545 = vector.shape_cast %get3A_544 : vector<16xi32> to vector<16xi32>
      %add3A_546 = arith.addi %get3A_542, %get3A_545 : vector<16xi32>
      %swap3A_547 = arith.constant 6 : i32
      %swap3A_548 = arith.index_cast %swap3A_547 : i32 to index
      %swap3A_549 = arith.index_cast %mul3A_537 : i32 to index
      %swap3A_550 = tpu.vector_load %arg5[%swap3A_548, %swap3A_549] {strides = array<i32>} : memref<8x1664xi32, #tpu.memory_space<vmem>>, vector<1x16xi32>,
      %swap3A_551 = vector.shape_cast %swap3A_550 : vector<1x16xi32> to vector<16xi32>
      %swap3A_552 = vector.shape_cast %add3A_546 : vector<16xi32> to vector<1x16xi32>
      tpu.vector_store %arg5[%swap3A_548, %swap3A_549], %swap3A_552 {strides = array<i32>} : memref<8x1664xi32, #tpu.memory_space<vmem>>, vector<1x16xi32>,
      %mul3A_553 = arith.constant 13 : i32
      %mul3A_554 = arith.muli %scan3A_470, %mul3A_553 : i32
      %add3A_555 = arith.constant 4 : i32
      %add3A_556 = arith.addi %mul3A_554, %add3A_555 : i32
      %mul3A_557 = arith.constant 16 : i32
      %mul3A_558 = arith.muli %add3A_556, %mul3A_557 : i32
      %get3A_559 = arith.constant 6 : i32
      %get3A_560 = arith.index_cast %get3A_559 : i32 to index
      %get3A_561 = arith.index_cast %mul3A_558 : i32 to index
      %get3A_562 = tpu.vector_load %arg5[%get3A_560, %get3A_561] {strides = array<i32>} : memref<8x1664xi32, #tpu.memory_space<vmem>>, vector<1x16xi32>,
      %get3A_563 = vector.shape_cast %get3A_562 : vector<1x16xi32> to vector<16xi32>
      %get3A_564 = arith.constant 64 : index
      %get3A_565 = tpu.vector_load %arg6[%get3A_564] {strides = array<i32>} : memref<208xi32, #tpu.memory_space<vmem>>, vector<16xi32>,
      %get3A_566 = vector.shape_cast %get3A_565 : vector<16xi32> to vector<16xi32>
      %add3A_567 = arith.addi %get3A_563, %get3A_566 : vector<16xi32>
      %swap3A_568 = arith.constant 6 : i32
      %swap3A_569 = arith.index_cast %swap3A_568 : i32 to index
      %swap3A_570 = arith.index_cast %mul3A_558 : i32 to index
      %swap3A_571 = tpu.vector_load %arg5[%swap3A_569, %swap3A_570] {strides = array<i32>} : memref<8x1664xi32, #tpu.memory_space<vmem>>, vector<1x16xi32>,
      %swap3A_572 = vector.shape_cast %swap3A_571 : vector<1x16xi32> to vector<16xi32>
      %swap3A_573 = vector.shape_cast %add3A_567 : vector<16xi32> to vector<1x16xi32>
      tpu.vector_store %arg5[%swap3A_569, %swap3A_570], %swap3A_573 {strides = array<i32>} : memref<8x1664xi32, #tpu.memory_space<vmem>>, vector<1x16xi32>,
      %mul3A_574 = arith.constant 13 : i32
      %mul3A_575 = arith.muli %scan3A_470, %mul3A_574 : i32
      %add3A_576 = arith.constant 5 : i32
      %add3A_577 = arith.addi %mul3A_575, %add3A_576 : i32
      %mul3A_578 = arith.constant 16 : i32
      %mul3A_579 = arith.muli %add3A_577, %mul3A_578 : i32
      %get3A_580 = arith.constant 6 : i32
      %get3A_581 = arith.index_cast %get3A_580 : i32 to index
      %get3A_582 = arith.index_cast %mul3A_579 : i32 to index
      %get3A_583 = tpu.vector_load %arg5[%get3A_581, %get3A_582] {strides = array<i32>} : memref<8x1664xi32, #tpu.memory_space<vmem>>, vector<1x16xi32>,
      %get3A_584 = vector.shape_cast %get3A_583 : vector<1x16xi32> to vector<16xi32>
      %get3A_585 = arith.constant 80 : index
      %get3A_586 = tpu.vector_load %arg6[%get3A_585] {strides = array<i32>} : memref<208xi32, #tpu.memory_space<vmem>>, vector<16xi32>,
      %get3A_587 = vector.shape_cast %get3A_586 : vector<16xi32> to vector<16xi32>
      %add3A_588 = arith.addi %get3A_584, %get3A_587 : vector<16xi32>
      %swap3A_589 = arith.constant 6 : i32
      %swap3A_590 = arith.index_cast %swap3A_589 : i32 to index
      %swap3A_591 = arith.index_cast %mul3A_579 : i32 to index
      %swap3A_592 = tpu.vector_load %arg5[%swap3A_590, %swap3A_591] {strides = array<i32>} : memref<8x1664xi32, #tpu.memory_space<vmem>>, vector<1x16xi32>,
      %swap3A_593 = vector.shape_cast %swap3A_592 : vector<1x16xi32> to vector<16xi32>
      %swap3A_594 = vector.shape_cast %add3A_588 : vector<16xi32> to vector<1x16xi32>
      tpu.vector_store %arg5[%swap3A_590, %swap3A_591], %swap3A_594 {strides = array<i32>} : memref<8x1664xi32, #tpu.memory_space<vmem>>, vector<1x16xi32>,
      %mul3A_595 = arith.constant 13 : i32
      %mul3A_596 = arith.muli %scan3A_470, %mul3A_595 : i32
      %add3A_597 = arith.constant 6 : i32
      %add3A_598 = arith.addi %mul3A_596, %add3A_597 : i32
      %mul3A_599 = arith.constant 16 : i32
      %mul3A_600 = arith.muli %add3A_598, %mul3A_599 : i32
      %get3A_601 = arith.constant 6 : i32
      %get3A_602 = arith.index_cast %get3A_601 : i32 to index
      %get3A_603 = arith.index_cast %mul3A_600 : i32 to index
      %get3A_604 = tpu.vector_load %arg5[%get3A_602, %get3A_603] {strides = array<i32>} : memref<8x1664xi32, #tpu.memory_space<vmem>>, vector<1x16xi32>,
      %get3A_605 = vector.shape_cast %get3A_604 : vector<1x16xi32> to vector<16xi32>
      %get3A_606 = arith.constant 96 : index
      %get3A_607 = tpu.vector_load %arg6[%get3A_606] {strides = array<i32>} : memref<208xi32, #tpu.memory_space<vmem>>, vector<16xi32>,
      %get3A_608 = vector.shape_cast %get3A_607 : vector<16xi32> to vector<16xi32>
      %add3A_609 = arith.addi %get3A_605, %get3A_608 : vector<16xi32>
      %swap3A_610 = arith.constant 6 : i32
      %swap3A_611 = arith.index_cast %swap3A_610 : i32 to index
      %swap3A_612 = arith.index_cast %mul3A_600 : i32 to index
      %swap3A_613 = tpu.vector_load %arg5[%swap3A_611, %swap3A_612] {strides = array<i32>} : memref<8x1664xi32, #tpu.memory_space<vmem>>, vector<1x16xi32>,
      %swap3A_614 = vector.shape_cast %swap3A_613 : vector<1x16xi32> to vector<16xi32>
      %swap3A_615 = vector.shape_cast %add3A_609 : vector<16xi32> to vector<1x16xi32>
      tpu.vector_store %arg5[%swap3A_611, %swap3A_612], %swap3A_615 {strides = array<i32>} : memref<8x1664xi32, #tpu.memory_space<vmem>>, vector<1x16xi32>,
      %mul3A_616 = arith.constant 13 : i32
      %mul3A_617 = arith.muli %scan3A_470, %mul3A_616 : i32
      %add3A_618 = arith.constant 7 : i32
      %add3A_619 = arith.addi %mul3A_617, %add3A_618 : i32
      %mul3A_620 = arith.constant 16 : i32
      %mul3A_621 = arith.muli %add3A_619, %mul3A_620 : i32
      %get3A_622 = arith.constant 6 : i32
      %get3A_623 = arith.index_cast %get3A_622 : i32 to index
      %get3A_624 = arith.index_cast %mul3A_621 : i32 to index
      %get3A_625 = tpu.vector_load %arg5[%get3A_623, %get3A_624] {strides = array<i32>} : memref<8x1664xi32, #tpu.memory_space<vmem>>, vector<1x16xi32>,
      %get3A_626 = vector.shape_cast %get3A_625 : vector<1x16xi32> to vector<16xi32>
      %get3A_627 = arith.constant 112 : index
      %get3A_628 = tpu.vector_load %arg6[%get3A_627] {strides = array<i32>} : memref<208xi32, #tpu.memory_space<vmem>>, vector<16xi32>,
      %get3A_629 = vector.shape_cast %get3A_628 : vector<16xi32> to vector<16xi32>
      %add3A_630 = arith.addi %get3A_626, %get3A_629 : vector<16xi32>
      %swap3A_631 = arith.constant 6 : i32
      %swap3A_632 = arith.index_cast %swap3A_631 : i32 to index
      %swap3A_633 = arith.index_cast %mul3A_621 : i32 to index
      %swap3A_634 = tpu.vector_load %arg5[%swap3A_632, %swap3A_633] {strides = array<i32>} : memref<8x1664xi32, #tpu.memory_space<vmem>>, vector<1x16xi32>,
      %swap3A_635 = vector.shape_cast %swap3A_634 : vector<1x16xi32> to vector<16xi32>
      %swap3A_636 = vector.shape_cast %add3A_630 : vector<16xi32> to vector<1x16xi32>
      tpu.vector_store %arg5[%swap3A_632, %swap3A_633], %swap3A_636 {strides = array<i32>} : memref<8x1664xi32, #tpu.memory_space<vmem>>, vector<1x16xi32>,
      %mul3A_637 = arith.constant 13 : i32
      %mul3A_638 = arith.muli %scan3A_470, %mul3A_637 : i32
      %add3A_639 = arith.constant 8 : i32
      %add3A_640 = arith.addi %mul3A_638, %add3A_639 : i32
      %mul3A_641 = arith.constant 16 : i32
      %mul3A_642 = arith.muli %add3A_640, %mul3A_641 : i32
      %get3A_643 = arith.constant 6 : i32
      %get3A_644 = arith.index_cast %get3A_643 : i32 to index
      %get3A_645 = arith.index_cast %mul3A_642 : i32 to index
      %get3A_646 = tpu.vector_load %arg5[%get3A_644, %get3A_645] {strides = array<i32>} : memref<8x1664xi32, #tpu.memory_space<vmem>>, vector<1x16xi32>,
      %get3A_647 = vector.shape_cast %get3A_646 : vector<1x16xi32> to vector<16xi32>
      %get3A_648 = arith.constant 128 : index
      %get3A_649 = tpu.vector_load %arg6[%get3A_648] {strides = array<i32>} : memref<208xi32, #tpu.memory_space<vmem>>, vector<16xi32>,
      %get3A_650 = vector.shape_cast %get3A_649 : vector<16xi32> to vector<16xi32>
      %add3A_651 = arith.addi %get3A_647, %get3A_650 : vector<16xi32>
      %swap3A_652 = arith.constant 6 : i32
      %swap3A_653 = arith.index_cast %swap3A_652 : i32 to index
      %swap3A_654 = arith.index_cast %mul3A_642 : i32 to index
      %swap3A_655 = tpu.vector_load %arg5[%swap3A_653, %swap3A_654] {strides = array<i32>} : memref<8x1664xi32, #tpu.memory_space<vmem>>, vector<1x16xi32>,
      %swap3A_656 = vector.shape_cast %swap3A_655 : vector<1x16xi32> to vector<16xi32>
      %swap3A_657 = vector.shape_cast %add3A_651 : vector<16xi32> to vector<1x16xi32>
      tpu.vector_store %arg5[%swap3A_653, %swap3A_654], %swap3A_657 {strides = array<i32>} : memref<8x1664xi32, #tpu.memory_space<vmem>>, vector<1x16xi32>,
      %mul3A_658 = arith.constant 13 : i32
      %mul3A_659 = arith.muli %scan3A_470, %mul3A_658 : i32
      %add3A_660 = arith.constant 9 : i32
      %add3A_661 = arith.addi %mul3A_659, %add3A_660 : i32
      %mul3A_662 = arith.constant 16 : i32
      %mul3A_663 = arith.muli %add3A_661, %mul3A_662 : i32
      %get3A_664 = arith.constant 6 : i32
      %get3A_665 = arith.index_cast %get3A_664 : i32 to index
      %get3A_666 = arith.index_cast %mul3A_663 : i32 to index
      %get3A_667 = tpu.vector_load %arg5[%get3A_665, %get3A_666] {strides = array<i32>} : memref<8x1664xi32, #tpu.memory_space<vmem>>, vector<1x16xi32>,
      %get3A_668 = vector.shape_cast %get3A_667 : vector<1x16xi32> to vector<16xi32>
      %get3A_669 = arith.constant 144 : index
      %get3A_670 = tpu.vector_load %arg6[%get3A_669] {strides = array<i32>} : memref<208xi32, #tpu.memory_space<vmem>>, vector<16xi32>,
      %get3A_671 = vector.shape_cast %get3A_670 : vector<16xi32> to vector<16xi32>
      %add3A_672 = arith.addi %get3A_668, %get3A_671 : vector<16xi32>
      %swap3A_673 = arith.constant 6 : i32
      %swap3A_674 = arith.index_cast %swap3A_673 : i32 to index
      %swap3A_675 = arith.index_cast %mul3A_663 : i32 to index
      %swap3A_676 = tpu.vector_load %arg5[%swap3A_674, %swap3A_675] {strides = array<i32>} : memref<8x1664xi32, #tpu.memory_space<vmem>>, vector<1x16xi32>,
      %swap3A_677 = vector.shape_cast %swap3A_676 : vector<1x16xi32> to vector<16xi32>
      %swap3A_678 = vector.shape_cast %add3A_672 : vector<16xi32> to vector<1x16xi32>
      tpu.vector_store %arg5[%swap3A_674, %swap3A_675], %swap3A_678 {strides = array<i32>} : memref<8x1664xi32, #tpu.memory_space<vmem>>, vector<1x16xi32>,
      %mul3A_679 = arith.constant 13 : i32
      %mul3A_680 = arith.muli %scan3A_470, %mul3A_679 : i32
      %add3A_681 = arith.constant 10 : i32
      %add3A_682 = arith.addi %mul3A_680, %add3A_681 : i32
      %mul3A_683 = arith.constant 16 : i32
      %mul3A_684 = arith.muli %add3A_682, %mul3A_683 : i32
      %get3A_685 = arith.constant 6 : i32
      %get3A_686 = arith.index_cast %get3A_685 : i32 to index
      %get3A_687 = arith.index_cast %mul3A_684 : i32 to index
      %get3A_688 = tpu.vector_load %arg5[%get3A_686, %get3A_687] {strides = array<i32>} : memref<8x1664xi32, #tpu.memory_space<vmem>>, vector<1x16xi32>,
      %get3A_689 = vector.shape_cast %get3A_688 : vector<1x16xi32> to vector<16xi32>
      %get3A_690 = arith.constant 160 : index
      %get3A_691 = tpu.vector_load %arg6[%get3A_690] {strides = array<i32>} : memref<208xi32, #tpu.memory_space<vmem>>, vector<16xi32>,
      %get3A_692 = vector.shape_cast %get3A_691 : vector<16xi32> to vector<16xi32>
      %add3A_693 = arith.addi %get3A_689, %get3A_692 : vector<16xi32>
      %swap3A_694 = arith.constant 6 : i32
      %swap3A_695 = arith.index_cast %swap3A_694 : i32 to index
      %swap3A_696 = arith.index_cast %mul3A_684 : i32 to index
      %swap3A_697 = tpu.vector_load %arg5[%swap3A_695, %swap3A_696] {strides = array<i32>} : memref<8x1664xi32, #tpu.memory_space<vmem>>, vector<1x16xi32>,
      %swap3A_698 = vector.shape_cast %swap3A_697 : vector<1x16xi32> to vector<16xi32>
      %swap3A_699 = vector.shape_cast %add3A_693 : vector<16xi32> to vector<1x16xi32>
      tpu.vector_store %arg5[%swap3A_695, %swap3A_696], %swap3A_699 {strides = array<i32>} : memref<8x1664xi32, #tpu.memory_space<vmem>>, vector<1x16xi32>,
      %mul3A_700 = arith.constant 13 : i32
      %mul3A_701 = arith.muli %scan3A_470, %mul3A_700 : i32
      %add3A_702 = arith.constant 11 : i32
      %add3A_703 = arith.addi %mul3A_701, %add3A_702 : i32
      %mul3A_704 = arith.constant 16 : i32
      %mul3A_705 = arith.muli %add3A_703, %mul3A_704 : i32
      %get3A_706 = arith.constant 6 : i32
      %get3A_707 = arith.index_cast %get3A_706 : i32 to index
      %get3A_708 = arith.index_cast %mul3A_705 : i32 to index
      %get3A_709 = tpu.vector_load %arg5[%get3A_707, %get3A_708] {strides = array<i32>} : memref<8x1664xi32, #tpu.memory_space<vmem>>, vector<1x16xi32>,
      %get3A_710 = vector.shape_cast %get3A_709 : vector<1x16xi32> to vector<16xi32>
      %get3A_711 = arith.constant 176 : index
      %get3A_712 = tpu.vector_load %arg6[%get3A_711] {strides = array<i32>} : memref<208xi32, #tpu.memory_space<vmem>>, vector<16xi32>,
      %get3A_713 = vector.shape_cast %get3A_712 : vector<16xi32> to vector<16xi32>
      %add3A_714 = arith.addi %get3A_710, %get3A_713 : vector<16xi32>
      %swap3A_715 = arith.constant 6 : i32
      %swap3A_716 = arith.index_cast %swap3A_715 : i32 to index
      %swap3A_717 = arith.index_cast %mul3A_705 : i32 to index
      %swap3A_718 = tpu.vector_load %arg5[%swap3A_716, %swap3A_717] {strides = array<i32>} : memref<8x1664xi32, #tpu.memory_space<vmem>>, vector<1x16xi32>,
      %swap3A_719 = vector.shape_cast %swap3A_718 : vector<1x16xi32> to vector<16xi32>
      %swap3A_720 = vector.shape_cast %add3A_714 : vector<16xi32> to vector<1x16xi32>
      tpu.vector_store %arg5[%swap3A_716, %swap3A_717], %swap3A_720 {strides = array<i32>} : memref<8x1664xi32, #tpu.memory_space<vmem>>, vector<1x16xi32>,
      %mul3A_721 = arith.constant 13 : i32
      %mul3A_722 = arith.muli %scan3A_470, %mul3A_721 : i32
      %add3A_723 = arith.constant 12 : i32
      %add3A_724 = arith.addi %mul3A_722, %add3A_723 : i32
      %mul3A_725 = arith.constant 16 : i32
      %mul3A_726 = arith.muli %add3A_724, %mul3A_725 : i32
      %get3A_727 = arith.constant 6 : i32
      %get3A_728 = arith.index_cast %get3A_727 : i32 to index
      %get3A_729 = arith.index_cast %mul3A_726 : i32 to index
      %get3A_730 = tpu.vector_load %arg5[%get3A_728, %get3A_729] {strides = array<i32>} : memref<8x1664xi32, #tpu.memory_space<vmem>>, vector<1x16xi32>,
      %get3A_731 = vector.shape_cast %get3A_730 : vector<1x16xi32> to vector<16xi32>
      %get3A_732 = arith.constant 192 : index
      %get3A_733 = tpu.vector_load %arg6[%get3A_732] {strides = array<i32>} : memref<208xi32, #tpu.memory_space<vmem>>, vector<16xi32>,
      %get3A_734 = vector.shape_cast %get3A_733 : vector<16xi32> to vector<16xi32>
      %add3A_735 = arith.addi %get3A_731, %get3A_734 : vector<16xi32>
      %swap3A_736 = arith.constant 6 : i32
      %swap3A_737 = arith.index_cast %swap3A_736 : i32 to index
      %swap3A_738 = arith.index_cast %mul3A_726 : i32 to index
      %swap3A_739 = tpu.vector_load %arg5[%swap3A_737, %swap3A_738] {strides = array<i32>} : memref<8x1664xi32, #tpu.memory_space<vmem>>, vector<1x16xi32>,
      %swap3A_740 = vector.shape_cast %swap3A_739 : vector<1x16xi32> to vector<16xi32>
      %swap3A_741 = vector.shape_cast %add3A_735 : vector<16xi32> to vector<1x16xi32>
      tpu.vector_store %arg5[%swap3A_737, %swap3A_738], %swap3A_741 {strides = array<i32>} : memref<8x1664xi32, #tpu.memory_space<vmem>>, vector<1x16xi32>,
    }
    %scan3A_306 = arith.constant 8 : i32
    %dma_wait3A_307 = arith.constant 0 : i32
    %dma_wait3A_308 = arith.constant 0 : i32
    %dma_wait3A_309 = arith.constant 0 : i32
    %dma_wait3A_310 = tpu.memref_slice %arg7[%dma_wait3A_307, %dma_wait3A_308, %dma_wait3A_309] : memref<2x1664x32xf32, #tpu.memory_space<vmem>> -> memref<1x1664x32xf32, #tpu.memory_space<vmem>>
    %dma_wait3A_311 = tpu.memref_squeeze %dma_wait3A_310 : memref<1x1664x32xf32, #tpu.memory_space<vmem>> -> memref<1664x32xf32, #tpu.memory_space<vmem>>
    %dma_wait3A_312 = arith.constant 0 : i32
    %dma_wait3A_313 = tpu.memref_slice %arg4[%add3A_287, %dma_wait3A_312] : memref<425984x32xf32, #tpu.memory_space<hbm>> -> memref<1664x32xf32, #tpu.memory_space<hbm>>
    %dma_wait3A_314 = arith.constant 0 : i32
    %dma_wait3A_315 = tpu.memref_slice %arg4[%add3A_287, %dma_wait3A_314] : memref<425984x32xf32, #tpu.memory_space<hbm>> -> memref<1664x32xf32, #tpu.memory_space<hbm>>
    %dma_wait3A_316 = arith.constant 0 : i32
    %dma_wait3A_317 = arith.constant 0 : i32
    %dma_wait3A_318 = tpu.memref_slice %arg7[%dma_wait3A_307, %dma_wait3A_316, %dma_wait3A_317] : memref<2x1664x32xf32, #tpu.memory_space<vmem>> -> memref<1x1664x32xf32, #tpu.memory_space<vmem>>
    %dma_wait3A_319 = tpu.memref_squeeze %dma_wait3A_318 : memref<1x1664x32xf32, #tpu.memory_space<vmem>> -> memref<1664x32xf32, #tpu.memory_space<vmem>>
    tpu.wait_dma2 semaphore(%arg9 : memref<!tpu.dma_semaphore, #tpu.memory_space<semaphore_mem>>) src(%dma_wait3A_319 : memref<1664x32xf32, #tpu.memory_space<vmem>>) dst(%dma_wait3A_315 : memref<1664x32xf32, #tpu.memory_space<hbm>>)
    %dma_start3A_320 = arith.constant 6 : i32
    %dma_start3A_321 = arith.constant 0 : i32
    %dma_start3A_322 = arith.constant 0 : i32
    %dma_start3A_323 = arith.constant 0 : i32
    %dma_start3A_324 = tpu.memref_slice %arg7[%dma_start3A_321, %dma_start3A_322, %dma_start3A_323] : memref<2x1664x32xf32, #tpu.memory_space<vmem>> -> memref<1x1664x32xf32, #tpu.memory_space<vmem>>
    %dma_start3A_325 = tpu.memref_squeeze %dma_start3A_324 : memref<1x1664x32xf32, #tpu.memory_space<vmem>> -> memref<1664x32xf32, #tpu.memory_space<vmem>>
    %dma_start3A_326 = arith.constant 0 : i32
    %dma_start3A_327 = tpu.memref_slice %arg5[%dma_start3A_320, %dma_start3A_326] : memref<8x1664xi32, #tpu.memory_space<vmem>> -> memref<1x1664xi32, #tpu.memory_space<vmem>>
    %dma_start3A_328 = tpu.memref_squeeze %dma_start3A_327 : memref<1x1664xi32, #tpu.memory_space<vmem>> -> memref<1664xi32, #tpu.memory_space<vmem>>
    %dma_start3A_329 = arith.constant 0 : i32
    %dma_start3A_330 = arith.constant 0 : i32
    %dma_start3A_331 = tpu.memref_slice %arg3[%dma_start3A_329, %dma_start3A_330] : memref<2600000x32xf32, #tpu.memory_space<hbm>> -> memref<2600000x32xf32, #tpu.memory_space<hbm>>
    tpu.enqueue_indirect_dma source(%dma_start3A_331 : memref<2600000x32xf32, #tpu.memory_space<hbm>>) target(%dma_start3A_325 : memref<1664x32xf32, #tpu.memory_space<vmem>>) offsets(%dma_start3A_328 : memref<1664xi32, #tpu.memory_space<vmem>>) semaphore(%arg8 : memref<!tpu.dma_semaphore, #tpu.memory_space<semaphore_mem>>)
    %dma_wait3A_332 = arith.constant 5 : i32
    %dma_wait3A_333 = arith.constant 1 : i32
    %dma_wait3A_334 = arith.constant 0 : i32
    %dma_wait3A_335 = arith.constant 0 : i32
    %dma_wait3A_336 = tpu.memref_slice %arg7[%dma_wait3A_333, %dma_wait3A_334, %dma_wait3A_335] : memref<2x1664x32xf32, #tpu.memory_space<vmem>> -> memref<1x1664x32xf32, #tpu.memory_space<vmem>>
    %dma_wait3A_337 = tpu.memref_squeeze %dma_wait3A_336 : memref<1x1664x32xf32, #tpu.memory_space<vmem>> -> memref<1664x32xf32, #tpu.memory_space<vmem>>
    %dma_wait3A_338 = arith.constant 0 : i32
    %dma_wait3A_339 = tpu.memref_slice %arg5[%dma_wait3A_332, %dma_wait3A_338] : memref<8x1664xi32, #tpu.memory_space<vmem>> -> memref<1x1664xi32, #tpu.memory_space<vmem>>
    %dma_wait3A_340 = tpu.memref_squeeze %dma_wait3A_339 : memref<1x1664xi32, #tpu.memory_space<vmem>> -> memref<1664xi32, #tpu.memory_space<vmem>>
    %dma_wait3A_341 = arith.constant 0 : i32
    %dma_wait3A_342 = arith.constant 0 : i32
    %dma_wait3A_343 = tpu.memref_slice %arg3[%dma_wait3A_341, %dma_wait3A_342] : memref<2600000x32xf32, #tpu.memory_space<hbm>> -> memref<2600000x32xf32, #tpu.memory_space<hbm>>
    tpu.wait_indirect_dma semaphore(%arg8 : memref<!tpu.dma_semaphore, #tpu.memory_space<semaphore_mem>>) src(%dma_wait3A_343 : memref<2600000x32xf32, #tpu.memory_space<hbm>>) dst(%dma_wait3A_337 : memref<1664x32xf32, #tpu.memory_space<vmem>>)
    %add3A_344 = arith.constant 8320 : i32
    %add3A_345 = arith.addi %mul3A_2, %add3A_344 : i32
    %dma_start3A_346 = arith.constant 1 : i32
    %dma_start3A_347 = arith.constant 0 : i32
    %dma_start3A_348 = arith.constant 0 : i32
    %dma_start3A_349 = tpu.memref_slice %arg7[%dma_start3A_346, %dma_start3A_347, %dma_start3A_348] : memref<2x1664x32xf32, #tpu.memory_space<vmem>> -> memref<1x1664x32xf32, #tpu.memory_space<vmem>>
    %dma_start3A_350 = tpu.memref_squeeze %dma_start3A_349 : memref<1x1664x32xf32, #tpu.memory_space<vmem>> -> memref<1664x32xf32, #tpu.memory_space<vmem>>
    %dma_start3A_351 = arith.constant 0 : i32
    %dma_start3A_352 = tpu.memref_slice %arg4[%add3A_345, %dma_start3A_351] : memref<425984x32xf32, #tpu.memory_space<hbm>> -> memref<1664x32xf32, #tpu.memory_space<hbm>>
    %dma_start3A_353 = arith.constant 0 : i32
    %dma_start3A_354 = tpu.memref_slice %arg4[%add3A_345, %dma_start3A_353] : memref<425984x32xf32, #tpu.memory_space<hbm>> -> memref<1664x32xf32, #tpu.memory_space<hbm>>
    %dma_start3A_355 = arith.constant 0 : i32
    %dma_start3A_356 = arith.constant 0 : i32
    %dma_start3A_357 = tpu.memref_slice %arg7[%dma_start3A_346, %dma_start3A_355, %dma_start3A_356] : memref<2x1664x32xf32, #tpu.memory_space<vmem>> -> memref<1x1664x32xf32, #tpu.memory_space<vmem>>
    %dma_start3A_358 = tpu.memref_squeeze %dma_start3A_357 : memref<1x1664x32xf32, #tpu.memory_space<vmem>> -> memref<1664x32xf32, #tpu.memory_space<vmem>>
    tpu.enqueue_dma source(%dma_start3A_358 : memref<1664x32xf32, #tpu.memory_space<vmem>>) target(%dma_start3A_354 : memref<1664x32xf32, #tpu.memory_space<hbm>>) target_semaphore(%arg9 : memref<!tpu.dma_semaphore, #tpu.memory_space<semaphore_mem>>)
    %scan3A_359 = arith.constant 0 : i32
    %scan3A_360 = arith.constant 0 : i32
    %scan3A_361 = arith.constant 8 : i32
    %scan3A_362 = arith.addi %scan3A_360, %scan3A_361 : i32
    %scan3A_363 = arith.constant 1 : i32
    scf.for %scan3A_470 = %scan3A_360 to %scan3A_362 step %scan3A_363  : i32 {
      %mul3A_471 = arith.constant 13 : i32
      %mul3A_472 = arith.muli %scan3A_470, %mul3A_471 : i32
      %add3A_473 = arith.constant 0 : i32
      %add3A_474 = arith.addi %mul3A_472, %add3A_473 : i32
      %mul3A_475 = arith.constant 16 : i32
      %mul3A_476 = arith.muli %add3A_474, %mul3A_475 : i32
      %get3A = arith.constant 7 : i32
      %get3A_477 = arith.index_cast %get3A : i32 to index
      %get3A_478 = arith.index_cast %mul3A_476 : i32 to index
      %get3A_479 = tpu.vector_load %arg5[%get3A_477, %get3A_478] {strides = array<i32>} : memref<8x1664xi32, #tpu.memory_space<vmem>>, vector<1x16xi32>,
      %get3A_480 = vector.shape_cast %get3A_479 : vector<1x16xi32> to vector<16xi32>
      %get3A_481 = arith.constant 0 : index
      %get3A_482 = tpu.vector_load %arg6[%get3A_481] {strides = array<i32>} : memref<208xi32, #tpu.memory_space<vmem>>, vector<16xi32>,
      %get3A_483 = vector.shape_cast %get3A_482 : vector<16xi32> to vector<16xi32>
      %add3A_484 = arith.addi %get3A_480, %get3A_483 : vector<16xi32>
      %swap3A = arith.constant 7 : i32
      %swap3A_485 = arith.index_cast %swap3A : i32 to index
      %swap3A_486 = arith.index_cast %mul3A_476 : i32 to index
      %swap3A_487 = tpu.vector_load %arg5[%swap3A_485, %swap3A_486] {strides = array<i32>} : memref<8x1664xi32, #tpu.memory_space<vmem>>, vector<1x16xi32>,
      %swap3A_488 = vector.shape_cast %swap3A_487 : vector<1x16xi32> to vector<16xi32>
      %swap3A_489 = vector.shape_cast %add3A_484 : vector<16xi32> to vector<1x16xi32>
      tpu.vector_store %arg5[%swap3A_485, %swap3A_486], %swap3A_489 {strides = array<i32>} : memref<8x1664xi32, #tpu.memory_space<vmem>>, vector<1x16xi32>,
      %mul3A_490 = arith.constant 13 : i32
      %mul3A_491 = arith.muli %scan3A_470, %mul3A_490 : i32
      %add3A_492 = arith.constant 1 : i32
      %add3A_493 = arith.addi %mul3A_491, %add3A_492 : i32
      %mul3A_494 = arith.constant 16 : i32
      %mul3A_495 = arith.muli %add3A_493, %mul3A_494 : i32
      %get3A_496 = arith.constant 7 : i32
      %get3A_497 = arith.index_cast %get3A_496 : i32 to index
      %get3A_498 = arith.index_cast %mul3A_495 : i32 to index
      %get3A_499 = tpu.vector_load %arg5[%get3A_497, %get3A_498] {strides = array<i32>} : memref<8x1664xi32, #tpu.memory_space<vmem>>, vector<1x16xi32>,
      %get3A_500 = vector.shape_cast %get3A_499 : vector<1x16xi32> to vector<16xi32>
      %get3A_501 = arith.constant 16 : index
      %get3A_502 = tpu.vector_load %arg6[%get3A_501] {strides = array<i32>} : memref<208xi32, #tpu.memory_space<vmem>>, vector<16xi32>,
      %get3A_503 = vector.shape_cast %get3A_502 : vector<16xi32> to vector<16xi32>
      %add3A_504 = arith.addi %get3A_500, %get3A_503 : vector<16xi32>
      %swap3A_505 = arith.constant 7 : i32
      %swap3A_506 = arith.index_cast %swap3A_505 : i32 to index
      %swap3A_507 = arith.index_cast %mul3A_495 : i32 to index
      %swap3A_508 = tpu.vector_load %arg5[%swap3A_506, %swap3A_507] {strides = array<i32>} : memref<8x1664xi32, #tpu.memory_space<vmem>>, vector<1x16xi32>,
      %swap3A_509 = vector.shape_cast %swap3A_508 : vector<1x16xi32> to vector<16xi32>
      %swap3A_510 = vector.shape_cast %add3A_504 : vector<16xi32> to vector<1x16xi32>
      tpu.vector_store %arg5[%swap3A_506, %swap3A_507], %swap3A_510 {strides = array<i32>} : memref<8x1664xi32, #tpu.memory_space<vmem>>, vector<1x16xi32>,
      %mul3A_511 = arith.constant 13 : i32
      %mul3A_512 = arith.muli %scan3A_470, %mul3A_511 : i32
      %add3A_513 = arith.constant 2 : i32
      %add3A_514 = arith.addi %mul3A_512, %add3A_513 : i32
      %mul3A_515 = arith.constant 16 : i32
      %mul3A_516 = arith.muli %add3A_514, %mul3A_515 : i32
      %get3A_517 = arith.constant 7 : i32
      %get3A_518 = arith.index_cast %get3A_517 : i32 to index
      %get3A_519 = arith.index_cast %mul3A_516 : i32 to index
      %get3A_520 = tpu.vector_load %arg5[%get3A_518, %get3A_519] {strides = array<i32>} : memref<8x1664xi32, #tpu.memory_space<vmem>>, vector<1x16xi32>,
      %get3A_521 = vector.shape_cast %get3A_520 : vector<1x16xi32> to vector<16xi32>
      %get3A_522 = arith.constant 32 : index
      %get3A_523 = tpu.vector_load %arg6[%get3A_522] {strides = array<i32>} : memref<208xi32, #tpu.memory_space<vmem>>, vector<16xi32>,
      %get3A_524 = vector.shape_cast %get3A_523 : vector<16xi32> to vector<16xi32>
      %add3A_525 = arith.addi %get3A_521, %get3A_524 : vector<16xi32>
      %swap3A_526 = arith.constant 7 : i32
      %swap3A_527 = arith.index_cast %swap3A_526 : i32 to index
      %swap3A_528 = arith.index_cast %mul3A_516 : i32 to index
      %swap3A_529 = tpu.vector_load %arg5[%swap3A_527, %swap3A_528] {strides = array<i32>} : memref<8x1664xi32, #tpu.memory_space<vmem>>, vector<1x16xi32>,
      %swap3A_530 = vector.shape_cast %swap3A_529 : vector<1x16xi32> to vector<16xi32>
      %swap3A_531 = vector.shape_cast %add3A_525 : vector<16xi32> to vector<1x16xi32>
      tpu.vector_store %arg5[%swap3A_527, %swap3A_528], %swap3A_531 {strides = array<i32>} : memref<8x1664xi32, #tpu.memory_space<vmem>>, vector<1x16xi32>,
      %mul3A_532 = arith.constant 13 : i32
      %mul3A_533 = arith.muli %scan3A_470, %mul3A_532 : i32
      %add3A_534 = arith.constant 3 : i32
      %add3A_535 = arith.addi %mul3A_533, %add3A_534 : i32
      %mul3A_536 = arith.constant 16 : i32
      %mul3A_537 = arith.muli %add3A_535, %mul3A_536 : i32
      %get3A_538 = arith.constant 7 : i32
      %get3A_539 = arith.index_cast %get3A_538 : i32 to index
      %get3A_540 = arith.index_cast %mul3A_537 : i32 to index
      %get3A_541 = tpu.vector_load %arg5[%get3A_539, %get3A_540] {strides = array<i32>} : memref<8x1664xi32, #tpu.memory_space<vmem>>, vector<1x16xi32>,
      %get3A_542 = vector.shape_cast %get3A_541 : vector<1x16xi32> to vector<16xi32>
      %get3A_543 = arith.constant 48 : index
      %get3A_544 = tpu.vector_load %arg6[%get3A_543] {strides = array<i32>} : memref<208xi32, #tpu.memory_space<vmem>>, vector<16xi32>,
      %get3A_545 = vector.shape_cast %get3A_544 : vector<16xi32> to vector<16xi32>
      %add3A_546 = arith.addi %get3A_542, %get3A_545 : vector<16xi32>
      %swap3A_547 = arith.constant 7 : i32
      %swap3A_548 = arith.index_cast %swap3A_547 : i32 to index
      %swap3A_549 = arith.index_cast %mul3A_537 : i32 to index
      %swap3A_550 = tpu.vector_load %arg5[%swap3A_548, %swap3A_549] {strides = array<i32>} : memref<8x1664xi32, #tpu.memory_space<vmem>>, vector<1x16xi32>,
      %swap3A_551 = vector.shape_cast %swap3A_550 : vector<1x16xi32> to vector<16xi32>
      %swap3A_552 = vector.shape_cast %add3A_546 : vector<16xi32> to vector<1x16xi32>
      tpu.vector_store %arg5[%swap3A_548, %swap3A_549], %swap3A_552 {strides = array<i32>} : memref<8x1664xi32, #tpu.memory_space<vmem>>, vector<1x16xi32>,
      %mul3A_553 = arith.constant 13 : i32
      %mul3A_554 = arith.muli %scan3A_470, %mul3A_553 : i32
      %add3A_555 = arith.constant 4 : i32
      %add3A_556 = arith.addi %mul3A_554, %add3A_555 : i32
      %mul3A_557 = arith.constant 16 : i32
      %mul3A_558 = arith.muli %add3A_556, %mul3A_557 : i32
      %get3A_559 = arith.constant 7 : i32
      %get3A_560 = arith.index_cast %get3A_559 : i32 to index
      %get3A_561 = arith.index_cast %mul3A_558 : i32 to index
      %get3A_562 = tpu.vector_load %arg5[%get3A_560, %get3A_561] {strides = array<i32>} : memref<8x1664xi32, #tpu.memory_space<vmem>>, vector<1x16xi32>,
      %get3A_563 = vector.shape_cast %get3A_562 : vector<1x16xi32> to vector<16xi32>
      %get3A_564 = arith.constant 64 : index
      %get3A_565 = tpu.vector_load %arg6[%get3A_564] {strides = array<i32>} : memref<208xi32, #tpu.memory_space<vmem>>, vector<16xi32>,
      %get3A_566 = vector.shape_cast %get3A_565 : vector<16xi32> to vector<16xi32>
      %add3A_567 = arith.addi %get3A_563, %get3A_566 : vector<16xi32>
      %swap3A_568 = arith.constant 7 : i32
      %swap3A_569 = arith.index_cast %swap3A_568 : i32 to index
      %swap3A_570 = arith.index_cast %mul3A_558 : i32 to index
      %swap3A_571 = tpu.vector_load %arg5[%swap3A_569, %swap3A_570] {strides = array<i32>} : memref<8x1664xi32, #tpu.memory_space<vmem>>, vector<1x16xi32>,
      %swap3A_572 = vector.shape_cast %swap3A_571 : vector<1x16xi32> to vector<16xi32>
      %swap3A_573 = vector.shape_cast %add3A_567 : vector<16xi32> to vector<1x16xi32>
      tpu.vector_store %arg5[%swap3A_569, %swap3A_570], %swap3A_573 {strides = array<i32>} : memref<8x1664xi32, #tpu.memory_space<vmem>>, vector<1x16xi32>,
      %mul3A_574 = arith.constant 13 : i32
      %mul3A_575 = arith.muli %scan3A_470, %mul3A_574 : i32
      %add3A_576 = arith.constant 5 : i32
      %add3A_577 = arith.addi %mul3A_575, %add3A_576 : i32
      %mul3A_578 = arith.constant 16 : i32
      %mul3A_579 = arith.muli %add3A_577, %mul3A_578 : i32
      %get3A_580 = arith.constant 7 : i32
      %get3A_581 = arith.index_cast %get3A_580 : i32 to index
      %get3A_582 = arith.index_cast %mul3A_579 : i32 to index
      %get3A_583 = tpu.vector_load %arg5[%get3A_581, %get3A_582] {strides = array<i32>} : memref<8x1664xi32, #tpu.memory_space<vmem>>, vector<1x16xi32>,
      %get3A_584 = vector.shape_cast %get3A_583 : vector<1x16xi32> to vector<16xi32>
      %get3A_585 = arith.constant 80 : index
      %get3A_586 = tpu.vector_load %arg6[%get3A_585] {strides = array<i32>} : memref<208xi32, #tpu.memory_space<vmem>>, vector<16xi32>,
      %get3A_587 = vector.shape_cast %get3A_586 : vector<16xi32> to vector<16xi32>
      %add3A_588 = arith.addi %get3A_584, %get3A_587 : vector<16xi32>
      %swap3A_589 = arith.constant 7 : i32
      %swap3A_590 = arith.index_cast %swap3A_589 : i32 to index
      %swap3A_591 = arith.index_cast %mul3A_579 : i32 to index
      %swap3A_592 = tpu.vector_load %arg5[%swap3A_590, %swap3A_591] {strides = array<i32>} : memref<8x1664xi32, #tpu.memory_space<vmem>>, vector<1x16xi32>,
      %swap3A_593 = vector.shape_cast %swap3A_592 : vector<1x16xi32> to vector<16xi32>
      %swap3A_594 = vector.shape_cast %add3A_588 : vector<16xi32> to vector<1x16xi32>
      tpu.vector_store %arg5[%swap3A_590, %swap3A_591], %swap3A_594 {strides = array<i32>} : memref<8x1664xi32, #tpu.memory_space<vmem>>, vector<1x16xi32>,
      %mul3A_595 = arith.constant 13 : i32
      %mul3A_596 = arith.muli %scan3A_470, %mul3A_595 : i32
      %add3A_597 = arith.constant 6 : i32
      %add3A_598 = arith.addi %mul3A_596, %add3A_597 : i32
      %mul3A_599 = arith.constant 16 : i32
      %mul3A_600 = arith.muli %add3A_598, %mul3A_599 : i32
      %get3A_601 = arith.constant 7 : i32
      %get3A_602 = arith.index_cast %get3A_601 : i32 to index
      %get3A_603 = arith.index_cast %mul3A_600 : i32 to index
      %get3A_604 = tpu.vector_load %arg5[%get3A_602, %get3A_603] {strides = array<i32>} : memref<8x1664xi32, #tpu.memory_space<vmem>>, vector<1x16xi32>,
      %get3A_605 = vector.shape_cast %get3A_604 : vector<1x16xi32> to vector<16xi32>
      %get3A_606 = arith.constant 96 : index
      %get3A_607 = tpu.vector_load %arg6[%get3A_606] {strides = array<i32>} : memref<208xi32, #tpu.memory_space<vmem>>, vector<16xi32>,
      %get3A_608 = vector.shape_cast %get3A_607 : vector<16xi32> to vector<16xi32>
      %add3A_609 = arith.addi %get3A_605, %get3A_608 : vector<16xi32>
      %swap3A_610 = arith.constant 7 : i32
      %swap3A_611 = arith.index_cast %swap3A_610 : i32 to index
      %swap3A_612 = arith.index_cast %mul3A_600 : i32 to index
      %swap3A_613 = tpu.vector_load %arg5[%swap3A_611, %swap3A_612] {strides = array<i32>} : memref<8x1664xi32, #tpu.memory_space<vmem>>, vector<1x16xi32>,
      %swap3A_614 = vector.shape_cast %swap3A_613 : vector<1x16xi32> to vector<16xi32>
      %swap3A_615 = vector.shape_cast %add3A_609 : vector<16xi32> to vector<1x16xi32>
      tpu.vector_store %arg5[%swap3A_611, %swap3A_612], %swap3A_615 {strides = array<i32>} : memref<8x1664xi32, #tpu.memory_space<vmem>>, vector<1x16xi32>,
      %mul3A_616 = arith.constant 13 : i32
      %mul3A_617 = arith.muli %scan3A_470, %mul3A_616 : i32
      %add3A_618 = arith.constant 7 : i32
      %add3A_619 = arith.addi %mul3A_617, %add3A_618 : i32
      %mul3A_620 = arith.constant 16 : i32
      %mul3A_621 = arith.muli %add3A_619, %mul3A_620 : i32
      %get3A_622 = arith.constant 7 : i32
      %get3A_623 = arith.index_cast %get3A_622 : i32 to index
      %get3A_624 = arith.index_cast %mul3A_621 : i32 to index
      %get3A_625 = tpu.vector_load %arg5[%get3A_623, %get3A_624] {strides = array<i32>} : memref<8x1664xi32, #tpu.memory_space<vmem>>, vector<1x16xi32>,
      %get3A_626 = vector.shape_cast %get3A_625 : vector<1x16xi32> to vector<16xi32>
      %get3A_627 = arith.constant 112 : index
      %get3A_628 = tpu.vector_load %arg6[%get3A_627] {strides = array<i32>} : memref<208xi32, #tpu.memory_space<vmem>>, vector<16xi32>,
      %get3A_629 = vector.shape_cast %get3A_628 : vector<16xi32> to vector<16xi32>
      %add3A_630 = arith.addi %get3A_626, %get3A_629 : vector<16xi32>
      %swap3A_631 = arith.constant 7 : i32
      %swap3A_632 = arith.index_cast %swap3A_631 : i32 to index
      %swap3A_633 = arith.index_cast %mul3A_621 : i32 to index
      %swap3A_634 = tpu.vector_load %arg5[%swap3A_632, %swap3A_633] {strides = array<i32>} : memref<8x1664xi32, #tpu.memory_space<vmem>>, vector<1x16xi32>,
      %swap3A_635 = vector.shape_cast %swap3A_634 : vector<1x16xi32> to vector<16xi32>
      %swap3A_636 = vector.shape_cast %add3A_630 : vector<16xi32> to vector<1x16xi32>
      tpu.vector_store %arg5[%swap3A_632, %swap3A_633], %swap3A_636 {strides = array<i32>} : memref<8x1664xi32, #tpu.memory_space<vmem>>, vector<1x16xi32>,
      %mul3A_637 = arith.constant 13 : i32
      %mul3A_638 = arith.muli %scan3A_470, %mul3A_637 : i32
      %add3A_639 = arith.constant 8 : i32
      %add3A_640 = arith.addi %mul3A_638, %add3A_639 : i32
      %mul3A_641 = arith.constant 16 : i32
      %mul3A_642 = arith.muli %add3A_640, %mul3A_641 : i32
      %get3A_643 = arith.constant 7 : i32
      %get3A_644 = arith.index_cast %get3A_643 : i32 to index
      %get3A_645 = arith.index_cast %mul3A_642 : i32 to index
      %get3A_646 = tpu.vector_load %arg5[%get3A_644, %get3A_645] {strides = array<i32>} : memref<8x1664xi32, #tpu.memory_space<vmem>>, vector<1x16xi32>,
      %get3A_647 = vector.shape_cast %get3A_646 : vector<1x16xi32> to vector<16xi32>
      %get3A_648 = arith.constant 128 : index
      %get3A_649 = tpu.vector_load %arg6[%get3A_648] {strides = array<i32>} : memref<208xi32, #tpu.memory_space<vmem>>, vector<16xi32>,
      %get3A_650 = vector.shape_cast %get3A_649 : vector<16xi32> to vector<16xi32>
      %add3A_651 = arith.addi %get3A_647, %get3A_650 : vector<16xi32>
      %swap3A_652 = arith.constant 7 : i32
      %swap3A_653 = arith.index_cast %swap3A_652 : i32 to index
      %swap3A_654 = arith.index_cast %mul3A_642 : i32 to index
      %swap3A_655 = tpu.vector_load %arg5[%swap3A_653, %swap3A_654] {strides = array<i32>} : memref<8x1664xi32, #tpu.memory_space<vmem>>, vector<1x16xi32>,
      %swap3A_656 = vector.shape_cast %swap3A_655 : vector<1x16xi32> to vector<16xi32>
      %swap3A_657 = vector.shape_cast %add3A_651 : vector<16xi32> to vector<1x16xi32>
      tpu.vector_store %arg5[%swap3A_653, %swap3A_654], %swap3A_657 {strides = array<i32>} : memref<8x1664xi32, #tpu.memory_space<vmem>>, vector<1x16xi32>,
      %mul3A_658 = arith.constant 13 : i32
      %mul3A_659 = arith.muli %scan3A_470, %mul3A_658 : i32
      %add3A_660 = arith.constant 9 : i32
      %add3A_661 = arith.addi %mul3A_659, %add3A_660 : i32
      %mul3A_662 = arith.constant 16 : i32
      %mul3A_663 = arith.muli %add3A_661, %mul3A_662 : i32
      %get3A_664 = arith.constant 7 : i32
      %get3A_665 = arith.index_cast %get3A_664 : i32 to index
      %get3A_666 = arith.index_cast %mul3A_663 : i32 to index
      %get3A_667 = tpu.vector_load %arg5[%get3A_665, %get3A_666] {strides = array<i32>} : memref<8x1664xi32, #tpu.memory_space<vmem>>, vector<1x16xi32>,
      %get3A_668 = vector.shape_cast %get3A_667 : vector<1x16xi32> to vector<16xi32>
      %get3A_669 = arith.constant 144 : index
      %get3A_670 = tpu.vector_load %arg6[%get3A_669] {strides = array<i32>} : memref<208xi32, #tpu.memory_space<vmem>>, vector<16xi32>,
      %get3A_671 = vector.shape_cast %get3A_670 : vector<16xi32> to vector<16xi32>
      %add3A_672 = arith.addi %get3A_668, %get3A_671 : vector<16xi32>
      %swap3A_673 = arith.constant 7 : i32
      %swap3A_674 = arith.index_cast %swap3A_673 : i32 to index
      %swap3A_675 = arith.index_cast %mul3A_663 : i32 to index
      %swap3A_676 = tpu.vector_load %arg5[%swap3A_674, %swap3A_675] {strides = array<i32>} : memref<8x1664xi32, #tpu.memory_space<vmem>>, vector<1x16xi32>,
      %swap3A_677 = vector.shape_cast %swap3A_676 : vector<1x16xi32> to vector<16xi32>
      %swap3A_678 = vector.shape_cast %add3A_672 : vector<16xi32> to vector<1x16xi32>
      tpu.vector_store %arg5[%swap3A_674, %swap3A_675], %swap3A_678 {strides = array<i32>} : memref<8x1664xi32, #tpu.memory_space<vmem>>, vector<1x16xi32>,
      %mul3A_679 = arith.constant 13 : i32
      %mul3A_680 = arith.muli %scan3A_470, %mul3A_679 : i32
      %add3A_681 = arith.constant 10 : i32
      %add3A_682 = arith.addi %mul3A_680, %add3A_681 : i32
      %mul3A_683 = arith.constant 16 : i32
      %mul3A_684 = arith.muli %add3A_682, %mul3A_683 : i32
      %get3A_685 = arith.constant 7 : i32
      %get3A_686 = arith.index_cast %get3A_685 : i32 to index
      %get3A_687 = arith.index_cast %mul3A_684 : i32 to index
      %get3A_688 = tpu.vector_load %arg5[%get3A_686, %get3A_687] {strides = array<i32>} : memref<8x1664xi32, #tpu.memory_space<vmem>>, vector<1x16xi32>,
      %get3A_689 = vector.shape_cast %get3A_688 : vector<1x16xi32> to vector<16xi32>
      %get3A_690 = arith.constant 160 : index
      %get3A_691 = tpu.vector_load %arg6[%get3A_690] {strides = array<i32>} : memref<208xi32, #tpu.memory_space<vmem>>, vector<16xi32>,
      %get3A_692 = vector.shape_cast %get3A_691 : vector<16xi32> to vector<16xi32>
      %add3A_693 = arith.addi %get3A_689, %get3A_692 : vector<16xi32>
      %swap3A_694 = arith.constant 7 : i32
      %swap3A_695 = arith.index_cast %swap3A_694 : i32 to index
      %swap3A_696 = arith.index_cast %mul3A_684 : i32 to index
      %swap3A_697 = tpu.vector_load %arg5[%swap3A_695, %swap3A_696] {strides = array<i32>} : memref<8x1664xi32, #tpu.memory_space<vmem>>, vector<1x16xi32>,
      %swap3A_698 = vector.shape_cast %swap3A_697 : vector<1x16xi32> to vector<16xi32>
      %swap3A_699 = vector.shape_cast %add3A_693 : vector<16xi32> to vector<1x16xi32>
      tpu.vector_store %arg5[%swap3A_695, %swap3A_696], %swap3A_699 {strides = array<i32>} : memref<8x1664xi32, #tpu.memory_space<vmem>>, vector<1x16xi32>,
      %mul3A_700 = arith.constant 13 : i32
      %mul3A_701 = arith.muli %scan3A_470, %mul3A_700 : i32
      %add3A_702 = arith.constant 11 : i32
      %add3A_703 = arith.addi %mul3A_701, %add3A_702 : i32
      %mul3A_704 = arith.constant 16 : i32
      %mul3A_705 = arith.muli %add3A_703, %mul3A_704 : i32
      %get3A_706 = arith.constant 7 : i32
      %get3A_707 = arith.index_cast %get3A_706 : i32 to index
      %get3A_708 = arith.index_cast %mul3A_705 : i32 to index
      %get3A_709 = tpu.vector_load %arg5[%get3A_707, %get3A_708] {strides = array<i32>} : memref<8x1664xi32, #tpu.memory_space<vmem>>, vector<1x16xi32>,
      %get3A_710 = vector.shape_cast %get3A_709 : vector<1x16xi32> to vector<16xi32>
      %get3A_711 = arith.constant 176 : index
      %get3A_712 = tpu.vector_load %arg6[%get3A_711] {strides = array<i32>} : memref<208xi32, #tpu.memory_space<vmem>>, vector<16xi32>,
      %get3A_713 = vector.shape_cast %get3A_712 : vector<16xi32> to vector<16xi32>
      %add3A_714 = arith.addi %get3A_710, %get3A_713 : vector<16xi32>
      %swap3A_715 = arith.constant 7 : i32
      %swap3A_716 = arith.index_cast %swap3A_715 : i32 to index
      %swap3A_717 = arith.index_cast %mul3A_705 : i32 to index
      %swap3A_718 = tpu.vector_load %arg5[%swap3A_716, %swap3A_717] {strides = array<i32>} : memref<8x1664xi32, #tpu.memory_space<vmem>>, vector<1x16xi32>,
      %swap3A_719 = vector.shape_cast %swap3A_718 : vector<1x16xi32> to vector<16xi32>
      %swap3A_720 = vector.shape_cast %add3A_714 : vector<16xi32> to vector<1x16xi32>
      tpu.vector_store %arg5[%swap3A_716, %swap3A_717], %swap3A_720 {strides = array<i32>} : memref<8x1664xi32, #tpu.memory_space<vmem>>, vector<1x16xi32>,
      %mul3A_721 = arith.constant 13 : i32
      %mul3A_722 = arith.muli %scan3A_470, %mul3A_721 : i32
      %add3A_723 = arith.constant 12 : i32
      %add3A_724 = arith.addi %mul3A_722, %add3A_723 : i32
      %mul3A_725 = arith.constant 16 : i32
      %mul3A_726 = arith.muli %add3A_724, %mul3A_725 : i32
      %get3A_727 = arith.constant 7 : i32
      %get3A_728 = arith.index_cast %get3A_727 : i32 to index
      %get3A_729 = arith.index_cast %mul3A_726 : i32 to index
      %get3A_730 = tpu.vector_load %arg5[%get3A_728, %get3A_729] {strides = array<i32>} : memref<8x1664xi32, #tpu.memory_space<vmem>>, vector<1x16xi32>,
      %get3A_731 = vector.shape_cast %get3A_730 : vector<1x16xi32> to vector<16xi32>
      %get3A_732 = arith.constant 192 : index
      %get3A_733 = tpu.vector_load %arg6[%get3A_732] {strides = array<i32>} : memref<208xi32, #tpu.memory_space<vmem>>, vector<16xi32>,
      %get3A_734 = vector.shape_cast %get3A_733 : vector<16xi32> to vector<16xi32>
      %add3A_735 = arith.addi %get3A_731, %get3A_734 : vector<16xi32>
      %swap3A_736 = arith.constant 7 : i32
      %swap3A_737 = arith.index_cast %swap3A_736 : i32 to index
      %swap3A_738 = arith.index_cast %mul3A_726 : i32 to index
      %swap3A_739 = tpu.vector_load %arg5[%swap3A_737, %swap3A_738] {strides = array<i32>} : memref<8x1664xi32, #tpu.memory_space<vmem>>, vector<1x16xi32>,
      %swap3A_740 = vector.shape_cast %swap3A_739 : vector<1x16xi32> to vector<16xi32>
      %swap3A_741 = vector.shape_cast %add3A_735 : vector<16xi32> to vector<1x16xi32>
      tpu.vector_store %arg5[%swap3A_737, %swap3A_738], %swap3A_741 {strides = array<i32>} : memref<8x1664xi32, #tpu.memory_space<vmem>>, vector<1x16xi32>,
    }
    %scan3A_364 = arith.constant 8 : i32
    %dma_wait3A_365 = arith.constant 1 : i32
    %dma_wait3A_366 = arith.constant 0 : i32
    %dma_wait3A_367 = arith.constant 0 : i32
    %dma_wait3A_368 = tpu.memref_slice %arg7[%dma_wait3A_365, %dma_wait3A_366, %dma_wait3A_367] : memref<2x1664x32xf32, #tpu.memory_space<vmem>> -> memref<1x1664x32xf32, #tpu.memory_space<vmem>>
    %dma_wait3A_369 = tpu.memref_squeeze %dma_wait3A_368 : memref<1x1664x32xf32, #tpu.memory_space<vmem>> -> memref<1664x32xf32, #tpu.memory_space<vmem>>
    %dma_wait3A_370 = arith.constant 0 : i32
    %dma_wait3A_371 = tpu.memref_slice %arg4[%add3A_345, %dma_wait3A_370] : memref<425984x32xf32, #tpu.memory_space<hbm>> -> memref<1664x32xf32, #tpu.memory_space<hbm>>
    %dma_wait3A_372 = arith.constant 0 : i32
    %dma_wait3A_373 = tpu.memref_slice %arg4[%add3A_345, %dma_wait3A_372] : memref<425984x32xf32, #tpu.memory_space<hbm>> -> memref<1664x32xf32, #tpu.memory_space<hbm>>
    %dma_wait3A_374 = arith.constant 0 : i32
    %dma_wait3A_375 = arith.constant 0 : i32
    %dma_wait3A_376 = tpu.memref_slice %arg7[%dma_wait3A_365, %dma_wait3A_374, %dma_wait3A_375] : memref<2x1664x32xf32, #tpu.memory_space<vmem>> -> memref<1x1664x32xf32, #tpu.memory_space<vmem>>
    %dma_wait3A_377 = tpu.memref_squeeze %dma_wait3A_376 : memref<1x1664x32xf32, #tpu.memory_space<vmem>> -> memref<1664x32xf32, #tpu.memory_space<vmem>>
    tpu.wait_dma2 semaphore(%arg9 : memref<!tpu.dma_semaphore, #tpu.memory_space<semaphore_mem>>) src(%dma_wait3A_377 : memref<1664x32xf32, #tpu.memory_space<vmem>>) dst(%dma_wait3A_373 : memref<1664x32xf32, #tpu.memory_space<hbm>>)
    %dma_start3A_378 = arith.constant 7 : i32
    %dma_start3A_379 = arith.constant 1 : i32
    %dma_start3A_380 = arith.constant 0 : i32
    %dma_start3A_381 = arith.constant 0 : i32
    %dma_start3A_382 = tpu.memref_slice %arg7[%dma_start3A_379, %dma_start3A_380, %dma_start3A_381] : memref<2x1664x32xf32, #tpu.memory_space<vmem>> -> memref<1x1664x32xf32, #tpu.memory_space<vmem>>
    %dma_start3A_383 = tpu.memref_squeeze %dma_start3A_382 : memref<1x1664x32xf32, #tpu.memory_space<vmem>> -> memref<1664x32xf32, #tpu.memory_space<vmem>>
    %dma_start3A_384 = arith.constant 0 : i32
    %dma_start3A_385 = tpu.memref_slice %arg5[%dma_start3A_378, %dma_start3A_384] : memref<8x1664xi32, #tpu.memory_space<vmem>> -> memref<1x1664xi32, #tpu.memory_space<vmem>>
    %dma_start3A_386 = tpu.memref_squeeze %dma_start3A_385 : memref<1x1664xi32, #tpu.memory_space<vmem>> -> memref<1664xi32, #tpu.memory_space<vmem>>
    %dma_start3A_387 = arith.constant 0 : i32
    %dma_start3A_388 = arith.constant 0 : i32
    %dma_start3A_389 = tpu.memref_slice %arg3[%dma_start3A_387, %dma_start3A_388] : memref<2600000x32xf32, #tpu.memory_space<hbm>> -> memref<2600000x32xf32, #tpu.memory_space<hbm>>
    tpu.enqueue_indirect_dma source(%dma_start3A_389 : memref<2600000x32xf32, #tpu.memory_space<hbm>>) target(%dma_start3A_383 : memref<1664x32xf32, #tpu.memory_space<vmem>>) offsets(%dma_start3A_386 : memref<1664xi32, #tpu.memory_space<vmem>>) semaphore(%arg8 : memref<!tpu.dma_semaphore, #tpu.memory_space<semaphore_mem>>)
    %dma_wait3A_390 = arith.constant 6 : i32
    %dma_wait3A_391 = arith.constant 0 : i32
    %dma_wait3A_392 = arith.constant 0 : i32
    %dma_wait3A_393 = arith.constant 0 : i32
    %dma_wait3A_394 = tpu.memref_slice %arg7[%dma_wait3A_391, %dma_wait3A_392, %dma_wait3A_393] : memref<2x1664x32xf32, #tpu.memory_space<vmem>> -> memref<1x1664x32xf32, #tpu.memory_space<vmem>>
    %dma_wait3A_395 = tpu.memref_squeeze %dma_wait3A_394 : memref<1x1664x32xf32, #tpu.memory_space<vmem>> -> memref<1664x32xf32, #tpu.memory_space<vmem>>
    %dma_wait3A_396 = arith.constant 0 : i32
    %dma_wait3A_397 = tpu.memref_slice %arg5[%dma_wait3A_390, %dma_wait3A_396] : memref<8x1664xi32, #tpu.memory_space<vmem>> -> memref<1x1664xi32, #tpu.memory_space<vmem>>
    %dma_wait3A_398 = tpu.memref_squeeze %dma_wait3A_397 : memref<1x1664xi32, #tpu.memory_space<vmem>> -> memref<1664xi32, #tpu.memory_space<vmem>>
    %dma_wait3A_399 = arith.constant 0 : i32
    %dma_wait3A_400 = arith.constant 0 : i32
    %dma_wait3A_401 = tpu.memref_slice %arg3[%dma_wait3A_399, %dma_wait3A_400] : memref<2600000x32xf32, #tpu.memory_space<hbm>> -> memref<2600000x32xf32, #tpu.memory_space<hbm>>
    tpu.wait_indirect_dma semaphore(%arg8 : memref<!tpu.dma_semaphore, #tpu.memory_space<semaphore_mem>>) src(%dma_wait3A_401 : memref<2600000x32xf32, #tpu.memory_space<hbm>>) dst(%dma_wait3A_395 : memref<1664x32xf32, #tpu.memory_space<vmem>>)
    %add3A_402 = arith.constant 9984 : i32
    %add3A_403 = arith.addi %mul3A_2, %add3A_402 : i32
    %dma_start3A_404 = arith.constant 0 : i32
    %dma_start3A_405 = arith.constant 0 : i32
    %dma_start3A_406 = arith.constant 0 : i32
    %dma_start3A_407 = tpu.memref_slice %arg7[%dma_start3A_404, %dma_start3A_405, %dma_start3A_406] : memref<2x1664x32xf32, #tpu.memory_space<vmem>> -> memref<1x1664x32xf32, #tpu.memory_space<vmem>>
    %dma_start3A_408 = tpu.memref_squeeze %dma_start3A_407 : memref<1x1664x32xf32, #tpu.memory_space<vmem>> -> memref<1664x32xf32, #tpu.memory_space<vmem>>
    %dma_start3A_409 = arith.constant 0 : i32
    %dma_start3A_410 = tpu.memref_slice %arg4[%add3A_403, %dma_start3A_409] : memref<425984x32xf32, #tpu.memory_space<hbm>> -> memref<1664x32xf32, #tpu.memory_space<hbm>>
    %dma_start3A_411 = arith.constant 0 : i32
    %dma_start3A_412 = tpu.memref_slice %arg4[%add3A_403, %dma_start3A_411] : memref<425984x32xf32, #tpu.memory_space<hbm>> -> memref<1664x32xf32, #tpu.memory_space<hbm>>
    %dma_start3A_413 = arith.constant 0 : i32
    %dma_start3A_414 = arith.constant 0 : i32
    %dma_start3A_415 = tpu.memref_slice %arg7[%dma_start3A_404, %dma_start3A_413, %dma_start3A_414] : memref<2x1664x32xf32, #tpu.memory_space<vmem>> -> memref<1x1664x32xf32, #tpu.memory_space<vmem>>
    %dma_start3A_416 = tpu.memref_squeeze %dma_start3A_415 : memref<1x1664x32xf32, #tpu.memory_space<vmem>> -> memref<1664x32xf32, #tpu.memory_space<vmem>>
    tpu.enqueue_dma source(%dma_start3A_416 : memref<1664x32xf32, #tpu.memory_space<vmem>>) target(%dma_start3A_412 : memref<1664x32xf32, #tpu.memory_space<hbm>>) target_semaphore(%arg9 : memref<!tpu.dma_semaphore, #tpu.memory_space<semaphore_mem>>)
    %dma_wait3A_417 = arith.constant 7 : i32
    %dma_wait3A_418 = arith.constant 1 : i32
    %dma_wait3A_419 = arith.constant 0 : i32
    %dma_wait3A_420 = arith.constant 0 : i32
    %dma_wait3A_421 = tpu.memref_slice %arg7[%dma_wait3A_418, %dma_wait3A_419, %dma_wait3A_420] : memref<2x1664x32xf32, #tpu.memory_space<vmem>> -> memref<1x1664x32xf32, #tpu.memory_space<vmem>>
    %dma_wait3A_422 = tpu.memref_squeeze %dma_wait3A_421 : memref<1x1664x32xf32, #tpu.memory_space<vmem>> -> memref<1664x32xf32, #tpu.memory_space<vmem>>
    %dma_wait3A_423 = arith.constant 0 : i32
    %dma_wait3A_424 = tpu.memref_slice %arg5[%dma_wait3A_417, %dma_wait3A_423] : memref<8x1664xi32, #tpu.memory_space<vmem>> -> memref<1x1664xi32, #tpu.memory_space<vmem>>
    %dma_wait3A_425 = tpu.memref_squeeze %dma_wait3A_424 : memref<1x1664xi32, #tpu.memory_space<vmem>> -> memref<1664xi32, #tpu.memory_space<vmem>>
    %dma_wait3A_426 = arith.constant 0 : i32
    %dma_wait3A_427 = arith.constant 0 : i32
    %dma_wait3A_428 = tpu.memref_slice %arg3[%dma_wait3A_426, %dma_wait3A_427] : memref<2600000x32xf32, #tpu.memory_space<hbm>> -> memref<2600000x32xf32, #tpu.memory_space<hbm>>
    tpu.wait_indirect_dma semaphore(%arg8 : memref<!tpu.dma_semaphore, #tpu.memory_space<semaphore_mem>>) src(%dma_wait3A_428 : memref<2600000x32xf32, #tpu.memory_space<hbm>>) dst(%dma_wait3A_422 : memref<1664x32xf32, #tpu.memory_space<vmem>>)
    %add3A_429 = arith.constant 11648 : i32
    %add3A_430 = arith.addi %mul3A_2, %add3A_429 : i32
    %dma_start3A_431 = arith.constant 1 : i32
    %dma_start3A_432 = arith.constant 0 : i32
    %dma_start3A_433 = arith.constant 0 : i32
    %dma_start3A_434 = tpu.memref_slice %arg7[%dma_start3A_431, %dma_start3A_432, %dma_start3A_433] : memref<2x1664x32xf32, #tpu.memory_space<vmem>> -> memref<1x1664x32xf32, #tpu.memory_space<vmem>>
    %dma_start3A_435 = tpu.memref_squeeze %dma_start3A_434 : memref<1x1664x32xf32, #tpu.memory_space<vmem>> -> memref<1664x32xf32, #tpu.memory_space<vmem>>
    %dma_start3A_436 = arith.constant 0 : i32
    %dma_start3A_437 = tpu.memref_slice %arg4[%add3A_430, %dma_start3A_436] : memref<425984x32xf32, #tpu.memory_space<hbm>> -> memref<1664x32xf32, #tpu.memory_space<hbm>>
    %dma_start3A_438 = arith.constant 0 : i32
    %dma_start3A_439 = tpu.memref_slice %arg4[%add3A_430, %dma_start3A_438] : memref<425984x32xf32, #tpu.memory_space<hbm>> -> memref<1664x32xf32, #tpu.memory_space<hbm>>
    %dma_start3A_440 = arith.constant 0 : i32
    %dma_start3A_441 = arith.constant 0 : i32
    %dma_start3A_442 = tpu.memref_slice %arg7[%dma_start3A_431, %dma_start3A_440, %dma_start3A_441] : memref<2x1664x32xf32, #tpu.memory_space<vmem>> -> memref<1x1664x32xf32, #tpu.memory_space<vmem>>
    %dma_start3A_443 = tpu.memref_squeeze %dma_start3A_442 : memref<1x1664x32xf32, #tpu.memory_space<vmem>> -> memref<1664x32xf32, #tpu.memory_space<vmem>>
    tpu.enqueue_dma source(%dma_start3A_443 : memref<1664x32xf32, #tpu.memory_space<vmem>>) target(%dma_start3A_439 : memref<1664x32xf32, #tpu.memory_space<hbm>>) target_semaphore(%arg9 : memref<!tpu.dma_semaphore, #tpu.memory_space<semaphore_mem>>)
    %dma_wait3A_444 = arith.constant 0 : i32
    %dma_wait3A_445 = arith.constant 0 : i32
    %dma_wait3A_446 = arith.constant 0 : i32
    %dma_wait3A_447 = tpu.memref_slice %arg7[%dma_wait3A_444, %dma_wait3A_445, %dma_wait3A_446] : memref<2x1664x32xf32, #tpu.memory_space<vmem>> -> memref<1x1664x32xf32, #tpu.memory_space<vmem>>
    %dma_wait3A_448 = tpu.memref_squeeze %dma_wait3A_447 : memref<1x1664x32xf32, #tpu.memory_space<vmem>> -> memref<1664x32xf32, #tpu.memory_space<vmem>>
    %dma_wait3A_449 = arith.constant 0 : i32
    %dma_wait3A_450 = tpu.memref_slice %arg4[%add3A_403, %dma_wait3A_449] : memref<425984x32xf32, #tpu.memory_space<hbm>> -> memref<1664x32xf32, #tpu.memory_space<hbm>>
    %dma_wait3A_451 = arith.constant 0 : i32
    %dma_wait3A_452 = tpu.memref_slice %arg4[%add3A_403, %dma_wait3A_451] : memref<425984x32xf32, #tpu.memory_space<hbm>> -> memref<1664x32xf32, #tpu.memory_space<hbm>>
    %dma_wait3A_453 = arith.constant 0 : i32
    %dma_wait3A_454 = arith.constant 0 : i32
    %dma_wait3A_455 = tpu.memref_slice %arg7[%dma_wait3A_444, %dma_wait3A_453, %dma_wait3A_454] : memref<2x1664x32xf32, #tpu.memory_space<vmem>> -> memref<1x1664x32xf32, #tpu.memory_space<vmem>>
    %dma_wait3A_456 = tpu.memref_squeeze %dma_wait3A_455 : memref<1x1664x32xf32, #tpu.memory_space<vmem>> -> memref<1664x32xf32, #tpu.memory_space<vmem>>
    tpu.wait_dma2 semaphore(%arg9 : memref<!tpu.dma_semaphore, #tpu.memory_space<semaphore_mem>>) src(%dma_wait3A_456 : memref<1664x32xf32, #tpu.memory_space<vmem>>) dst(%dma_wait3A_452 : memref<1664x32xf32, #tpu.memory_space<hbm>>)
    %dma_wait3A_457 = arith.constant 1 : i32
    %dma_wait3A_458 = arith.constant 0 : i32
    %dma_wait3A_459 = arith.constant 0 : i32
    %dma_wait3A_460 = tpu.memref_slice %arg7[%dma_wait3A_457, %dma_wait3A_458, %dma_wait3A_459] : memref<2x1664x32xf32, #tpu.memory_space<vmem>> -> memref<1x1664x32xf32, #tpu.memory_space<vmem>>
    %dma_wait3A_461 = tpu.memref_squeeze %dma_wait3A_460 : memref<1x1664x32xf32, #tpu.memory_space<vmem>> -> memref<1664x32xf32, #tpu.memory_space<vmem>>
    %dma_wait3A_462 = arith.constant 0 : i32
    %dma_wait3A_463 = tpu.memref_slice %arg4[%add3A_430, %dma_wait3A_462] : memref<425984x32xf32, #tpu.memory_space<hbm>> -> memref<1664x32xf32, #tpu.memory_space<hbm>>
    %dma_wait3A_464 = arith.constant 0 : i32
    %dma_wait3A_465 = tpu.memref_slice %arg4[%add3A_430, %dma_wait3A_464] : memref<425984x32xf32, #tpu.memory_space<hbm>> -> memref<1664x32xf32, #tpu.memory_space<hbm>>
    %dma_wait3A_466 = arith.constant 0 : i32
    %dma_wait3A_467 = arith.constant 0 : i32
    %dma_wait3A_468 = tpu.memref_slice %arg7[%dma_wait3A_457, %dma_wait3A_466, %dma_wait3A_467] : memref<2x1664x32xf32, #tpu.memory_space<vmem>> -> memref<1x1664x32xf32, #tpu.memory_space<vmem>>
    %dma_wait3A_469 = tpu.memref_squeeze %dma_wait3A_468 : memref<1x1664x32xf32, #tpu.memory_space<vmem>> -> memref<1664x32xf32, #tpu.memory_space<vmem>>
    tpu.wait_dma2 semaphore(%arg9 : memref<!tpu.dma_semaphore, #tpu.memory_space<semaphore_mem>>) src(%dma_wait3A_469 : memref<1664x32xf32, #tpu.memory_space<vmem>>) dst(%dma_wait3A_465 : memref<1664x32xf32, #tpu.memory_space<hbm>>)
    return
  }
}

</mosaic_0001>

<sc_bundles>
// kernel: kernel.3.cloned.1.call-start
scs
__scs_entry_jumppad:
0x0: {  	(pc) =	sbr.rel $0x88, $3  }
0x1: {  	(tag) =	ssettag $0x0;
	lr =	simm.s32 $0x1  }
0x2: {  	[smem:$0x3F9F] =	sst lr;
	_ =	strace $0xD0000000  }
0x3: {  	_ = 	snop  }
0x4: {  	_ = 	snop  }
0x5: {  	_ = 	snop  }
0x6: {  	_ = 	snop  }
0x7: {  	_ = 	snop  }
__scs_overlays_trampoline_lowered:
0x8: {  	[smem:$0x3FAE] =	sst s0  }
0x9: {  	[smem:$0x3FAF] =	sst s1  }
0xa: {  	[smem:$0x3FB0] =	sst s2  }
0xb: {  	[smem:$0x3FB1] =	sst s3  }
0xc: {  	[smem:$0x3FB2] =	sst s4  }
0xd: {  	[smem:$0x3FB3] =	sst s5  }
0xe: {  	[smem:$0x3FB4] =	sst s6  }
0xf: {  	[smem:$0x3FB5] =	sst s7  }
0x10: {  	[smem:$0x3FB6] =	sst s8  }
0x11: {  	[smem:$0x3FB7] =	sst s9;
	s0 =	simm.s32 @!p0 $0x0  }
0x12: {  	s1 =	sld [smem:$0x3F9D];
	s0 =	simm.s32 @p0 $0x1  }
0x13: {  	[smem:$0x3FB8] =	sst s0;
	s0 =	simm.s32 @!p1 $0x0  }
0x14: {  	s2 =	sld [smem:$0x3F9C];
	s0 =	simm.s32 @p1 $0x1  }
0x15: {  	[smem:$0x3FB9] =	sst s0;
	s0 =	simm.s32 @!p2 $0x0  }
0x16: {  	s3 =	sld [smem:$0x3FDB];
	s0 =	simm.s32 @p2 $0x1  }
0x17: {  	s4 =	simm.s32 $0x1BF5;
	[smem:$0x3FBB] =	sst s0  }
0x18: {  	s0 =	sld [smem:$0x3F9E];
	_ =	swait.ge [sflag:s4], $0x0  }
0x19: {  	s7 =	sld [smem:$0x3F9F]  }
0x1a: {  	s8 =	sadd.s32 $0xFFFFE003, lr  }
0x1b: {  	s9 =	sadd.s32 $0xFFFFFEF7, lr;
	s5 =	simm.s32 $0xFFFFFFFF;
	p2 =	slt.u32 s8, $0xFFFFF086  }
0x1c: {  	p1 =	slt.u32 s9, $0xF7A;
	s5 =	simm.s32 @!p2 $0x0  }
0x1d: {  	s5 =	simm.s32 @p1 $0x1;
	p0 =	seq.s32 s7, s2  }
0x1e: {  	s7 =	smul.u32 @!p0 $0xF7A, s2;
	p2 =	seq.s32 @!p0 s5, $0x0  }
0x1f: {  	s9 =	smul.u32 $0xF7A, s1;
	s8 =	simm.s32 @!p0 $0x1BF5;
	p2 =	por !p2, p0  }
0x20: {  	[sflag:s8] =	ssyncset.s32 @!p0 $0xFFFFF086;
	s6 =	sadd.s32 @!p0 s3, s7;
	s7 =	simm.s32 @!p0 $0x108  }
0x21: {  	s3 =	sadd.s32 s3, s9;
	s6 =	sadd.s32 @!p0 $0x88, s6;
	s7 =	simm.s32 @p2 $0x1082  }
0x22: {  	[simem:s7], [sflag:s8] =	dma.local @!p0 [hbm:s6], $0xF7A  }
0x23: {  	s9 =	sor.u32 $0xD0000000, s2;
	s6 =	simm.s32 $0x108;
	_ =	swait.ge @!p0 [sflag:s8], $0x0  }
0x24: {  	s3 =	sadd.s32 $0x88, s3;
	s6 =	simm.s32 @!p1 $0x1082;
	[sflag:s4] =	ssyncset.s32 $0xFFFFF086  }
0x25: {  	[simem:s6], [sflag:s4] =	dma.local [hbm:s3], $0xF7A  }
0x26: {  	[smem:$0x3F9F] =	sst s1;
	(tag) =	ssettag s2;
	_ =	strace s9  }
0x27: {  	s1 =	sld [smem:$0x3FAF]  }
0x28: {  	s2 =	sld [smem:$0x3FB0]  }
0x29: {  	s4 =	sld [smem:$0x3FB2]  }
0x2a: {  	p0 =	seq.s32 s5, $0x0;
	s5 =	sld [smem:$0x3FB3]  }
0x2b: {  	s6 =	sld [smem:$0x3FB4]  }
0x2c: {  	s7 =	sld [smem:$0x3FB5]  }
0x2d: {  	s3 =	simm.s32 $0x108;
	s8 =	sld [smem:$0x3FB6]  }
0x2e: {  	s3 =	simm.s32 @!p0 $0x1082;
	s9 =	sld [smem:$0x3FB7]  }
0x2f: {  	lr =	sadd.s32 s0, s3;
	s0 =	sld [smem:$0x3FAE]  }
0x30: {  	s3 =	sld [smem:$0x3FB1]  }
0x31: {  	[smem:$0x3FBA] =	sst s10  }
0x32: {  	s10 =	sld [smem:$0x3FB8];
	_ =	sdelay $0x3  }
0x33: {  	p0 =	seq.s32 s10, $0x1;
	s10 =	sld [smem:$0x3FBA];
	_ =	sdelay $0x3  }
0x34: {  	[smem:$0x3FBA] =	sst s10  }
0x35: {  	s10 =	sld [smem:$0x3FB9];
	_ =	sdelay $0x3  }
0x36: {  	p1 =	seq.s32 s10, $0x1;
	s10 =	sld [smem:$0x3FBA];
	_ =	sdelay $0x3  }
0x37: {  	[smem:$0x3FBA] =	sst s10  }
0x38: {  	s10 =	sld [smem:$0x3FBB]  }
0x39: {  	_ = 	snop;
	(pc) =	sbr.ind lr, $3  }
0x3a: {  	_ = 	snop  }
0x3b: {  	_ = 	snop  }
0x3c: {  	p2 =	seq.s32 s10, $0x1;
	s10 =	sld [smem:$0x3FBA]  }
0x3d: {  	_ =	shalt  }
0x3e: {  	_ =	shalt  }
0x3f: {  	_ =	shalt  }
0x40: {  	_ =	shalt  }
0x41: {  	_ =	shalt  }
0x42: {  	_ =	shalt  }
0x43: {  	_ =	shalt  }
0x44: {  	_ =	shalt  }
0x45: {  	_ =	shalt  }
0x46: {  	_ =	shalt  }
0x47: {  	_ =	shalt  }
0x48: {  	_ =	shalt  }
0x49: {  	_ =	shalt  }
0x4a: {  	_ =	shalt  }
0x4b: {  	_ =	shalt  }
0x4c: {  	_ =	shalt  }
0x4d: {  	_ =	shalt  }
0x4e: {  	_ =	shalt  }
0x4f: {  	_ =	shalt  }
0x50: {  	_ =	shalt  }
0x51: {  	_ =	shalt  }
0x52: {  	_ =	shalt  }
0x53: {  	_ =	shalt  }
0x54: {  	_ =	shalt  }
0x55: {  	_ =	shalt  }
0x56: {  	_ =	shalt  }
0x57: {  	_ =	shalt  }
0x58: {  	_ =	shalt  }
0x59: {  	_ =	shalt  }
0x5a: {  	_ =	shalt  }
0x5b: {  	_ =	shalt  }
0x5c: {  	_ =	shalt  }
0x5d: {  	_ =	shalt  }
0x5e: {  	_ =	shalt  }
0x5f: {  	_ =	shalt  }
0x60: {  	_ =	shalt  }
0x61: {  	_ =	shalt  }
0x62: {  	_ =	shalt  }
0x63: {  	_ =	shalt  }
0x64: {  	_ =	shalt  }
0x65: {  	_ =	shalt  }
0x66: {  	_ =	shalt  }
0x67: {  	_ =	shalt  }
0x68: {  	_ =	shalt  }
0x69: {  	_ =	shalt  }
0x6a: {  	_ =	shalt  }
0x6b: {  	_ =	shalt  }
0x6c: {  	_ =	shalt  }
0x6d: {  	_ =	shalt  }
0x6e: {  	_ =	shalt  }
0x6f: {  	_ =	shalt  }
0x70: {  	_ =	shalt  }
0x71: {  	_ =	shalt  }
0x72: {  	_ =	shalt  }
0x73: {  	_ =	shalt  }
0x74: {  	_ =	shalt  }
0x75: {  	_ =	shalt  }
0x76: {  	_ =	shalt  }
0x77: {  	_ =	shalt  }
0x78: {  	_ =	shalt  }
0x79: {  	_ =	shalt  }
0x7a: {  	_ =	shalt  }
0x7b: {  	_ =	shalt  }
0x7c: {  	_ =	shalt  }
0x7d: {  	_ =	shalt  }
0x7e: {  	_ =	shalt  }
0x7f: {  	_ =	shalt  }
0x80: {  	_ =	shalt  }
0x81: {  	_ =	shalt  }
0x82: {  	_ =	shalt  }
0x83: {  	_ =	shalt  }
0x84: {  	_ =	shalt  }
0x85: {  	_ =	shalt  }
0x86: {  	_ =	shalt  }
0x87: {  	_ =	shalt  }
.Lfunc_end0:
.L_simem_size_0:
called_computation.1_lowered:
.L_overlay_start_0:
0x88: {  	s2 =	sld [smem:$0x3FD9]  }
0x89: {  	s3 =	sld [smem:$0x3FFE];
	_ =	sdelay $0x1  }
0x8a: {  	s1 =	srdreg.scid  }
0x8b: {  	s0 =	sand.u32 $0x1, s1  }
0x8c: {  	s17 =	sshll.u32 s0, $0xA;
	s2 =	sadd.s32 s3, s2  }
0x8d: {  	s2 =	sadd.s32 s2, s17  }
0x8e: {  	[smem:$0x3FC6] =	sst s2  }
0x8f: {  	_ = 	snop  }
0x90: {  	s2 =	sld [smem:$0x3FD0];
	(tm) =	ssettm $0x1  }
0x91: {  	s18 =	sld [smem:$0x3FFB];
	_ =	sdelay $0x3  }
0x92: {  	_ =	strace s18  }
0x93: {  	s3 =	sld [smem:$0x3FFC];
	_ =	sdelay $0x3  }
0x94: {  	_ =	strace s3  }
0x95: {  	s3 =	sld [smem:$0x3FFD];
	_ =	sdelay $0x3  }
0x96: {  	_ =	strace s3  }
0x97: {  	_ =	strace $0x8FFFFFFF  }
0x98: {  	s19 =	sld [smem:$0x3FDB];
	_ =	sdelay $0x1  }
0x99: {  	s4 =	simm.s32 $_scs_section_size  }
0x9a: {  	s5 =	simm.s32 $_size__tile_overlayer_lowered;
	s6 =	simm.s32 $_tile_overlayer_lowered  }
0x9b: {  	s22 =	simm.s32 $0x1BFF;
	s21 =	sshll.u32 s6, $0x1;
	s3 =	sadd.s32 s4, s19  }
0x9c: {  	s7 =	simm.s32 $0x0;
	s20 =	sshll.u32 s5, $0x1;
	s5 =	sadd.s32 s21, s3  }
0x9d: {  	[timem:s7], [sflag:s22] =	dma.local [hbm:s5], s20  }
0x9e: {  	_ =	swait.ge [sflag:s22], s20  }
0x9f: {  	s4 =	ssub.s32 $0x0, s20;
	[sflag:s22] =	ssyncset.done $0x0  }
0xa0: {  	[sflag:s22] =	ssyncadd.s32 s4;
	_ =	sdelay $0x1  }
0xa1: {  	s23 =	simm.s32 $0x1B8B  }
0xa2: {  	_ =	swait.ge [sflag:s23], $0x1  }
0xa3: {  	[sflag:s23] =	ssyncset.done $0x0  }
0xa4: {  	s25 =	simm.s32 $0x1B8E;
	s24 =	sld [smem:$0x3FFE];
	[sflag:s23] =	ssyncadd.s32 $0xFFFFFFFF  }
0xa5: {  	s26 =	simm.s32 $execute0_lowered;
	[smem:$0x3FD2] =	sst s25  }
0xa6: {  	s5 =	sshll.u32 s26, $0x1;
	_ =	strace $0x80000046;
	[dreg:$0x1] =	wrdreg $0xFFFFFFFF  }
0xa7: {  	s28 =	simm.s32 $_size_execute0_lowered;
	s3 =	sadd.s32 s3, s5;
	[dreg:$0x0] =	wrdreg $0x0  }
0xa8: {  	s5 =	sshll.u32 s28, $0x1;
	[dreg:$0x2] =	wrdreg s3  }
0xa9: {  	[dreg:$0x3] =	wrdreg s5  }
0xaa: {  	[dreg:$0x4] =	wrdreg $0xC0  }
0xab: {  	_ =	task [dreg:s7], $0x5FFFF  }
0xac: {  	[dreg:$0x1] =	wrdreg $0xFFFFFFFF  }
0xad: {  	[dreg:$0x0] =	wrdreg $0x60  }
0xae: {  	[dreg:$0x2] =	wrdreg s24  }
0xaf: {  	[dreg:$0x3] =	wrdreg s2  }
0xb0: {  	[dreg:$0x4] =	wrdreg $0x9  }
0xb1: {  	_ =	task.clear_ibuf [dreg:s7], $0x5FFFF;
	_ =	strace $0x90000046  }
0xb2: {  	s29 =	simm.s32 $0x9;
	_ =	strace $0x80000048  }
0xb3: {  	_ =	swait.ge [sflag:s29], $0x1  }
0xb4: {  	[sflag:s29] =	ssyncadd.s32 $0xFFFFFFFF  }
0xb5: {  	_ =	strace $0x90000048  }
0xb6: {  	_ =	sfence  }
0xb7: {  	s30 =	sld [smem:$0x0];
	_ =	sdelay $0x2  }
0xb8: {  	s31 =	sshll.u32 s1, $0xD;
	s1 =	sshrl.u32 s1, $0x2  }
0xb9: {  	s3 =	sand.u32 $0x4000, s31;
	s1 =	sadd.s32 s1, s30  }
0xba: {  	s0 =	sor.u32 s3, s0;
	s1 =	sshll.u32 s1, $0x11  }
0xbb: {  	s0 =	sor.u32 s1, s0  }
0xbc: {  	s0 =	sadd.s32 $0x8F2B, s0  }
0xbd: {  	[sflag:s0] =	ssyncadd.remote.s32 $0x1  }
0xbe: {  	_ =	sfence.sel $0xFFFF  }
0xbf: {  	[dreg:$0x0] =	wrdreg $0xFFFFFFFF;
	(pc) =	sbr.abs _section_cstart, $3  }
0xc0: {  	[dreg:$0x1] =	wrdreg $0xFFFFFFFF  }
0xc1: {  	_ =	task.clear_ibuf [dreg:s7], $0x2FFFF;
	_ =	strace $0x9FFFFFFF  }
0xc2: {  	(tm) =	ssettm $0x7FFFFFFF  }
0xc3: {  	_ =	shalt  }
tec
execute0_lowered:
.L_overlay_start_1:
0x0: {  	(tag) =	ssettag $0x1  }
0x1: {  	s3 =	rddreg [dreg:$0x0];
	s1 =	srdreg.scid  }
0x2: {  	s0 =	stileid.u32;
	s6 =	rddreg [dreg:$0x1];
	s2 =	simm.s32 $0x0  }
0x3: {  	s14 =	simm.s32 $0x3;
	s15 =	simm.s32 $0x680;
	s16 =	simm.s32 $0x34D0  }
0x4: {  	s17 =	simm.s32 $0x104D0;
	s18 =	simm.s32 $0x1;
	s19 =	simm.s32 $0x2  }
0x5: {  	s20 =	simm.s32 $0xD00;
	s21 =	simm.s32 $0x1380;
	s22 =	simm.s32 $0x1A00  }
0x6: {  	s23 =	simm.s32 $0x2080;
	s4 =	sand.u32 $0x1, s1;
	s5 =	sshll.u32 s0, $0x1  }
0x7: {  	s24 =	simm.s32 $0x2700;
	s25 =	simm.s32 $0x2D80;
	s5 =	sor.u32 s4, s5  }
0x8: {  	s26 =	simm.s32 $0x0;
	s1 =	rddreg [dreg:$0x2];
	s7 =	smul.u32 $0x680, s5  }
0x9: {  	[smem:$0x7FF] =	sst s2;
	s4 =	ssub.s32 $0x2, s4;
	s8 =	smul.u32 $0x68000, s5  }
0xa: {  	_ =	strace $0x80000047;
	s9 =	sshrl.u32 s4, $0x1;
	s5 =	smul.u32 $0xD000, s5  }
0xb: {  	s13 =	ssub.s32 s4, s9;
	s7 =	sadd.s32 s7, s3;
	s8 =	sshrl.u32 s8, $0x3  }
0xc: {  	s3 =	sadd.s32 $0x27ACE00, s3;
	s5 =	sadd.s32 s6, s5;
	s12 =	sadd.s32 s6, s8  }
0xd: {  	s13 =	smax.u32 s13, $0x1;
	s4 =	sadd.s32 $0xA00, s7;
	s6 =	sadd.s32 $0x1A00, s12  }
0xe: {  	s7 =	sadd.s32 $0x3400, s12;
	s8 =	sadd.s32 $0x4E00, s12;
	s9 =	sadd.s32 $0x6800, s12  }
0xf: {  	v0 =	vlaneseq.u32;
	s10 =	sadd.s32 $0x8200, s12;
	s11 =	sadd.s32 $0x9C00, s12;
	s12 =	sadd.s32 $0xB600, s12  }
.LBB2_1:
0x10: {  	v2 =	vor.u32 s2, v0  }
0x11: {  	v1 =	vmulhi.u32 $0x4EC4EC4F, v2;
	_ =	sdelay $0x1  }
0x12: {  	v1 =	vshrl.u32 v1, $0x3  }
0x13: {  	s28 =	simm.s32 $0x10;
	v3 =	vmul.u32 $0x1A, v1  }
0x14: {  	[tilespmem:s2], [sflag:$0x3] =	stream.linear.gather [hbm4b:s4+s2], $0x3400, $0x38;
	v1 =	vor.u32 s28, v0;
	[tilespmem:$0x1D4D0] =	vst v63  }
0x15: {  	_ =	swait.ge [sflag:s14], $0x3400;
	v2 =	vsub.s32 v2, v3;
	v3 =	vmulhi.u32 $0x4EC4EC4F, v1  }
0x16: {  	[sflag:s14] =	ssyncset.done $0x0;
	v2 =	vmul.u32 $0x186A0, v2  }
0x17: {  	[sflag:s14] =	ssyncadd.s32 $0xFFFFCC00;
	s28 =	simm.s32 $0x3400;
	v3 =	vshrl.u32 v3, $0x3  }
0x18: {  	s29 =	simm.s32 $0x20;
	[tilespmem:s28+$0x0] =	vst v2;
	v2 =	vmul.u32 $0x1A, v3  }
.LBB2_2:
0x19: {  	p0 =	sne.s32 s29, $0xC0  }
.Ltmp0:
0x1a: {  	v2 =	vsub.s32 v1, v2;
	v1 =	vor.u32 s29, v0;
	s29 =	sadd.s32 $0x10, s29;
	(pc) =	sbr.rel @p0 .LBB2_2-.Ltmp0, $4  }
0x1b: {  	v3 =	vmulhi.u32 $0x4EC4EC4F, v1;
	v2 =	vmul.u32 $0x186A0, v2  }
0x1c: {  	s28 =	sadd.s32 $0x10, s28  }
0x1d: {  	v3 =	vshrl.u32 v3, $0x3;
	[tilespmem:s28+$0x0] =	vst v2  }
0x1e: {  	v2 =	vmul.u32 $0x1A, v3  }
0x1f: {  	_ = 	snop  }
0x20: {  	v1 =	vsub.s32 v1, v2  }
0x21: {  	v1 =	vmul.u32 $0x186A0, v1  }
0x22: {  	s28 =	sadd.s32 $0x10, s28  }
0x23: {  	[tilespmem:s28+$0x0] =	vst v1;
	s28 =	simm.s32 $0x0  }
0x24: {  	s29 =	simm.s32 $0x340;
	v1 =	vld [tilespmem:s28+$0x0]  }
.LBB2_4:
0x25: {  	p0 =	sne.s32 s29, $0x16C0;
	v2 =	vld [tilespmem:$0x3400];
	_ =	sdelay $0x4  }
0x26: {  	v1 =	vadd.s32 v1, v2  }
0x27: {  	[tilespmem:s28+$0x0] =	vst v1;
	v1 =	vld [tilespmem:s28+$0x10]  }
0x28: {  	v2 =	vld [tilespmem:$0x3410];
	_ =	sdelay $0x4  }
0x29: {  	v1 =	vadd.s32 v1, v2  }
0x2a: {  	[tilespmem:s28+$0x10] =	vst v1;
	v1 =	vld [tilespmem:s28+$0x20]  }
0x2b: {  	v2 =	vld [tilespmem:$0x3420];
	_ =	sdelay $0x4  }
0x2c: {  	v1 =	vadd.s32 v1, v2  }
0x2d: {  	[tilespmem:s28+$0x20] =	vst v1;
	v1 =	vld [tilespmem:s28+$0x30]  }
0x2e: {  	v2 =	vld [tilespmem:$0x3430];
	_ =	sdelay $0x4  }
0x2f: {  	v1 =	vadd.s32 v1, v2  }
0x30: {  	[tilespmem:s28+$0x30] =	vst v1;
	v1 =	vld [tilespmem:s28+$0x40]  }
0x31: {  	v2 =	vld [tilespmem:$0x3440];
	_ =	sdelay $0x4  }
0x32: {  	v1 =	vadd.s32 v1, v2  }
0x33: {  	[tilespmem:s28+$0x40] =	vst v1;
	v1 =	vld [tilespmem:s28+$0x50]  }
0x34: {  	v2 =	vld [tilespmem:$0x3450];
	_ =	sdelay $0x4  }
0x35: {  	v1 =	vadd.s32 v1, v2  }
0x36: {  	[tilespmem:s28+$0x50] =	vst v1;
	v1 =	vld [tilespmem:s28+$0x60]  }
0x37: {  	v2 =	vld [tilespmem:$0x3460];
	_ =	sdelay $0x4  }
0x38: {  	v1 =	vadd.s32 v1, v2  }
0x39: {  	[tilespmem:s28+$0x60] =	vst v1;
	v1 =	vld [tilespmem:s28+$0x70]  }
0x3a: {  	v2 =	vld [tilespmem:$0x3470];
	_ =	sdelay $0x4  }
0x3b: {  	v1 =	vadd.s32 v1, v2  }
0x3c: {  	[tilespmem:s28+$0x70] =	vst v1;
	v1 =	vld [tilespmem:s28+$0x80]  }
0x3d: {  	v2 =	vld [tilespmem:$0x3480];
	_ =	sdelay $0x4  }
0x3e: {  	v1 =	vadd.s32 v1, v2  }
0x3f: {  	[tilespmem:s28+$0x80] =	vst v1;
	v1 =	vld [tilespmem:s28+$0x90]  }
0x40: {  	v2 =	vld [tilespmem:$0x3490];
	_ =	sdelay $0x4  }
0x41: {  	v1 =	vadd.s32 v1, v2  }
0x42: {  	[tilespmem:s28+$0x90] =	vst v1;
	v1 =	vld [tilespmem:s28+$0xA0]  }
0x43: {  	v2 =	vld [tilespmem:$0x34A0];
	_ =	sdelay $0x4  }
0x44: {  	v1 =	vadd.s32 v1, v2  }
0x45: {  	[tilespmem:s28+$0xA0] =	vst v1;
	v1 =	vld [tilespmem:s28+$0xB0]  }
0x46: {  	v2 =	vld [tilespmem:$0x34B0];
	_ =	sdelay $0x4  }
0x47: {  	v1 =	vadd.s32 v1, v2  }
0x48: {  	[tilespmem:s28+$0xB0] =	vst v1;
	v1 =	vld [tilespmem:s28+$0xC0]  }
0x49: {  	v2 =	vld [tilespmem:$0x34C0];
	_ =	sdelay $0x1  }
.Ltmp1:
0x4a: {  	(pc) =	sbr.rel @p0 .LBB2_4-.Ltmp1, $3  }
0x4b: {  	_ =	sdelay $0x1  }
0x4c: {  	s30 =	sshra.s32 s29, $0x2;
	v2 =	vadd.s32 v1, v2  }
0x4d: {  	s29 =	sadd.s32 $0x340, s29;
	v1 =	vld [tilespmem:s30+$0x0];
	[tilespmem:s28+$0xC0] =	vst v2;
	s28 =	smov.u32 s30  }
0x4e: {  	v2 =	vld [tilespmem:$0x3400];
	_ =	sdelay $0x4  }
0x4f: {  	v1 =	vadd.s32 v1, v2  }
0x50: {  	[tilespmem:s28+$0x0] =	vst v1;
	v1 =	vld [tilespmem:s28+$0x10]  }
0x51: {  	v2 =	vld [tilespmem:$0x3410];
	_ =	sdelay $0x4  }
0x52: {  	v1 =	vadd.s32 v1, v2  }
0x53: {  	[tilespmem:s28+$0x10] =	vst v1;
	v1 =	vld [tilespmem:s28+$0x20]  }
0x54: {  	v2 =	vld [tilespmem:$0x3420];
	_ =	sdelay $0x4  }
0x55: {  	v1 =	vadd.s32 v1, v2  }
0x56: {  	[tilespmem:s28+$0x20] =	vst v1;
	v1 =	vld [tilespmem:s28+$0x30]  }
0x57: {  	v2 =	vld [tilespmem:$0x3430];
	_ =	sdelay $0x4  }
0x58: {  	v1 =	vadd.s32 v1, v2  }
0x59: {  	[tilespmem:s28+$0x30] =	vst v1;
	v1 =	vld [tilespmem:s28+$0x40]  }
0x5a: {  	v2 =	vld [tilespmem:$0x3440];
	_ =	sdelay $0x4  }
0x5b: {  	v1 =	vadd.s32 v1, v2  }
0x5c: {  	[tilespmem:s28+$0x40] =	vst v1;
	v1 =	vld [tilespmem:s28+$0x50]  }
0x5d: {  	v2 =	vld [tilespmem:$0x3450];
	_ =	sdelay $0x4  }
0x5e: {  	v1 =	vadd.s32 v1, v2  }
0x5f: {  	[tilespmem:s28+$0x50] =	vst v1;
	v1 =	vld [tilespmem:s28+$0x60]  }
0x60: {  	v2 =	vld [tilespmem:$0x3460];
	_ =	sdelay $0x4  }
0x61: {  	v1 =	vadd.s32 v1, v2  }
0x62: {  	[tilespmem:s28+$0x60] =	vst v1;
	v1 =	vld [tilespmem:s28+$0x70]  }
0x63: {  	v2 =	vld [tilespmem:$0x3470];
	_ =	sdelay $0x4  }
0x64: {  	v1 =	vadd.s32 v1, v2  }
0x65: {  	[tilespmem:s28+$0x70] =	vst v1;
	v1 =	vld [tilespmem:s28+$0x80]  }
0x66: {  	v2 =	vld [tilespmem:$0x3480];
	_ =	sdelay $0x4  }
0x67: {  	v1 =	vadd.s32 v1, v2  }
0x68: {  	[tilespmem:s28+$0x80] =	vst v1;
	v1 =	vld [tilespmem:s28+$0x90]  }
0x69: {  	v2 =	vld [tilespmem:$0x3490];
	_ =	sdelay $0x4  }
0x6a: {  	v1 =	vadd.s32 v1, v2  }
0x6b: {  	[tilespmem:s28+$0x90] =	vst v1;
	v1 =	vld [tilespmem:s28+$0xA0]  }
0x6c: {  	v2 =	vld [tilespmem:$0x34A0];
	_ =	sdelay $0x4  }
0x6d: {  	v1 =	vadd.s32 v1, v2  }
0x6e: {  	[tilespmem:s28+$0xA0] =	vst v1;
	v1 =	vld [tilespmem:s28+$0xB0]  }
0x6f: {  	v2 =	vld [tilespmem:$0x34B0];
	_ =	sdelay $0x4  }
0x70: {  	v1 =	vadd.s32 v1, v2  }
0x71: {  	[tilespmem:s28+$0xB0] =	vst v1;
	v1 =	vld [tilespmem:s28+$0xC0]  }
0x72: {  	v2 =	vld [tilespmem:$0x34C0];
	_ =	sdelay $0x4  }
0x73: {  	v1 =	vadd.s32 v1, v2  }
0x74: {  	[tilespmem:s28+$0xC0] =	vst v1;
	s28 =	simm.s32 $0x0  }
0x75: {  	[tilespmem:s16], [sflag:$0x1] =	stream.indirect.gather [hbm4b:s3+s15], $0x20, s28, s15, $0xb8;
	[tilespmem:$0x1D4D0] =	vst v63  }
0x76: {  	s28 =	simm.s32 $0x0  }
0x77: {  	s29 =	simm.s32 $0x340;
	v1 =	vld [tilespmem:s28+$0x680]  }
.LBB2_6:
0x78: {  	p0 =	sne.s32 s29, $0x16C0;
	v2 =	vld [tilespmem:$0x3400];
	_ =	sdelay $0x4  }
0x79: {  	v1 =	vadd.s32 v1, v2  }
0x7a: {  	[tilespmem:s28+$0x680] =	vst v1;
	v1 =	vld [tilespmem:s28+$0x690]  }
0x7b: {  	v2 =	vld [tilespmem:$0x3410];
	_ =	sdelay $0x4  }
0x7c: {  	v1 =	vadd.s32 v1, v2  }
0x7d: {  	[tilespmem:s28+$0x690] =	vst v1;
	v1 =	vld [tilespmem:s28+$0x6A0]  }
0x7e: {  	v2 =	vld [tilespmem:$0x3420];
	_ =	sdelay $0x4  }
0x7f: {  	v1 =	vadd.s32 v1, v2  }
0x80: {  	[tilespmem:s28+$0x6A0] =	vst v1;
	v1 =	vld [tilespmem:s28+$0x6B0]  }
0x81: {  	v2 =	vld [tilespmem:$0x3430];
	_ =	sdelay $0x4  }
0x82: {  	v1 =	vadd.s32 v1, v2  }
0x83: {  	[tilespmem:s28+$0x6B0] =	vst v1;
	v1 =	vld [tilespmem:s28+$0x6C0]  }
0x84: {  	v2 =	vld [tilespmem:$0x3440];
	_ =	sdelay $0x4  }
0x85: {  	v1 =	vadd.s32 v1, v2  }
0x86: {  	[tilespmem:s28+$0x6C0] =	vst v1;
	v1 =	vld [tilespmem:s28+$0x6D0]  }
0x87: {  	v2 =	vld [tilespmem:$0x3450];
	_ =	sdelay $0x4  }
0x88: {  	v1 =	vadd.s32 v1, v2  }
0x89: {  	[tilespmem:s28+$0x6D0] =	vst v1;
	v1 =	vld [tilespmem:s28+$0x6E0]  }
0x8a: {  	v2 =	vld [tilespmem:$0x3460];
	_ =	sdelay $0x4  }
0x8b: {  	v1 =	vadd.s32 v1, v2  }
0x8c: {  	[tilespmem:s28+$0x6E0] =	vst v1;
	v1 =	vld [tilespmem:s28+$0x6F0]  }
0x8d: {  	v2 =	vld [tilespmem:$0x3470];
	_ =	sdelay $0x4  }
0x8e: {  	v1 =	vadd.s32 v1, v2  }
0x8f: {  	[tilespmem:s28+$0x6F0] =	vst v1;
	v1 =	vld [tilespmem:s28+$0x700]  }
0x90: {  	v2 =	vld [tilespmem:$0x3480];
	_ =	sdelay $0x4  }
0x91: {  	v1 =	vadd.s32 v1, v2  }
0x92: {  	[tilespmem:s28+$0x700] =	vst v1;
	v1 =	vld [tilespmem:s28+$0x710]  }
0x93: {  	v2 =	vld [tilespmem:$0x3490];
	_ =	sdelay $0x4  }
0x94: {  	v1 =	vadd.s32 v1, v2  }
0x95: {  	[tilespmem:s28+$0x710] =	vst v1;
	v1 =	vld [tilespmem:s28+$0x720]  }
0x96: {  	v2 =	vld [tilespmem:$0x34A0];
	_ =	sdelay $0x4  }
0x97: {  	v1 =	vadd.s32 v1, v2  }
0x98: {  	[tilespmem:s28+$0x720] =	vst v1;
	v1 =	vld [tilespmem:s28+$0x730]  }
0x99: {  	v2 =	vld [tilespmem:$0x34B0];
	_ =	sdelay $0x4  }
0x9a: {  	v1 =	vadd.s32 v1, v2  }
0x9b: {  	[tilespmem:s28+$0x730] =	vst v1;
	v1 =	vld [tilespmem:s28+$0x740]  }
0x9c: {  	v2 =	vld [tilespmem:$0x34C0];
	_ =	sdelay $0x1  }
.Ltmp2:
0x9d: {  	(pc) =	sbr.rel @p0 .LBB2_6-.Ltmp2, $3  }
0x9e: {  	_ =	sdelay $0x1  }
0x9f: {  	s30 =	sshra.s32 s29, $0x2;
	v2 =	vadd.s32 v1, v2  }
0xa0: {  	s29 =	sadd.s32 $0x340, s29;
	v1 =	vld [tilespmem:s30+$0x680];
	[tilespmem:s28+$0x740] =	vst v2;
	s28 =	smov.u32 s30  }
0xa1: {  	v2 =	vld [tilespmem:$0x3400];
	_ =	sdelay $0x4  }
0xa2: {  	v1 =	vadd.s32 v1, v2  }
0xa3: {  	[tilespmem:s28+$0x680] =	vst v1;
	v1 =	vld [tilespmem:s28+$0x690]  }
0xa4: {  	v2 =	vld [tilespmem:$0x3410];
	_ =	sdelay $0x4  }
0xa5: {  	v1 =	vadd.s32 v1, v2  }
0xa6: {  	[tilespmem:s28+$0x690] =	vst v1;
	v1 =	vld [tilespmem:s28+$0x6A0]  }
0xa7: {  	v2 =	vld [tilespmem:$0x3420];
	_ =	sdelay $0x4  }
0xa8: {  	v1 =	vadd.s32 v1, v2  }
0xa9: {  	[tilespmem:s28+$0x6A0] =	vst v1;
	v1 =	vld [tilespmem:s28+$0x6B0]  }
0xaa: {  	v2 =	vld [tilespmem:$0x3430];
	_ =	sdelay $0x4  }
0xab: {  	v1 =	vadd.s32 v1, v2  }
0xac: {  	[tilespmem:s28+$0x6B0] =	vst v1;
	v1 =	vld [tilespmem:s28+$0x6C0]  }
0xad: {  	v2 =	vld [tilespmem:$0x3440];
	_ =	sdelay $0x4  }
0xae: {  	v1 =	vadd.s32 v1, v2  }
0xaf: {  	[tilespmem:s28+$0x6C0] =	vst v1;
	v1 =	vld [tilespmem:s28+$0x6D0]  }
0xb0: {  	v2 =	vld [tilespmem:$0x3450];
	_ =	sdelay $0x4  }
0xb1: {  	v1 =	vadd.s32 v1, v2  }
0xb2: {  	[tilespmem:s28+$0x6D0] =	vst v1;
	v1 =	vld [tilespmem:s28+$0x6E0]  }
0xb3: {  	v2 =	vld [tilespmem:$0x3460];
	_ =	sdelay $0x4  }
0xb4: {  	v1 =	vadd.s32 v1, v2  }
0xb5: {  	[tilespmem:s28+$0x6E0] =	vst v1;
	v1 =	vld [tilespmem:s28+$0x6F0]  }
0xb6: {  	v2 =	vld [tilespmem:$0x3470];
	_ =	sdelay $0x4  }
0xb7: {  	v1 =	vadd.s32 v1, v2  }
0xb8: {  	[tilespmem:s28+$0x6F0] =	vst v1;
	v1 =	vld [tilespmem:s28+$0x700]  }
0xb9: {  	v2 =	vld [tilespmem:$0x3480];
	_ =	sdelay $0x4  }
0xba: {  	v1 =	vadd.s32 v1, v2  }
0xbb: {  	[tilespmem:s28+$0x700] =	vst v1;
	v1 =	vld [tilespmem:s28+$0x710]  }
0xbc: {  	v2 =	vld [tilespmem:$0x3490];
	_ =	sdelay $0x4  }
0xbd: {  	v1 =	vadd.s32 v1, v2  }
0xbe: {  	[tilespmem:s28+$0x710] =	vst v1;
	v1 =	vld [tilespmem:s28+$0x720]  }
0xbf: {  	v2 =	vld [tilespmem:$0x34A0];
	_ =	sdelay $0x4  }
0xc0: {  	v1 =	vadd.s32 v1, v2  }
0xc1: {  	[tilespmem:s28+$0x720] =	vst v1;
	v1 =	vld [tilespmem:s28+$0x730]  }
0xc2: {  	v2 =	vld [tilespmem:$0x34B0];
	_ =	sdelay $0x4  }
0xc3: {  	v1 =	vadd.s32 v1, v2  }
0xc4: {  	[tilespmem:s28+$0x730] =	vst v1;
	v1 =	vld [tilespmem:s28+$0x740]  }
0xc5: {  	v2 =	vld [tilespmem:$0x34C0];
	_ =	sdelay $0x4  }
0xc6: {  	v1 =	vadd.s32 v1, v2  }
0xc7: {  	[tilespmem:s28+$0x740] =	vst v1  }
0xc8: {  	[tilespmem:s17], [sflag:$0x1] =	stream.indirect.gather [hbm4b:s3+s15], $0x20, s15, s15, $0xb8;
	[tilespmem:$0x1D4D0] =	vst v63  }
0xc9: {  	_ =	swait.ge [sflag:s18], $0xD000  }
0xca: {  	[sflag:s18] =	ssyncset.done $0x0  }
0xcb: {  	s28 =	simm.s32 $0x0;
	[sflag:s18] =	ssyncadd.s32 $0xFFFF3000  }
0xcc: {  	[hbm4b:s5+s28] =	stream.linear.scatter [tilespmem:s16], [sflag:$0x2], $0xD000, $0x38;
	[tilespmem:$0x1D4D0] =	vst v63  }
0xcd: {  	s28 =	simm.s32 $0x0  }
0xce: {  	s29 =	simm.s32 $0x340;
	v1 =	vld [tilespmem:s28+$0xD00]  }
.LBB2_8:
0xcf: {  	p0 =	sne.s32 s29, $0x16C0;
	v2 =	vld [tilespmem:$0x3400];
	_ =	sdelay $0x4  }
0xd0: {  	v1 =	vadd.s32 v1, v2  }
0xd1: {  	[tilespmem:s28+$0xD00] =	vst v1;
	v1 =	vld [tilespmem:s28+$0xD10]  }
0xd2: {  	v2 =	vld [tilespmem:$0x3410];
	_ =	sdelay $0x4  }
0xd3: {  	v1 =	vadd.s32 v1, v2  }
0xd4: {  	[tilespmem:s28+$0xD10] =	vst v1;
	v1 =	vld [tilespmem:s28+$0xD20]  }
0xd5: {  	v2 =	vld [tilespmem:$0x3420];
	_ =	sdelay $0x4  }
0xd6: {  	v1 =	vadd.s32 v1, v2  }
0xd7: {  	[tilespmem:s28+$0xD20] =	vst v1;
	v1 =	vld [tilespmem:s28+$0xD30]  }
0xd8: {  	v2 =	vld [tilespmem:$0x3430];
	_ =	sdelay $0x4  }
0xd9: {  	v1 =	vadd.s32 v1, v2  }
0xda: {  	[tilespmem:s28+$0xD30] =	vst v1;
	v1 =	vld [tilespmem:s28+$0xD40]  }
0xdb: {  	v2 =	vld [tilespmem:$0x3440];
	_ =	sdelay $0x4  }
0xdc: {  	v1 =	vadd.s32 v1, v2  }
0xdd: {  	[tilespmem:s28+$0xD40] =	vst v1;
	v1 =	vld [tilespmem:s28+$0xD50]  }
0xde: {  	v2 =	vld [tilespmem:$0x3450];
	_ =	sdelay $0x4  }
0xdf: {  	v1 =	vadd.s32 v1, v2  }
0xe0: {  	[tilespmem:s28+$0xD50] =	vst v1;
	v1 =	vld [tilespmem:s28+$0xD60]  }
0xe1: {  	v2 =	vld [tilespmem:$0x3460];
	_ =	sdelay $0x4  }
0xe2: {  	v1 =	vadd.s32 v1, v2  }
0xe3: {  	[tilespmem:s28+$0xD60] =	vst v1;
	v1 =	vld [tilespmem:s28+$0xD70]  }
0xe4: {  	v2 =	vld [tilespmem:$0x3470];
	_ =	sdelay $0x4  }
0xe5: {  	v1 =	vadd.s32 v1, v2  }
0xe6: {  	[tilespmem:s28+$0xD70] =	vst v1;
	v1 =	vld [tilespmem:s28+$0xD80]  }
0xe7: {  	v2 =	vld [tilespmem:$0x3480];
	_ =	sdelay $0x4  }
0xe8: {  	v1 =	vadd.s32 v1, v2  }
0xe9: {  	[tilespmem:s28+$0xD80] =	vst v1;
	v1 =	vld [tilespmem:s28+$0xD90]  }
0xea: {  	v2 =	vld [tilespmem:$0x3490];
	_ =	sdelay $0x4  }
0xeb: {  	v1 =	vadd.s32 v1, v2  }
0xec: {  	[tilespmem:s28+$0xD90] =	vst v1;
	v1 =	vld [tilespmem:s28+$0xDA0]  }
0xed: {  	v2 =	vld [tilespmem:$0x34A0];
	_ =	sdelay $0x4  }
0xee: {  	v1 =	vadd.s32 v1, v2  }
0xef: {  	[tilespmem:s28+$0xDA0] =	vst v1;
	v1 =	vld [tilespmem:s28+$0xDB0]  }
0xf0: {  	v2 =	vld [tilespmem:$0x34B0];
	_ =	sdelay $0x4  }
0xf1: {  	v1 =	vadd.s32 v1, v2  }
0xf2: {  	[tilespmem:s28+$0xDB0] =	vst v1;
	v1 =	vld [tilespmem:s28+$0xDC0]  }
0xf3: {  	v2 =	vld [tilespmem:$0x34C0];
	_ =	sdelay $0x1  }
.Ltmp3:
0xf4: {  	(pc) =	sbr.rel @p0 .LBB2_8-.Ltmp3, $3  }
0xf5: {  	_ =	sdelay $0x1  }
0xf6: {  	s30 =	sshra.s32 s29, $0x2;
	v2 =	vadd.s32 v1, v2  }
0xf7: {  	s29 =	sadd.s32 $0x340, s29;
	v1 =	vld [tilespmem:s30+$0xD00];
	[tilespmem:s28+$0xDC0] =	vst v2;
	s28 =	smov.u32 s30  }
0xf8: {  	v2 =	vld [tilespmem:$0x3400];
	_ =	sdelay $0x4  }
0xf9: {  	v1 =	vadd.s32 v1, v2  }
0xfa: {  	[tilespmem:s28+$0xD00] =	vst v1;
	v1 =	vld [tilespmem:s28+$0xD10]  }
0xfb: {  	v2 =	vld [tilespmem:$0x3410];
	_ =	sdelay $0x4  }
0xfc: {  	v1 =	vadd.s32 v1, v2  }
0xfd: {  	[tilespmem:s28+$0xD10] =	vst v1;
	v1 =	vld [tilespmem:s28+$0xD20]  }
0xfe: {  	v2 =	vld [tilespmem:$0x3420];
	_ =	sdelay $0x4  }
0xff: {  	v1 =	vadd.s32 v1, v2  }
0x100: {  	[tilespmem:s28+$0xD20] =	vst v1;
	v1 =	vld [tilespmem:s28+$0xD30]  }
0x101: {  	v2 =	vld [tilespmem:$0x3430];
	_ =	sdelay $0x4  }
0x102: {  	v1 =	vadd.s32 v1, v2  }
0x103: {  	[tilespmem:s28+$0xD30] =	vst v1;
	v1 =	vld [tilespmem:s28+$0xD40]  }
0x104: {  	v2 =	vld [tilespmem:$0x3440];
	_ =	sdelay $0x4  }
0x105: {  	v1 =	vadd.s32 v1, v2  }
0x106: {  	[tilespmem:s28+$0xD40] =	vst v1;
	v1 =	vld [tilespmem:s28+$0xD50]  }
0x107: {  	v2 =	vld [tilespmem:$0x3450];
	_ =	sdelay $0x4  }
0x108: {  	v1 =	vadd.s32 v1, v2  }
0x109: {  	[tilespmem:s28+$0xD50] =	vst v1;
	v1 =	vld [tilespmem:s28+$0xD60]  }
0x10a: {  	v2 =	vld [tilespmem:$0x3460];
	_ =	sdelay $0x4  }
0x10b: {  	v1 =	vadd.s32 v1, v2  }
0x10c: {  	[tilespmem:s28+$0xD60] =	vst v1;
	v1 =	vld [tilespmem:s28+$0xD70]  }
0x10d: {  	v2 =	vld [tilespmem:$0x3470];
	_ =	sdelay $0x4  }
0x10e: {  	v1 =	vadd.s32 v1, v2  }
0x10f: {  	[tilespmem:s28+$0xD70] =	vst v1;
	v1 =	vld [tilespmem:s28+$0xD80]  }
0x110: {  	v2 =	vld [tilespmem:$0x3480];
	_ =	sdelay $0x4  }
0x111: {  	v1 =	vadd.s32 v1, v2  }
0x112: {  	[tilespmem:s28+$0xD80] =	vst v1;
	v1 =	vld [tilespmem:s28+$0xD90]  }
0x113: {  	v2 =	vld [tilespmem:$0x3490];
	_ =	sdelay $0x4  }
0x114: {  	v1 =	vadd.s32 v1, v2  }
0x115: {  	[tilespmem:s28+$0xD90] =	vst v1;
	v1 =	vld [tilespmem:s28+$0xDA0]  }
0x116: {  	v2 =	vld [tilespmem:$0x34A0];
	_ =	sdelay $0x4  }
0x117: {  	v1 =	vadd.s32 v1, v2  }
0x118: {  	[tilespmem:s28+$0xDA0] =	vst v1;
	v1 =	vld [tilespmem:s28+$0xDB0]  }
0x119: {  	v2 =	vld [tilespmem:$0x34B0];
	_ =	sdelay $0x4  }
0x11a: {  	v1 =	vadd.s32 v1, v2  }
0x11b: {  	[tilespmem:s28+$0xDB0] =	vst v1;
	v1 =	vld [tilespmem:s28+$0xDC0]  }
0x11c: {  	v2 =	vld [tilespmem:$0x34C0];
	_ =	sdelay $0x4  }
0x11d: {  	v1 =	vadd.s32 v1, v2  }
0x11e: {  	[tilespmem:s28+$0xDC0] =	vst v1  }
0x11f: {  	_ =	swait.ge [sflag:s19], $0xD000  }
0x120: {  	[sflag:s19] =	ssyncset.done $0x0  }
0x121: {  	[sflag:s19] =	ssyncadd.s32 $0xFFFF3000  }
0x122: {  	[tilespmem:s16], [sflag:$0x1] =	stream.indirect.gather [hbm4b:s3+s15], $0x20, s20, s15, $0xb8;
	[tilespmem:$0x1D4D0] =	vst v63  }
0x123: {  	_ =	swait.ge [sflag:s18], $0xD000  }
0x124: {  	[sflag:s18] =	ssyncset.done $0x0  }
0x125: {  	s28 =	simm.s32 $0x0;
	[sflag:s18] =	ssyncadd.s32 $0xFFFF3000  }
0x126: {  	[hbm4b:s6+s28] =	stream.linear.scatter [tilespmem:s17], [sflag:$0x2], $0xD000, $0x38;
	[tilespmem:$0x1D4D0] =	vst v63  }
0x127: {  	s28 =	simm.s32 $0x0  }
0x128: {  	s29 =	simm.s32 $0x340;
	v1 =	vld [tilespmem:s28+$0x1380]  }
.LBB2_10:
0x129: {  	p0 =	sne.s32 s29, $0x16C0;
	v2 =	vld [tilespmem:$0x3400];
	_ =	sdelay $0x4  }
0x12a: {  	v1 =	vadd.s32 v1, v2  }
0x12b: {  	[tilespmem:s28+$0x1380] =	vst v1;
	v1 =	vld [tilespmem:s28+$0x1390]  }
0x12c: {  	v2 =	vld [tilespmem:$0x3410];
	_ =	sdelay $0x4  }
0x12d: {  	v1 =	vadd.s32 v1, v2  }
0x12e: {  	[tilespmem:s28+$0x1390] =	vst v1;
	v1 =	vld [tilespmem:s28+$0x13A0]  }
0x12f: {  	v2 =	vld [tilespmem:$0x3420];
	_ =	sdelay $0x4  }
0x130: {  	v1 =	vadd.s32 v1, v2  }
0x131: {  	[tilespmem:s28+$0x13A0] =	vst v1;
	v1 =	vld [tilespmem:s28+$0x13B0]  }
0x132: {  	v2 =	vld [tilespmem:$0x3430];
	_ =	sdelay $0x4  }
0x133: {  	v1 =	vadd.s32 v1, v2  }
0x134: {  	[tilespmem:s28+$0x13B0] =	vst v1;
	v1 =	vld [tilespmem:s28+$0x13C0]  }
0x135: {  	v2 =	vld [tilespmem:$0x3440];
	_ =	sdelay $0x4  }
0x136: {  	v1 =	vadd.s32 v1, v2  }
0x137: {  	[tilespmem:s28+$0x13C0] =	vst v1;
	v1 =	vld [tilespmem:s28+$0x13D0]  }
0x138: {  	v2 =	vld [tilespmem:$0x3450];
	_ =	sdelay $0x4  }
0x139: {  	v1 =	vadd.s32 v1, v2  }
0x13a: {  	[tilespmem:s28+$0x13D0] =	vst v1;
	v1 =	vld [tilespmem:s28+$0x13E0]  }
0x13b: {  	v2 =	vld [tilespmem:$0x3460];
	_ =	sdelay $0x4  }
0x13c: {  	v1 =	vadd.s32 v1, v2  }
0x13d: {  	[tilespmem:s28+$0x13E0] =	vst v1;
	v1 =	vld [tilespmem:s28+$0x13F0]  }
0x13e: {  	v2 =	vld [tilespmem:$0x3470];
	_ =	sdelay $0x4  }
0x13f: {  	v1 =	vadd.s32 v1, v2  }
0x140: {  	[tilespmem:s28+$0x13F0] =	vst v1;
	v1 =	vld [tilespmem:s28+$0x1400]  }
0x141: {  	v2 =	vld [tilespmem:$0x3480];
	_ =	sdelay $0x4  }
0x142: {  	v1 =	vadd.s32 v1, v2  }
0x143: {  	[tilespmem:s28+$0x1400] =	vst v1;
	v1 =	vld [tilespmem:s28+$0x1410]  }
0x144: {  	v2 =	vld [tilespmem:$0x3490];
	_ =	sdelay $0x4  }
0x145: {  	v1 =	vadd.s32 v1, v2  }
0x146: {  	[tilespmem:s28+$0x1410] =	vst v1;
	v1 =	vld [tilespmem:s28+$0x1420]  }
0x147: {  	v2 =	vld [tilespmem:$0x34A0];
	_ =	sdelay $0x4  }
0x148: {  	v1 =	vadd.s32 v1, v2  }
0x149: {  	[tilespmem:s28+$0x1420] =	vst v1;
	v1 =	vld [tilespmem:s28+$0x1430]  }
0x14a: {  	v2 =	vld [tilespmem:$0x34B0];
	_ =	sdelay $0x4  }
0x14b: {  	v1 =	vadd.s32 v1, v2  }
0x14c: {  	[tilespmem:s28+$0x1430] =	vst v1;
	v1 =	vld [tilespmem:s28+$0x1440]  }
0x14d: {  	v2 =	vld [tilespmem:$0x34C0];
	_ =	sdelay $0x1  }
.Ltmp4:
0x14e: {  	(pc) =	sbr.rel @p0 .LBB2_10-.Ltmp4, $3  }
0x14f: {  	_ =	sdelay $0x1  }
0x150: {  	s30 =	sshra.s32 s29, $0x2;
	v2 =	vadd.s32 v1, v2  }
0x151: {  	s29 =	sadd.s32 $0x340, s29;
	v1 =	vld [tilespmem:s30+$0x1380];
	[tilespmem:s28+$0x1440] =	vst v2;
	s28 =	smov.u32 s30  }
0x152: {  	v2 =	vld [tilespmem:$0x3400];
	_ =	sdelay $0x4  }
0x153: {  	v1 =	vadd.s32 v1, v2  }
0x154: {  	[tilespmem:s28+$0x1380] =	vst v1;
	v1 =	vld [tilespmem:s28+$0x1390]  }
0x155: {  	v2 =	vld [tilespmem:$0x3410];
	_ =	sdelay $0x4  }
0x156: {  	v1 =	vadd.s32 v1, v2  }
0x157: {  	[tilespmem:s28+$0x1390] =	vst v1;
	v1 =	vld [tilespmem:s28+$0x13A0]  }
0x158: {  	v2 =	vld [tilespmem:$0x3420];
	_ =	sdelay $0x4  }
0x159: {  	v1 =	vadd.s32 v1, v2  }
0x15a: {  	[tilespmem:s28+$0x13A0] =	vst v1;
	v1 =	vld [tilespmem:s28+$0x13B0]  }
0x15b: {  	v2 =	vld [tilespmem:$0x3430];
	_ =	sdelay $0x4  }
0x15c: {  	v1 =	vadd.s32 v1, v2  }
0x15d: {  	[tilespmem:s28+$0x13B0] =	vst v1;
	v1 =	vld [tilespmem:s28+$0x13C0]  }
0x15e: {  	v2 =	vld [tilespmem:$0x3440];
	_ =	sdelay $0x4  }
0x15f: {  	v1 =	vadd.s32 v1, v2  }
0x160: {  	[tilespmem:s28+$0x13C0] =	vst v1;
	v1 =	vld [tilespmem:s28+$0x13D0]  }
0x161: {  	v2 =	vld [tilespmem:$0x3450];
	_ =	sdelay $0x4  }
0x162: {  	v1 =	vadd.s32 v1, v2  }
0x163: {  	[tilespmem:s28+$0x13D0] =	vst v1;
	v1 =	vld [tilespmem:s28+$0x13E0]  }
0x164: {  	v2 =	vld [tilespmem:$0x3460];
	_ =	sdelay $0x4  }
0x165: {  	v1 =	vadd.s32 v1, v2  }
0x166: {  	[tilespmem:s28+$0x13E0] =	vst v1;
	v1 =	vld [tilespmem:s28+$0x13F0]  }
0x167: {  	v2 =	vld [tilespmem:$0x3470];
	_ =	sdelay $0x4  }
0x168: {  	v1 =	vadd.s32 v1, v2  }
0x169: {  	[tilespmem:s28+$0x13F0] =	vst v1;
	v1 =	vld [tilespmem:s28+$0x1400]  }
0x16a: {  	v2 =	vld [tilespmem:$0x3480];
	_ =	sdelay $0x4  }
0x16b: {  	v1 =	vadd.s32 v1, v2  }
0x16c: {  	[tilespmem:s28+$0x1400] =	vst v1;
	v1 =	vld [tilespmem:s28+$0x1410]  }
0x16d: {  	v2 =	vld [tilespmem:$0x3490];
	_ =	sdelay $0x4  }
0x16e: {  	v1 =	vadd.s32 v1, v2  }
0x16f: {  	[tilespmem:s28+$0x1410] =	vst v1;
	v1 =	vld [tilespmem:s28+$0x1420]  }
0x170: {  	v2 =	vld [tilespmem:$0x34A0];
	_ =	sdelay $0x4  }
0x171: {  	v1 =	vadd.s32 v1, v2  }
0x172: {  	[tilespmem:s28+$0x1420] =	vst v1;
	v1 =	vld [tilespmem:s28+$0x1430]  }
0x173: {  	v2 =	vld [tilespmem:$0x34B0];
	_ =	sdelay $0x4  }
0x174: {  	v1 =	vadd.s32 v1, v2  }
0x175: {  	[tilespmem:s28+$0x1430] =	vst v1;
	v1 =	vld [tilespmem:s28+$0x1440]  }
0x176: {  	v2 =	vld [tilespmem:$0x34C0];
	_ =	sdelay $0x4  }
0x177: {  	v1 =	vadd.s32 v1, v2  }
0x178: {  	[tilespmem:s28+$0x1440] =	vst v1  }
0x179: {  	_ =	swait.ge [sflag:s19], $0xD000  }
0x17a: {  	[sflag:s19] =	ssyncset.done $0x0  }
0x17b: {  	[sflag:s19] =	ssyncadd.s32 $0xFFFF3000  }
0x17c: {  	[tilespmem:s17], [sflag:$0x1] =	stream.indirect.gather [hbm4b:s3+s15], $0x20, s21, s15, $0xb8;
	[tilespmem:$0x1D4D0] =	vst v63  }
0x17d: {  	_ =	swait.ge [sflag:s18], $0xD000  }
0x17e: {  	[sflag:s18] =	ssyncset.done $0x0  }
0x17f: {  	s28 =	simm.s32 $0x0;
	[sflag:s18] =	ssyncadd.s32 $0xFFFF3000  }
0x180: {  	[hbm4b:s7+s28] =	stream.linear.scatter [tilespmem:s16], [sflag:$0x2], $0xD000, $0x38;
	[tilespmem:$0x1D4D0] =	vst v63  }
0x181: {  	s28 =	simm.s32 $0x0  }
0x182: {  	s29 =	simm.s32 $0x340;
	v1 =	vld [tilespmem:s28+$0x1A00]  }
.LBB2_12:
0x183: {  	p0 =	sne.s32 s29, $0x16C0;
	v2 =	vld [tilespmem:$0x3400];
	_ =	sdelay $0x4  }
0x184: {  	v1 =	vadd.s32 v1, v2  }
0x185: {  	[tilespmem:s28+$0x1A00] =	vst v1;
	v1 =	vld [tilespmem:s28+$0x1A10]  }
0x186: {  	v2 =	vld [tilespmem:$0x3410];
	_ =	sdelay $0x4  }
0x187: {  	v1 =	vadd.s32 v1, v2  }
0x188: {  	[tilespmem:s28+$0x1A10] =	vst v1;
	v1 =	vld [tilespmem:s28+$0x1A20]  }
0x189: {  	v2 =	vld [tilespmem:$0x3420];
	_ =	sdelay $0x4  }
0x18a: {  	v1 =	vadd.s32 v1, v2  }
0x18b: {  	[tilespmem:s28+$0x1A20] =	vst v1;
	v1 =	vld [tilespmem:s28+$0x1A30]  }
0x18c: {  	v2 =	vld [tilespmem:$0x3430];
	_ =	sdelay $0x4  }
0x18d: {  	v1 =	vadd.s32 v1, v2  }
0x18e: {  	[tilespmem:s28+$0x1A30] =	vst v1;
	v1 =	vld [tilespmem:s28+$0x1A40]  }
0x18f: {  	v2 =	vld [tilespmem:$0x3440];
	_ =	sdelay $0x4  }
0x190: {  	v1 =	vadd.s32 v1, v2  }
0x191: {  	[tilespmem:s28+$0x1A40] =	vst v1;
	v1 =	vld [tilespmem:s28+$0x1A50]  }
0x192: {  	v2 =	vld [tilespmem:$0x3450];
	_ =	sdelay $0x4  }
0x193: {  	v1 =	vadd.s32 v1, v2  }
0x194: {  	[tilespmem:s28+$0x1A50] =	vst v1;
	v1 =	vld [tilespmem:s28+$0x1A60]  }
0x195: {  	v2 =	vld [tilespmem:$0x3460];
	_ =	sdelay $0x4  }
0x196: {  	v1 =	vadd.s32 v1, v2  }
0x197: {  	[tilespmem:s28+$0x1A60] =	vst v1;
	v1 =	vld [tilespmem:s28+$0x1A70]  }
0x198: {  	v2 =	vld [tilespmem:$0x3470];
	_ =	sdelay $0x4  }
0x199: {  	v1 =	vadd.s32 v1, v2  }
0x19a: {  	[tilespmem:s28+$0x1A70] =	vst v1;
	v1 =	vld [tilespmem:s28+$0x1A80]  }
0x19b: {  	v2 =	vld [tilespmem:$0x3480];
	_ =	sdelay $0x4  }
0x19c: {  	v1 =	vadd.s32 v1, v2  }
0x19d: {  	[tilespmem:s28+$0x1A80] =	vst v1;
	v1 =	vld [tilespmem:s28+$0x1A90]  }
0x19e: {  	v2 =	vld [tilespmem:$0x3490];
	_ =	sdelay $0x4  }
0x19f: {  	v1 =	vadd.s32 v1, v2  }
0x1a0: {  	[tilespmem:s28+$0x1A90] =	vst v1;
	v1 =	vld [tilespmem:s28+$0x1AA0]  }
0x1a1: {  	v2 =	vld [tilespmem:$0x34A0];
	_ =	sdelay $0x4  }
0x1a2: {  	v1 =	vadd.s32 v1, v2  }
0x1a3: {  	[tilespmem:s28+$0x1AA0] =	vst v1;
	v1 =	vld [tilespmem:s28+$0x1AB0]  }
0x1a4: {  	v2 =	vld [tilespmem:$0x34B0];
	_ =	sdelay $0x4  }
0x1a5: {  	v1 =	vadd.s32 v1, v2  }
0x1a6: {  	[tilespmem:s28+$0x1AB0] =	vst v1;
	v1 =	vld [tilespmem:s28+$0x1AC0]  }
0x1a7: {  	v2 =	vld [tilespmem:$0x34C0];
	_ =	sdelay $0x1  }
.Ltmp5:
0x1a8: {  	(pc) =	sbr.rel @p0 .LBB2_12-.Ltmp5, $3  }
0x1a9: {  	_ =	sdelay $0x1  }
0x1aa: {  	s30 =	sshra.s32 s29, $0x2;
	v2 =	vadd.s32 v1, v2  }
0x1ab: {  	s29 =	sadd.s32 $0x340, s29;
	v1 =	vld [tilespmem:s30+$0x1A00];
	[tilespmem:s28+$0x1AC0] =	vst v2;
	s28 =	smov.u32 s30  }
0x1ac: {  	v2 =	vld [tilespmem:$0x3400];
	_ =	sdelay $0x4  }
0x1ad: {  	v1 =	vadd.s32 v1, v2  }
0x1ae: {  	[tilespmem:s28+$0x1A00] =	vst v1;
	v1 =	vld [tilespmem:s28+$0x1A10]  }
0x1af: {  	v2 =	vld [tilespmem:$0x3410];
	_ =	sdelay $0x4  }
0x1b0: {  	v1 =	vadd.s32 v1, v2  }
0x1b1: {  	[tilespmem:s28+$0x1A10] =	vst v1;
	v1 =	vld [tilespmem:s28+$0x1A20]  }
0x1b2: {  	v2 =	vld [tilespmem:$0x3420];
	_ =	sdelay $0x4  }
0x1b3: {  	v1 =	vadd.s32 v1, v2  }
0x1b4: {  	[tilespmem:s28+$0x1A20] =	vst v1;
	v1 =	vld [tilespmem:s28+$0x1A30]  }
0x1b5: {  	v2 =	vld [tilespmem:$0x3430];
	_ =	sdelay $0x4  }
0x1b6: {  	v1 =	vadd.s32 v1, v2  }
0x1b7: {  	[tilespmem:s28+$0x1A30] =	vst v1;
	v1 =	vld [tilespmem:s28+$0x1A40]  }
0x1b8: {  	v2 =	vld [tilespmem:$0x3440];
	_ =	sdelay $0x4  }
0x1b9: {  	v1 =	vadd.s32 v1, v2  }
0x1ba: {  	[tilespmem:s28+$0x1A40] =	vst v1;
	v1 =	vld [tilespmem:s28+$0x1A50]  }
0x1bb: {  	v2 =	vld [tilespmem:$0x3450];
	_ =	sdelay $0x4  }
0x1bc: {  	v1 =	vadd.s32 v1, v2  }
0x1bd: {  	[tilespmem:s28+$0x1A50] =	vst v1;
	v1 =	vld [tilespmem:s28+$0x1A60]  }
0x1be: {  	v2 =	vld [tilespmem:$0x3460];
	_ =	sdelay $0x4  }
0x1bf: {  	v1 =	vadd.s32 v1, v2  }
0x1c0: {  	[tilespmem:s28+$0x1A60] =	vst v1;
	v1 =	vld [tilespmem:s28+$0x1A70]  }
0x1c1: {  	v2 =	vld [tilespmem:$0x3470];
	_ =	sdelay $0x4  }
0x1c2: {  	v1 =	vadd.s32 v1, v2  }
0x1c3: {  	[tilespmem:s28+$0x1A70] =	vst v1;
	v1 =	vld [tilespmem:s28+$0x1A80]  }
0x1c4: {  	v2 =	vld [tilespmem:$0x3480];
	_ =	sdelay $0x4  }
0x1c5: {  	v1 =	vadd.s32 v1, v2  }
0x1c6: {  	[tilespmem:s28+$0x1A80] =	vst v1;
	v1 =	vld [tilespmem:s28+$0x1A90]  }
0x1c7: {  	v2 =	vld [tilespmem:$0x3490];
	_ =	sdelay $0x4  }
0x1c8: {  	v1 =	vadd.s32 v1, v2  }
0x1c9: {  	[tilespmem:s28+$0x1A90] =	vst v1;
	v1 =	vld [tilespmem:s28+$0x1AA0]  }
0x1ca: {  	v2 =	vld [tilespmem:$0x34A0];
	_ =	sdelay $0x4  }
0x1cb: {  	v1 =	vadd.s32 v1, v2  }
0x1cc: {  	[tilespmem:s28+$0x1AA0] =	vst v1;
	v1 =	vld [tilespmem:s28+$0x1AB0]  }
0x1cd: {  	v2 =	vld [tilespmem:$0x34B0];
	_ =	sdelay $0x4  }
0x1ce: {  	v1 =	vadd.s32 v1, v2  }
0x1cf: {  	[tilespmem:s28+$0x1AB0] =	vst v1;
	v1 =	vld [tilespmem:s28+$0x1AC0]  }
0x1d0: {  	v2 =	vld [tilespmem:$0x34C0];
	_ =	sdelay $0x4  }
0x1d1: {  	v1 =	vadd.s32 v1, v2  }
0x1d2: {  	[tilespmem:s28+$0x1AC0] =	vst v1  }
0x1d3: {  	_ =	swait.ge [sflag:s19], $0xD000  }
0x1d4: {  	[sflag:s19] =	ssyncset.done $0x0  }
0x1d5: {  	[sflag:s19] =	ssyncadd.s32 $0xFFFF3000  }
0x1d6: {  	[tilespmem:s16], [sflag:$0x1] =	stream.indirect.gather [hbm4b:s3+s15], $0x20, s22, s15, $0xb8;
	[tilespmem:$0x1D4D0] =	vst v63  }
0x1d7: {  	_ =	swait.ge [sflag:s18], $0xD000  }
0x1d8: {  	[sflag:s18] =	ssyncset.done $0x0  }
0x1d9: {  	s28 =	simm.s32 $0x0;
	[sflag:s18] =	ssyncadd.s32 $0xFFFF3000  }
0x1da: {  	[hbm4b:s8+s28] =	stream.linear.scatter [tilespmem:s17], [sflag:$0x2], $0xD000, $0x38;
	[tilespmem:$0x1D4D0] =	vst v63  }
0x1db: {  	s28 =	simm.s32 $0x0  }
0x1dc: {  	s29 =	simm.s32 $0x340;
	v1 =	vld [tilespmem:s28+$0x2080]  }
.LBB2_14:
0x1dd: {  	p0 =	sne.s32 s29, $0x16C0;
	v2 =	vld [tilespmem:$0x3400];
	_ =	sdelay $0x4  }
0x1de: {  	v1 =	vadd.s32 v1, v2  }
0x1df: {  	[tilespmem:s28+$0x2080] =	vst v1;
	v1 =	vld [tilespmem:s28+$0x2090]  }
0x1e0: {  	v2 =	vld [tilespmem:$0x3410];
	_ =	sdelay $0x4  }
0x1e1: {  	v1 =	vadd.s32 v1, v2  }
0x1e2: {  	[tilespmem:s28+$0x2090] =	vst v1;
	v1 =	vld [tilespmem:s28+$0x20A0]  }
0x1e3: {  	v2 =	vld [tilespmem:$0x3420];
	_ =	sdelay $0x4  }
0x1e4: {  	v1 =	vadd.s32 v1, v2  }
0x1e5: {  	[tilespmem:s28+$0x20A0] =	vst v1;
	v1 =	vld [tilespmem:s28+$0x20B0]  }
0x1e6: {  	v2 =	vld [tilespmem:$0x3430];
	_ =	sdelay $0x4  }
0x1e7: {  	v1 =	vadd.s32 v1, v2  }
0x1e8: {  	[tilespmem:s28+$0x20B0] =	vst v1;
	v1 =	vld [tilespmem:s28+$0x20C0]  }
0x1e9: {  	v2 =	vld [tilespmem:$0x3440];
	_ =	sdelay $0x4  }
0x1ea: {  	v1 =	vadd.s32 v1, v2  }
0x1eb: {  	[tilespmem:s28+$0x20C0] =	vst v1;
	v1 =	vld [tilespmem:s28+$0x20D0]  }
0x1ec: {  	v2 =	vld [tilespmem:$0x3450];
	_ =	sdelay $0x4  }
0x1ed: {  	v1 =	vadd.s32 v1, v2  }
0x1ee: {  	[tilespmem:s28+$0x20D0] =	vst v1;
	v1 =	vld [tilespmem:s28+$0x20E0]  }
0x1ef: {  	v2 =	vld [tilespmem:$0x3460];
	_ =	sdelay $0x4  }
0x1f0: {  	v1 =	vadd.s32 v1, v2  }
0x1f1: {  	[tilespmem:s28+$0x20E0] =	vst v1;
	v1 =	vld [tilespmem:s28+$0x20F0]  }
0x1f2: {  	v2 =	vld [tilespmem:$0x3470];
	_ =	sdelay $0x4  }
0x1f3: {  	v1 =	vadd.s32 v1, v2  }
0x1f4: {  	[tilespmem:s28+$0x20F0] =	vst v1;
	v1 =	vld [tilespmem:s28+$0x2100]  }
0x1f5: {  	v2 =	vld [tilespmem:$0x3480];
	_ =	sdelay $0x4  }
0x1f6: {  	v1 =	vadd.s32 v1, v2  }
0x1f7: {  	[tilespmem:s28+$0x2100] =	vst v1;
	v1 =	vld [tilespmem:s28+$0x2110]  }
0x1f8: {  	v2 =	vld [tilespmem:$0x3490];
	_ =	sdelay $0x4  }
0x1f9: {  	v1 =	vadd.s32 v1, v2  }
0x1fa: {  	[tilespmem:s28+$0x2110] =	vst v1;
	v1 =	vld [tilespmem:s28+$0x2120]  }
0x1fb: {  	v2 =	vld [tilespmem:$0x34A0];
	_ =	sdelay $0x4  }
0x1fc: {  	v1 =	vadd.s32 v1, v2  }
0x1fd: {  	[tilespmem:s28+$0x2120] =	vst v1;
	v1 =	vld [tilespmem:s28+$0x2130]  }
0x1fe: {  	v2 =	vld [tilespmem:$0x34B0];
	_ =	sdelay $0x4  }
0x1ff: {  	v1 =	vadd.s32 v1, v2  }
0x200: {  	[tilespmem:s28+$0x2130] =	vst v1;
	v1 =	vld [tilespmem:s28+$0x2140]  }
0x201: {  	v2 =	vld [tilespmem:$0x34C0];
	_ =	sdelay $0x1  }
.Ltmp6:
0x202: {  	(pc) =	sbr.rel @p0 .LBB2_14-.Ltmp6, $3  }
0x203: {  	_ =	sdelay $0x1  }
0x204: {  	s30 =	sshra.s32 s29, $0x2;
	v2 =	vadd.s32 v1, v2  }
0x205: {  	s29 =	sadd.s32 $0x340, s29;
	v1 =	vld [tilespmem:s30+$0x2080];
	[tilespmem:s28+$0x2140] =	vst v2;
	s28 =	smov.u32 s30  }
0x206: {  	v2 =	vld [tilespmem:$0x3400];
	_ =	sdelay $0x4  }
0x207: {  	v1 =	vadd.s32 v1, v2  }
0x208: {  	[tilespmem:s28+$0x2080] =	vst v1;
	v1 =	vld [tilespmem:s28+$0x2090]  }
0x209: {  	v2 =	vld [tilespmem:$0x3410];
	_ =	sdelay $0x4  }
0x20a: {  	v1 =	vadd.s32 v1, v2  }
0x20b: {  	[tilespmem:s28+$0x2090] =	vst v1;
	v1 =	vld [tilespmem:s28+$0x20A0]  }
0x20c: {  	v2 =	vld [tilespmem:$0x3420];
	_ =	sdelay $0x4  }
0x20d: {  	v1 =	vadd.s32 v1, v2  }
0x20e: {  	[tilespmem:s28+$0x20A0] =	vst v1;
	v1 =	vld [tilespmem:s28+$0x20B0]  }
0x20f: {  	v2 =	vld [tilespmem:$0x3430];
	_ =	sdelay $0x4  }
0x210: {  	v1 =	vadd.s32 v1, v2  }
0x211: {  	[tilespmem:s28+$0x20B0] =	vst v1;
	v1 =	vld [tilespmem:s28+$0x20C0]  }
0x212: {  	v2 =	vld [tilespmem:$0x3440];
	_ =	sdelay $0x4  }
0x213: {  	v1 =	vadd.s32 v1, v2  }
0x214: {  	[tilespmem:s28+$0x20C0] =	vst v1;
	v1 =	vld [tilespmem:s28+$0x20D0]  }
0x215: {  	v2 =	vld [tilespmem:$0x3450];
	_ =	sdelay $0x4  }
0x216: {  	v1 =	vadd.s32 v1, v2  }
0x217: {  	[tilespmem:s28+$0x20D0] =	vst v1;
	v1 =	vld [tilespmem:s28+$0x20E0]  }
0x218: {  	v2 =	vld [tilespmem:$0x3460];
	_ =	sdelay $0x4  }
0x219: {  	v1 =	vadd.s32 v1, v2  }
0x21a: {  	[tilespmem:s28+$0x20E0] =	vst v1;
	v1 =	vld [tilespmem:s28+$0x20F0]  }
0x21b: {  	v2 =	vld [tilespmem:$0x3470];
	_ =	sdelay $0x4  }
0x21c: {  	v1 =	vadd.s32 v1, v2  }
0x21d: {  	[tilespmem:s28+$0x20F0] =	vst v1;
	v1 =	vld [tilespmem:s28+$0x2100]  }
0x21e: {  	v2 =	vld [tilespmem:$0x3480];
	_ =	sdelay $0x4  }
0x21f: {  	v1 =	vadd.s32 v1, v2  }
0x220: {  	[tilespmem:s28+$0x2100] =	vst v1;
	v1 =	vld [tilespmem:s28+$0x2110]  }
0x221: {  	v2 =	vld [tilespmem:$0x3490];
	_ =	sdelay $0x4  }
0x222: {  	v1 =	vadd.s32 v1, v2  }
0x223: {  	[tilespmem:s28+$0x2110] =	vst v1;
	v1 =	vld [tilespmem:s28+$0x2120]  }
0x224: {  	v2 =	vld [tilespmem:$0x34A0];
	_ =	sdelay $0x4  }
0x225: {  	v1 =	vadd.s32 v1, v2  }
0x226: {  	[tilespmem:s28+$0x2120] =	vst v1;
	v1 =	vld [tilespmem:s28+$0x2130]  }
0x227: {  	v2 =	vld [tilespmem:$0x34B0];
	_ =	sdelay $0x4  }
0x228: {  	v1 =	vadd.s32 v1, v2  }
0x229: {  	[tilespmem:s28+$0x2130] =	vst v1;
	v1 =	vld [tilespmem:s28+$0x2140]  }
0x22a: {  	v2 =	vld [tilespmem:$0x34C0];
	_ =	sdelay $0x4  }
0x22b: {  	v1 =	vadd.s32 v1, v2  }
0x22c: {  	[tilespmem:s28+$0x2140] =	vst v1  }
0x22d: {  	_ =	swait.ge [sflag:s19], $0xD000  }
0x22e: {  	[sflag:s19] =	ssyncset.done $0x0  }
0x22f: {  	[sflag:s19] =	ssyncadd.s32 $0xFFFF3000  }
0x230: {  	[tilespmem:s17], [sflag:$0x1] =	stream.indirect.gather [hbm4b:s3+s15], $0x20, s23, s15, $0xb8;
	[tilespmem:$0x1D4D0] =	vst v63  }
0x231: {  	_ =	swait.ge [sflag:s18], $0xD000  }
0x232: {  	[sflag:s18] =	ssyncset.done $0x0  }
0x233: {  	s28 =	simm.s32 $0x0;
	[sflag:s18] =	ssyncadd.s32 $0xFFFF3000  }
0x234: {  	[hbm4b:s9+s28] =	stream.linear.scatter [tilespmem:s16], [sflag:$0x2], $0xD000, $0x38;
	[tilespmem:$0x1D4D0] =	vst v63  }
0x235: {  	s28 =	simm.s32 $0x0  }
0x236: {  	s29 =	simm.s32 $0x340;
	v1 =	vld [tilespmem:s28+$0x2700]  }
.LBB2_16:
0x237: {  	p0 =	sne.s32 s29, $0x16C0;
	v2 =	vld [tilespmem:$0x3400];
	_ =	sdelay $0x4  }
0x238: {  	v1 =	vadd.s32 v1, v2  }
0x239: {  	[tilespmem:s28+$0x2700] =	vst v1;
	v1 =	vld [tilespmem:s28+$0x2710]  }
0x23a: {  	v2 =	vld [tilespmem:$0x3410];
	_ =	sdelay $0x4  }
0x23b: {  	v1 =	vadd.s32 v1, v2  }
0x23c: {  	[tilespmem:s28+$0x2710] =	vst v1;
	v1 =	vld [tilespmem:s28+$0x2720]  }
0x23d: {  	v2 =	vld [tilespmem:$0x3420];
	_ =	sdelay $0x4  }
0x23e: {  	v1 =	vadd.s32 v1, v2  }
0x23f: {  	[tilespmem:s28+$0x2720] =	vst v1;
	v1 =	vld [tilespmem:s28+$0x2730]  }
0x240: {  	v2 =	vld [tilespmem:$0x3430];
	_ =	sdelay $0x4  }
0x241: {  	v1 =	vadd.s32 v1, v2  }
0x242: {  	[tilespmem:s28+$0x2730] =	vst v1;
	v1 =	vld [tilespmem:s28+$0x2740]  }
0x243: {  	v2 =	vld [tilespmem:$0x3440];
	_ =	sdelay $0x4  }
0x244: {  	v1 =	vadd.s32 v1, v2  }
0x245: {  	[tilespmem:s28+$0x2740] =	vst v1;
	v1 =	vld [tilespmem:s28+$0x2750]  }
0x246: {  	v2 =	vld [tilespmem:$0x3450];
	_ =	sdelay $0x4  }
0x247: {  	v1 =	vadd.s32 v1, v2  }
0x248: {  	[tilespmem:s28+$0x2750] =	vst v1;
	v1 =	vld [tilespmem:s28+$0x2760]  }
0x249: {  	v2 =	vld [tilespmem:$0x3460];
	_ =	sdelay $0x4  }
0x24a: {  	v1 =	vadd.s32 v1, v2  }
0x24b: {  	[tilespmem:s28+$0x2760] =	vst v1;
	v1 =	vld [tilespmem:s28+$0x2770]  }
0x24c: {  	v2 =	vld [tilespmem:$0x3470];
	_ =	sdelay $0x4  }
0x24d: {  	v1 =	vadd.s32 v1, v2  }
0x24e: {  	[tilespmem:s28+$0x2770] =	vst v1;
	v1 =	vld [tilespmem:s28+$0x2780]  }
0x24f: {  	v2 =	vld [tilespmem:$0x3480];
	_ =	sdelay $0x4  }
0x250: {  	v1 =	vadd.s32 v1, v2  }
0x251: {  	[tilespmem:s28+$0x2780] =	vst v1;
	v1 =	vld [tilespmem:s28+$0x2790]  }
0x252: {  	v2 =	vld [tilespmem:$0x3490];
	_ =	sdelay $0x4  }
0x253: {  	v1 =	vadd.s32 v1, v2  }
0x254: {  	[tilespmem:s28+$0x2790] =	vst v1;
	v1 =	vld [tilespmem:s28+$0x27A0]  }
0x255: {  	v2 =	vld [tilespmem:$0x34A0];
	_ =	sdelay $0x4  }
0x256: {  	v1 =	vadd.s32 v1, v2  }
0x257: {  	[tilespmem:s28+$0x27A0] =	vst v1;
	v1 =	vld [tilespmem:s28+$0x27B0]  }
0x258: {  	v2 =	vld [tilespmem:$0x34B0];
	_ =	sdelay $0x4  }
0x259: {  	v1 =	vadd.s32 v1, v2  }
0x25a: {  	[tilespmem:s28+$0x27B0] =	vst v1;
	v1 =	vld [tilespmem:s28+$0x27C0]  }
0x25b: {  	v2 =	vld [tilespmem:$0x34C0];
	_ =	sdelay $0x1  }
.Ltmp7:
0x25c: {  	(pc) =	sbr.rel @p0 .LBB2_16-.Ltmp7, $3  }
0x25d: {  	_ =	sdelay $0x1  }
0x25e: {  	s30 =	sshra.s32 s29, $0x2;
	v2 =	vadd.s32 v1, v2  }
0x25f: {  	s29 =	sadd.s32 $0x340, s29;
	v1 =	vld [tilespmem:s30+$0x2700];
	[tilespmem:s28+$0x27C0] =	vst v2;
	s28 =	smov.u32 s30  }
0x260: {  	v2 =	vld [tilespmem:$0x3400];
	_ =	sdelay $0x4  }
0x261: {  	v1 =	vadd.s32 v1, v2  }
0x262: {  	[tilespmem:s28+$0x2700] =	vst v1;
	v1 =	vld [tilespmem:s28+$0x2710]  }
0x263: {  	v2 =	vld [tilespmem:$0x3410];
	_ =	sdelay $0x4  }
0x264: {  	v1 =	vadd.s32 v1, v2  }
0x265: {  	[tilespmem:s28+$0x2710] =	vst v1;
	v1 =	vld [tilespmem:s28+$0x2720]  }
0x266: {  	v2 =	vld [tilespmem:$0x3420];
	_ =	sdelay $0x4  }
0x267: {  	v1 =	vadd.s32 v1, v2  }
0x268: {  	[tilespmem:s28+$0x2720] =	vst v1;
	v1 =	vld [tilespmem:s28+$0x2730]  }
0x269: {  	v2 =	vld [tilespmem:$0x3430];
	_ =	sdelay $0x4  }
0x26a: {  	v1 =	vadd.s32 v1, v2  }
0x26b: {  	[tilespmem:s28+$0x2730] =	vst v1;
	v1 =	vld [tilespmem:s28+$0x2740]  }
0x26c: {  	v2 =	vld [tilespmem:$0x3440];
	_ =	sdelay $0x4  }
0x26d: {  	v1 =	vadd.s32 v1, v2  }
0x26e: {  	[tilespmem:s28+$0x2740] =	vst v1;
	v1 =	vld [tilespmem:s28+$0x2750]  }
0x26f: {  	v2 =	vld [tilespmem:$0x3450];
	_ =	sdelay $0x4  }
0x270: {  	v1 =	vadd.s32 v1, v2  }
0x271: {  	[tilespmem:s28+$0x2750] =	vst v1;
	v1 =	vld [tilespmem:s28+$0x2760]  }
0x272: {  	v2 =	vld [tilespmem:$0x3460];
	_ =	sdelay $0x4  }
0x273: {  	v1 =	vadd.s32 v1, v2  }
0x274: {  	[tilespmem:s28+$0x2760] =	vst v1;
	v1 =	vld [tilespmem:s28+$0x2770]  }
0x275: {  	v2 =	vld [tilespmem:$0x3470];
	_ =	sdelay $0x4  }
0x276: {  	v1 =	vadd.s32 v1, v2  }
0x277: {  	[tilespmem:s28+$0x2770] =	vst v1;
	v1 =	vld [tilespmem:s28+$0x2780]  }
0x278: {  	v2 =	vld [tilespmem:$0x3480];
	_ =	sdelay $0x4  }
0x279: {  	v1 =	vadd.s32 v1, v2  }
0x27a: {  	[tilespmem:s28+$0x2780] =	vst v1;
	v1 =	vld [tilespmem:s28+$0x2790]  }
0x27b: {  	v2 =	vld [tilespmem:$0x3490];
	_ =	sdelay $0x4  }
0x27c: {  	v1 =	vadd.s32 v1, v2  }
0x27d: {  	[tilespmem:s28+$0x2790] =	vst v1;
	v1 =	vld [tilespmem:s28+$0x27A0]  }
0x27e: {  	v2 =	vld [tilespmem:$0x34A0];
	_ =	sdelay $0x4  }
0x27f: {  	v1 =	vadd.s32 v1, v2  }
0x280: {  	[tilespmem:s28+$0x27A0] =	vst v1;
	v1 =	vld [tilespmem:s28+$0x27B0]  }
0x281: {  	v2 =	vld [tilespmem:$0x34B0];
	_ =	sdelay $0x4  }
0x282: {  	v1 =	vadd.s32 v1, v2  }
0x283: {  	[tilespmem:s28+$0x27B0] =	vst v1;
	v1 =	vld [tilespmem:s28+$0x27C0]  }
0x284: {  	v2 =	vld [tilespmem:$0x34C0];
	_ =	sdelay $0x4  }
0x285: {  	v1 =	vadd.s32 v1, v2  }
0x286: {  	[tilespmem:s28+$0x27C0] =	vst v1  }
0x287: {  	_ =	swait.ge [sflag:s19], $0xD000  }
0x288: {  	[sflag:s19] =	ssyncset.done $0x0  }
0x289: {  	[sflag:s19] =	ssyncadd.s32 $0xFFFF3000  }
0x28a: {  	[tilespmem:s16], [sflag:$0x1] =	stream.indirect.gather [hbm4b:s3+s15], $0x20, s24, s15, $0xb8;
	[tilespmem:$0x1D4D0] =	vst v63  }
0x28b: {  	_ =	swait.ge [sflag:s18], $0xD000  }
0x28c: {  	[sflag:s18] =	ssyncset.done $0x0  }
0x28d: {  	s28 =	simm.s32 $0x0;
	[sflag:s18] =	ssyncadd.s32 $0xFFFF3000  }
0x28e: {  	[hbm4b:s10+s28] =	stream.linear.scatter [tilespmem:s17], [sflag:$0x2], $0xD000, $0x38;
	[tilespmem:$0x1D4D0] =	vst v63  }
0x28f: {  	s28 =	simm.s32 $0x0  }
0x290: {  	s29 =	simm.s32 $0x340;
	v1 =	vld [tilespmem:s28+$0x2D80]  }
.LBB2_18:
0x291: {  	p0 =	sne.s32 s29, $0x16C0;
	v2 =	vld [tilespmem:$0x3400];
	_ =	sdelay $0x4  }
0x292: {  	v1 =	vadd.s32 v1, v2  }
0x293: {  	[tilespmem:s28+$0x2D80] =	vst v1;
	v1 =	vld [tilespmem:s28+$0x2D90]  }
0x294: {  	v2 =	vld [tilespmem:$0x3410];
	_ =	sdelay $0x4  }
0x295: {  	v1 =	vadd.s32 v1, v2  }
0x296: {  	[tilespmem:s28+$0x2D90] =	vst v1;
	v1 =	vld [tilespmem:s28+$0x2DA0]  }
0x297: {  	v2 =	vld [tilespmem:$0x3420];
	_ =	sdelay $0x4  }
0x298: {  	v1 =	vadd.s32 v1, v2  }
0x299: {  	[tilespmem:s28+$0x2DA0] =	vst v1;
	v1 =	vld [tilespmem:s28+$0x2DB0]  }
0x29a: {  	v2 =	vld [tilespmem:$0x3430];
	_ =	sdelay $0x4  }
0x29b: {  	v1 =	vadd.s32 v1, v2  }
0x29c: {  	[tilespmem:s28+$0x2DB0] =	vst v1;
	v1 =	vld [tilespmem:s28+$0x2DC0]  }
0x29d: {  	v2 =	vld [tilespmem:$0x3440];
	_ =	sdelay $0x4  }
0x29e: {  	v1 =	vadd.s32 v1, v2  }
0x29f: {  	[tilespmem:s28+$0x2DC0] =	vst v1;
	v1 =	vld [tilespmem:s28+$0x2DD0]  }
0x2a0: {  	v2 =	vld [tilespmem:$0x3450];
	_ =	sdelay $0x4  }
0x2a1: {  	v1 =	vadd.s32 v1, v2  }
0x2a2: {  	[tilespmem:s28+$0x2DD0] =	vst v1;
	v1 =	vld [tilespmem:s28+$0x2DE0]  }
0x2a3: {  	v2 =	vld [tilespmem:$0x3460];
	_ =	sdelay $0x4  }
0x2a4: {  	v1 =	vadd.s32 v1, v2  }
0x2a5: {  	[tilespmem:s28+$0x2DE0] =	vst v1;
	v1 =	vld [tilespmem:s28+$0x2DF0]  }
0x2a6: {  	v2 =	vld [tilespmem:$0x3470];
	_ =	sdelay $0x4  }
0x2a7: {  	v1 =	vadd.s32 v1, v2  }
0x2a8: {  	[tilespmem:s28+$0x2DF0] =	vst v1;
	v1 =	vld [tilespmem:s28+$0x2E00]  }
0x2a9: {  	v2 =	vld [tilespmem:$0x3480];
	_ =	sdelay $0x4  }
0x2aa: {  	v1 =	vadd.s32 v1, v2  }
0x2ab: {  	[tilespmem:s28+$0x2E00] =	vst v1;
	v1 =	vld [tilespmem:s28+$0x2E10]  }
0x2ac: {  	v2 =	vld [tilespmem:$0x3490];
	_ =	sdelay $0x4  }
0x2ad: {  	v1 =	vadd.s32 v1, v2  }
0x2ae: {  	[tilespmem:s28+$0x2E10] =	vst v1;
	v1 =	vld [tilespmem:s28+$0x2E20]  }
0x2af: {  	v2 =	vld [tilespmem:$0x34A0];
	_ =	sdelay $0x4  }
0x2b0: {  	v1 =	vadd.s32 v1, v2  }
0x2b1: {  	[tilespmem:s28+$0x2E20] =	vst v1;
	v1 =	vld [tilespmem:s28+$0x2E30]  }
0x2b2: {  	v2 =	vld [tilespmem:$0x34B0];
	_ =	sdelay $0x4  }
0x2b3: {  	v1 =	vadd.s32 v1, v2  }
0x2b4: {  	[tilespmem:s28+$0x2E30] =	vst v1;
	v1 =	vld [tilespmem:s28+$0x2E40]  }
0x2b5: {  	v2 =	vld [tilespmem:$0x34C0];
	_ =	sdelay $0x1  }
.Ltmp8:
0x2b6: {  	(pc) =	sbr.rel @p0 .LBB2_18-.Ltmp8, $3  }
0x2b7: {  	_ =	sdelay $0x1  }
0x2b8: {  	s30 =	sshra.s32 s29, $0x2;
	v2 =	vadd.s32 v1, v2  }
0x2b9: {  	s29 =	sadd.s32 $0x340, s29;
	v1 =	vld [tilespmem:s30+$0x2D80];
	[tilespmem:s28+$0x2E40] =	vst v2;
	s28 =	smov.u32 s30  }
0x2ba: {  	v2 =	vld [tilespmem:$0x3400];
	_ =	sdelay $0x4  }
0x2bb: {  	v1 =	vadd.s32 v1, v2  }
0x2bc: {  	[tilespmem:s28+$0x2D80] =	vst v1;
	v1 =	vld [tilespmem:s28+$0x2D90]  }
0x2bd: {  	v2 =	vld [tilespmem:$0x3410];
	_ =	sdelay $0x4  }
0x2be: {  	v1 =	vadd.s32 v1, v2  }
0x2bf: {  	[tilespmem:s28+$0x2D90] =	vst v1;
	v1 =	vld [tilespmem:s28+$0x2DA0]  }
0x2c0: {  	v2 =	vld [tilespmem:$0x3420];
	_ =	sdelay $0x4  }
0x2c1: {  	v1 =	vadd.s32 v1, v2  }
0x2c2: {  	[tilespmem:s28+$0x2DA0] =	vst v1;
	v1 =	vld [tilespmem:s28+$0x2DB0]  }
0x2c3: {  	v2 =	vld [tilespmem:$0x3430];
	_ =	sdelay $0x4  }
0x2c4: {  	v1 =	vadd.s32 v1, v2  }
0x2c5: {  	[tilespmem:s28+$0x2DB0] =	vst v1;
	v1 =	vld [tilespmem:s28+$0x2DC0]  }
0x2c6: {  	v2 =	vld [tilespmem:$0x3440];
	_ =	sdelay $0x4  }
0x2c7: {  	v1 =	vadd.s32 v1, v2  }
0x2c8: {  	[tilespmem:s28+$0x2DC0] =	vst v1;
	v1 =	vld [tilespmem:s28+$0x2DD0]  }
0x2c9: {  	v2 =	vld [tilespmem:$0x3450];
	_ =	sdelay $0x4  }
0x2ca: {  	v1 =	vadd.s32 v1, v2  }
0x2cb: {  	[tilespmem:s28+$0x2DD0] =	vst v1;
	v1 =	vld [tilespmem:s28+$0x2DE0]  }
0x2cc: {  	v2 =	vld [tilespmem:$0x3460];
	_ =	sdelay $0x4  }
0x2cd: {  	v1 =	vadd.s32 v1, v2  }
0x2ce: {  	[tilespmem:s28+$0x2DE0] =	vst v1;
	v1 =	vld [tilespmem:s28+$0x2DF0]  }
0x2cf: {  	v2 =	vld [tilespmem:$0x3470];
	_ =	sdelay $0x4  }
0x2d0: {  	v1 =	vadd.s32 v1, v2  }
0x2d1: {  	[tilespmem:s28+$0x2DF0] =	vst v1;
	v1 =	vld [tilespmem:s28+$0x2E00]  }
0x2d2: {  	v2 =	vld [tilespmem:$0x3480];
	_ =	sdelay $0x4  }
0x2d3: {  	v1 =	vadd.s32 v1, v2  }
0x2d4: {  	[tilespmem:s28+$0x2E00] =	vst v1;
	v1 =	vld [tilespmem:s28+$0x2E10]  }
0x2d5: {  	v2 =	vld [tilespmem:$0x3490];
	_ =	sdelay $0x4  }
0x2d6: {  	v1 =	vadd.s32 v1, v2  }
0x2d7: {  	[tilespmem:s28+$0x2E10] =	vst v1;
	v1 =	vld [tilespmem:s28+$0x2E20]  }
0x2d8: {  	v2 =	vld [tilespmem:$0x34A0];
	_ =	sdelay $0x4  }
0x2d9: {  	v1 =	vadd.s32 v1, v2  }
0x2da: {  	[tilespmem:s28+$0x2E20] =	vst v1;
	v1 =	vld [tilespmem:s28+$0x2E30]  }
0x2db: {  	v2 =	vld [tilespmem:$0x34B0];
	_ =	sdelay $0x4  }
0x2dc: {  	v1 =	vadd.s32 v1, v2  }
0x2dd: {  	[tilespmem:s28+$0x2E30] =	vst v1;
	v1 =	vld [tilespmem:s28+$0x2E40]  }
0x2de: {  	v2 =	vld [tilespmem:$0x34C0];
	_ =	sdelay $0x4  }
0x2df: {  	v1 =	vadd.s32 v1, v2  }
0x2e0: {  	[tilespmem:s28+$0x2E40] =	vst v1  }
0x2e1: {  	_ =	swait.ge [sflag:s19], $0xD000  }
0x2e2: {  	[sflag:s19] =	ssyncset.done $0x0  }
0x2e3: {  	[sflag:s19] =	ssyncadd.s32 $0xFFFF3000  }
0x2e4: {  	[tilespmem:s17], [sflag:$0x1] =	stream.indirect.gather [hbm4b:s3+s15], $0x20, s25, s15, $0xb8;
	[tilespmem:$0x1D4D0] =	vst v63  }
0x2e5: {  	_ =	swait.ge [sflag:s18], $0xD000  }
0x2e6: {  	[sflag:s18] =	ssyncset.done $0x0  }
0x2e7: {  	[sflag:s18] =	ssyncadd.s32 $0xFFFF3000  }
0x2e8: {  	[hbm4b:s11+s2] =	stream.linear.scatter [tilespmem:s16], [sflag:$0x2], $0xD000, $0x38;
	[tilespmem:$0x1D4D0] =	vst v63  }
0x2e9: {  	_ =	swait.ge [sflag:s18], $0xD000  }
0x2ea: {  	[sflag:s18] =	ssyncset.done $0x0  }
0x2eb: {  	s26 =	sadd.s32 $0x1, s26;
	[sflag:s18] =	ssyncadd.s32 $0xFFFF3000  }
0x2ec: {  	[hbm4b:s12+s2] =	stream.linear.scatter [tilespmem:s17], [sflag:$0x2], $0xD000, $0x38;
	[tilespmem:$0x1D4D0] =	vst v63  }
0x2ed: {  	p0 =	sne.s32 s26, s13;
	_ =	swait.ge [sflag:s19], $0xD000  }
.Ltmp9:
0x2ee: {  	[sflag:s19] =	ssyncset.done $0x0;
	(pc) =	sbr.rel @p0 .LBB2_1-.Ltmp9, $4  }
0x2ef: {  	[sflag:s19] =	ssyncadd.s32 $0xFFFF3000  }
0x2f0: {  	_ =	swait.ge [sflag:s19], $0xD000  }
0x2f1: {  	[sflag:s19] =	ssyncset.done $0x0  }
0x2f2: {  	[sflag:s19] =	ssyncadd.s32 $0xFFFF3000  }
0x2f3: {  	_ =	sfence.sel $0x180000  }
0x2f4: {  	[bflag:$0x0] =	sbarrier.arrive $0xFFFF  }
0x2f5: {  	p0 =	sne.s32 s0, $0x0;
	_ =	strace $0x90000047  }
0x2f6: {  	s0 =	sadd.s32 @!p0 $0x100000, s1;
	[bflag:$0x2] =	sbarrier.arrive $0xFFFF  }
0x2f7: {  	[sflag:s0] =	ssyncadd.tile.s32 @!p0 $0x1;
	_ =	shalt  }
.Lfunc_end2:
_tile_overlayer_lowered:
.L_overlay_start_2:
0x2f8: {  	(tag) =	ssettag $0x2  }
0x2f9: {  	s0 =	rddreg [dreg:$0x0];
	s2 =	stileid.u32  }
0x2fa: {  	s1 =	rddreg [dreg:$0x1];
	p0 =	sne.s32 s2, $0x0  }
0x2fb: {  	s3 =	rddreg [dreg:$0x2];
	[bflag:$0x3] =	sbarrier.arrive $0xFFFF;
	s2 =	simm.s32 @!p0 $0x1C03  }
0x2fc: {  	[timem:s3], [sflag:s2] =	dma.local @!p0 [hbm:s0], s1  }
0x2fd: {  	s0 =	simm.s32 @!p0 $0x3  }
0x2fe: {  	_ =	swait.ge @!p0 [sflag:s0], s1  }
0x2ff: {  	s1 =	ssub.s32 @!p0 $0x0, s1;
	[sflag:s0] =	ssyncset.done @!p0 $0x0  }
0x300: {  	[sflag:s0] =	ssyncadd.s32 @!p0 s1  }
0x301: {  	[bflag:$0x3] =	sbarrier.arrive $0xFFFF  }
0x302: {  	_ =	shalt  }

// kernel: sparse-core-data-format-call.cloned.1.call-start
scs
called_computation_lowered:
.L_overlay_start_0:
0x0: {  	s2 =	sld [smem:$0x3FD9]  }
0x1: {  	s3 =	sld [smem:$0x3FFE];
	_ =	sdelay $0x1  }
0x2: {  	s1 =	srdreg.scid  }
0x3: {  	s0 =	sand.u32 $0x1, s1  }
0x4: {  	s18 =	sshll.u32 s0, $0xA;
	s2 =	sadd.s32 s3, s2  }
0x5: {  	s2 =	sadd.s32 s2, s18  }
0x6: {  	[smem:$0x3FC6] =	sst s2  }
0x7: {  	_ = 	snop  }
0x8: {  	s2 =	sld [smem:$0x3FD0];
	(tm) =	ssettm $0x1  }
0x9: {  	s19 =	sld [smem:$0x3FFB];
	_ =	sdelay $0x3  }
0xa: {  	_ =	strace s19  }
0xb: {  	s3 =	sld [smem:$0x3FFC];
	_ =	sdelay $0x3  }
0xc: {  	_ =	strace s3  }
0xd: {  	s3 =	sld [smem:$0x3FFD];
	_ =	sdelay $0x3  }
0xe: {  	_ =	strace s3  }
0xf: {  	_ =	strace $0x8FFFFFFF  }
0x10: {  	s20 =	sld [smem:$0x3FDB];
	_ =	sdelay $0x1  }
0x11: {  	s4 =	simm.s32 $_scs_section_size  }
0x12: {  	s5 =	simm.s32 $_size__tile_overlayer_lowered;
	s6 =	simm.s32 $_tile_overlayer_lowered  }
0x13: {  	s23 =	simm.s32 $0x1BFF;
	s22 =	sshll.u32 s6, $0x1;
	s3 =	sadd.s32 s4, s20  }
0x14: {  	s7 =	simm.s32 $0x0;
	s21 =	sshll.u32 s5, $0x1;
	s5 =	sadd.s32 s22, s3  }
0x15: {  	[timem:s7], [sflag:s23] =	dma.local [hbm:s5], s21  }
0x16: {  	_ =	swait.ge [sflag:s23], s21  }
0x17: {  	s4 =	ssub.s32 $0x0, s21;
	[sflag:s23] =	ssyncset.done $0x0  }
0x18: {  	[sflag:s23] =	ssyncadd.s32 s4;
	_ =	sdelay $0x1  }
0x19: {  	s24 =	simm.s32 $0x1B8B  }
0x1a: {  	_ =	swait.ge [sflag:s24], $0x1  }
0x1b: {  	[sflag:s24] =	ssyncset.done $0x0  }
0x1c: {  	s26 =	simm.s32 $0x1B8E;
	s25 =	sld [smem:$0x3FFE];
	[sflag:s24] =	ssyncadd.s32 $0xFFFFFFFF  }
0x1d: {  	s27 =	simm.s32 $execute0_lowered;
	[smem:$0x3FD2] =	sst s26  }
0x1e: {  	s5 =	sshll.u32 s27, $0x1;
	_ =	strace $0x80000049;
	[dreg:$0x1] =	wrdreg $0xFFFFFFFF  }
0x1f: {  	s28 =	simm.s32 $_size_execute0_lowered;
	s3 =	sadd.s32 s3, s5;
	[dreg:$0x0] =	wrdreg $0x0  }
0x20: {  	s5 =	sshll.u32 s28, $0x1;
	[dreg:$0x2] =	wrdreg s3  }
0x21: {  	[dreg:$0x3] =	wrdreg s5  }
0x22: {  	[dreg:$0x4] =	wrdreg $0xC0  }
0x23: {  	_ =	task [dreg:s7], $0x5FFFF  }
0x24: {  	[dreg:$0x1] =	wrdreg $0xFFFFFFFF  }
0x25: {  	[dreg:$0x0] =	wrdreg $0x60  }
0x26: {  	[dreg:$0x2] =	wrdreg s25  }
0x27: {  	[dreg:$0x3] =	wrdreg s2  }
0x28: {  	[dreg:$0x4] =	wrdreg $0x9  }
0x29: {  	_ =	task.clear_ibuf [dreg:s7], $0x5FFFF;
	_ =	strace $0x90000049  }
0x2a: {  	s29 =	simm.s32 $0x9;
	_ =	strace $0x8000004B  }
0x2b: {  	_ =	swait.ge [sflag:s29], $0x1  }
0x2c: {  	[sflag:s29] =	ssyncadd.s32 $0xFFFFFFFF  }
0x2d: {  	_ =	strace $0x9000004B  }
0x2e: {  	_ =	sfence  }
0x2f: {  	s30 =	sld [smem:$0x0];
	_ =	sdelay $0x2  }
0x30: {  	s31 =	sshll.u32 s1, $0xD;
	s1 =	sshrl.u32 s1, $0x2  }
0x31: {  	s3 =	sand.u32 $0x4000, s31;
	s1 =	sadd.s32 s1, s30  }
0x32: {  	s0 =	sor.u32 s3, s0;
	s1 =	sshll.u32 s1, $0x11  }
0x33: {  	s0 =	sor.u32 s1, s0  }
0x34: {  	s0 =	sadd.s32 $0x8F2B, s0  }
0x35: {  	[sflag:s0] =	ssyncadd.remote.s32 $0x1  }
0x36: {  	_ =	sfence.sel $0xFFFF  }
0x37: {  	[dreg:$0x0] =	wrdreg $0xFFFFFFFF;
	(pc) =	sbr.abs _section_cstart, $3  }
0x38: {  	[dreg:$0x1] =	wrdreg $0xFFFFFFFF  }
0x39: {  	_ =	task.clear_ibuf [dreg:s7], $0x2FFFF;
	_ =	strace $0x9FFFFFFF  }
0x3a: {  	(tm) =	ssettm $0x7FFFFFFF  }
0x3b: {  	_ =	shalt  }
tec
execute0_lowered:
.L_overlay_start_1:
0x0: {  	(tag) =	ssettag $0x1  }
0x1: {  	s0 =	srdreg.scid  }
0x2: {  	s1 =	sshll.u32 s0, $0x4  }
0x3: {  	s6 =	rddreg [dreg:$0x0];
	s0 =	stileid.u32;
	s1 =	sand.u32 $0x10, s1  }
0x4: {  	s3 =	rddreg [dreg:$0x1];
	s1 =	sor.u32 s0, s1  }
0x5: {  	s5 =	simm.s32 $0x1;
	s31 =	simm.s32 $0x2;
	s2 =	sshll.u32 s1, $0x7  }
0x6: {  	s15 =	simm.s32 $0x0;
	s8 =	simm.s32 $0x20000;
	s4 =	ssub.s32 $0x4000, s2  }
0x7: {  	s14 =	simm.s32 $0x0;
	s9 =	simm.s32 $0x0;
	s30 =	sand.u32 $0xF80, s4  }
0x8: {  	s10 =	simm.s32 $0x0;
	s11 =	simm.s32 $0x0;
	p0 =	sne.s32 s30, $0x0  }
.Ltmp0:
0x9: {  	s7 =	sshrl.u32 s4, $0xC;
	s5 =	simm.s32 @!p0 $0x0;
	(pc) =	sbr.rel .LBB1_1-.Ltmp0, $4  }
0xa: {  	s13 =	simm.s32 $0x0;
	s1 =	rddreg [dreg:$0x2];
	s5 =	sadd.s32 s5, s7  }
0xb: {  	_ =	strace $0x8000004A;
	s4 =	simm.s32 $0x1;
	s5 =	smul.u32 $0x7, s5  }
0xc: {  	s6 =	sadd.s32 $0xA00, s6;
	s12 =	smov.u32 s2;
	[sflag:s4] =	ssyncpa.u1 $0x0  }
0xd: {  	[sflag:s31] =	ssyncpa.u1 $0x0;
	p0 =	por $0x0, $0x0;
	s7 =	sadd.s32 $0x1, s5  }
.LBB1_4:
0xe: {  	s20 =	sshra.s32 s20, $0x2  }
0xf: {  	s28 =	sand.u32 $0x78, s10;
	s21 =	sshll.u32 s9, $0xE;
	s22 =	sshll.u32 s10, $0x3  }
0x10: {  	s24 =	sshll.u32 s9, $0x7;
	p1 =	sgt.s32 s9, $0x2C0;
	s30 =	sshra.s32 s9, $0x1F  }
0x11: {  	s26 =	sshra.s32 s10, $0x1F;
	s19 =	sadd.s32 s20, s19;
	s21 =	sand.u32 $0xFFFE0000, s21  }
0x12: {  	v5 =	vld [tilespmem:s17+$0xFFFFFFD0];
	[tilespmem:s18+$0x2040 ss:$0x81] =	vst.msk $0xffff, v4;
	s23 =	sand.u32 $0xFFFFFC00, s22;
	s29 =	sand.u32 $0x380, s24;
	s22 =	sand.u32 $0x3C00, s22  }
0x13: {  	v58 =	vld [tilespmem:s17+$0xFFFFFFE0];
	[tilespmem:s18+$0x2850 ss:$0x81] =	vst.msk $0xffff, v3;
	s21 =	sadd.s32 s23, s21;
	s20 =	sor.u32 s28, s22;
	s22 =	smov.u32 s9  }
0x14: {  	v59 =	vld [tilespmem:s17+$0xFFFFFFF0];
	[tilespmem:s18+$0x3060 ss:$0x81] =	vst.msk $0xffff, v2;
	s24 =	sand.u32 s30, s9;
	s21 =	sshrl.u32 s21, $0xE;
	s22 =	simm.s32 @!p1 $0x2C0  }
0x15: {  	v60 =	vld [tilespmem:s17+$0x0];
	[tilespmem:s18+$0x0 ss:$0x81] =	vst.msk $0xffff, v1;
	p1 =	sgt.s32 s10, $0x3F80;
	s31 =	ssub.s32 s22, s24;
	s22 =	smov.u32 s10  }
0x16: {  	v61 =	vld [tilespmem:s17+$0x10];
	[tilespmem:s19+$0x3870 ss:$0x81] =	vst.msk $0xffff, v0;
	s25 =	smulhi.u32 $0x4EC4ED, s21;
	s24 =	sand.u32 s26, s10;
	s22 =	simm.s32 @!p1 $0x3F80  }
0x17: {  	v62 =	vld [tilespmem:s17+$0x20];
	s20 =	sor.u32 s29, s20;
	[tilespmem:s19+$0x810 ss:$0x81] =	vst.msk $0xffff, v5;
	s27 =	sadd.s32 $0xFFFFFD40, s31;
	s22 =	ssub.s32 s22, s24  }
0x18: {  	v63 =	vld [tilespmem:s17+$0xFFFFFFC0];
	[tilespmem:s19+$0x1020 ss:$0x81] =	vst.msk $0xffff, v58;
	s18 =	ssub.s32 $0x340, s31;
	s28 =	smul.u32 $0x340, s25;
	s29 =	sadd.s32 $0xFFFFC080, s22  }
0x19: {  	[tilespmem:s19+$0x1830 ss:$0x81] =	vst.msk $0xffff, v59;
	p1 =	sgt.s32 s27, $0x7F;
	s22 =	ssub.s32 $0x4000, s22;
	p2 =	sgt.s32 s29, $0x7F  }
0x1a: {  	s30 =	sand.u32 $0x7, s10;
	[tilespmem:s19+$0x2040 ss:$0x81] =	vst.msk $0xffff, v60;
	s18 =	simm.s32 @p1 $0x0;
	s22 =	simm.s32 @p2 $0x0  }
0x1b: {  	s20 =	sshrl.u32 s20, $0x3;
	[tilespmem:s19+$0x2850 ss:$0x81] =	vst.msk $0xffff, v61;
	s17 =	ssub.s32 s21, s28;
	s18 =	smul.u32 s22, s18  }
0x1c: {  	[tilespmem:s19+$0x3060 ss:$0x81] =	vst.msk $0xffff, v62;
	s20 =	sadd.s32 s3, s20;
	s21 =	sshll.u32 s30, $0x12;
	s17 =	sshll.u32 s17, $0xB  }
0x1d: {  	[tilespmem:s19+$0x0 ss:$0x81] =	vst.msk $0xffff, v63;
	s31 =	sor.u32 $0x400, s21;
	s17 =	sadd.s32 s17, s20;
	s18 =	sand.u32 $0x3FFFFFFF, s18  }
0x1e: {  	[hbm4b:s17+s31] =	stream.strided.scatter [tilespmem:s16], [sflag:$0x2], s18, s8, s31, $0x20;
	[tilespmem:$0x10100] =	vst v63  }
.LBB1_5:
0x1f: {  	p1 =	slt.u32 s13, $0x2  }
0x20: {  	s17 =	smov.u32 s15;
	p2 =	sgt.s32 @!p1 s15, $0x2C0;
	s16 =	sshra.s32 @!p1 s15, $0x1F  }
0x21: {  	p3 =	sgt.s32 @!p1 s14, $0x3F80;
	s18 =	sshra.s32 @!p1 s14, $0x1F;
	p2 =	por !p2, p1  }
0x22: {  	s15 =	sand.u32 @!p1 s16, s15;
	p3 =	por !p3, p1;
	s16 =	smov.u32 s14  }
0x23: {  	s14 =	sand.u32 @!p1 s18, s14;
	s17 =	simm.s32 @p2 $0x2C0;
	s16 =	simm.s32 @p3 $0x3F80  }
0x24: {  	s15 =	ssub.s32 @!p1 s17, s15;
	s14 =	ssub.s32 @!p1 s16, s14  }
0x25: {  	s18 =	smov.u32 s12;
	s16 =	sadd.s32 @!p1 $0xFFFFFD40, s15;
	s17 =	sadd.s32 @!p1 $0xFFFFC080, s14  }
0x26: {  	s15 =	ssub.s32 @!p1 $0x340, s15;
	p2 =	sgt.s32 @!p1 s16, $0x7F;
	p3 =	sgt.s32 @!p1 s17, $0x7F  }
0x27: {  	s14 =	ssub.s32 @!p1 $0x4000, s14;
	p2 =	por !p2, p1;
	p3 =	por !p3, p1  }
0x28: {  	s16 =	sadd.s32 $0x80, s11;
	s15 =	simm.s32 @!p2 $0x0;
	s14 =	simm.s32 @!p3 $0x0  }
0x29: {  	p2 =	sgt.s32 s16, $0x33F;
	s14 =	smul.u32 @!p1 s14, s15;
	s15 =	sadd.s32 $0x1000, s12  }
0x2a: {  	s18 =	smov.u32 @p2 s15  }
0x2b: {  	s16 =	simm.s32 @p2 $0x0;
	p2 =	sgt.s32 s18, $0x3FFF  }
0x2c: {  	s18 =	smov.u32 @p2 s2;
	p2 =	sne.s32 s13, s7  }
.Ltmp1:
0x2d: {  	p0 =	por !p0, !p0;
	s17 =	simm.s32 @!p1 $0x2;
	(pc) =	sbr.rel @!p2 .LBB1_6-.Ltmp1, $4  }
0x2e: {  	s15 =	smov.u32 s9;
	s9 =	smov.u32 s11;
	s14 =	sand.u32 @!p1 $0x3FFFFFFF, s14  }
0x2f: {  	s11 =	smov.u32 s16;
	_ =	swait.ge @!p1 [sflag:s17], s14;
	s19 =	ssub.s32 @!p1 $0x0, s14  }
0x30: {  	s14 =	smov.u32 s10;
	s13 =	sadd.s32 $0x1, s13;
	[sflag:s17] =	ssyncset.done @!p1 $0x0  }
0x31: {  	s10 =	smov.u32 s12;
	s12 =	smov.u32 s18;
	[sflag:s17] =	ssyncadd.s32 @!p1 s19  }
.LBB1_1:
0x32: {  	p1 =	sge.u32 s13, s5  }
0x33: {  	s16 =	sshrl.u32 @!p1 s12, $0x3  }
0x34: {  	s17 =	sshll.u32 @!p1 s11, $0x3;
	s16 =	smul.u32 @!p1 $0x1C00, s16  }
0x35: {  	s18 =	sshll.u32 @!p1 s12, $0x7;
	s17 =	sand.u32 @!p1 $0xFFFFFC00, s17  }
0x36: {  	s16 =	sadd.s32 @!p1 s16, s17;
	s17 =	sand.u32 @!p1 $0x380, s18  }
0x37: {  	s16 =	sor.u32 @!p1 s17, s16  }
0x38: {  	s17 =	sshrl.u32 @!p1 s16, $0x7  }
0x39: {  	s17 =	smulhi.u32 @!p1 $0x24924925, s17;
	_ =	sdelay $0x1  }
0x3a: {  	s18 =	sand.u32 @!p1 $0x7F, s11;
	s19 =	smul.u32 @!p1 $0x380, s17  }
0x3b: {  	s31 =	sadd.s32 $0xFFFFFFFF, s13;
	s16 =	sor.u32 @!p1 s18, s16;
	s18 =	sxor.u32 @!p1 $0xFFFFFFFF, s13  }
0x3c: {  	s18 =	sshll.u32 @!p1 s18, $0xE;
	s17 =	sand.u32 @!p1 $0x3FFF, s17;
	s16 =	ssub.s32 @!p1 s16, s19  }
0x3d: {  	s17 =	smul.u32 @!p1 $0x70, s17;
	s19 =	sshrl.u32 @!p1 s16, $0x3;
	s16 =	sand.u32 @!p1 $0x7, s16  }
0x3e: {  	s18 =	sand.u32 @!p1 $0x4000, s18;
	s19 =	sadd.s32 @!p1 s6, s19;
	s16 =	sshll.u32 @!p1 s16, $0x12  }
0x3f: {  	s17 =	sadd.s32 @!p1 s17, s19;
	s16 =	sor.u32 @!p1 $0x400, s16;
	s19 =	simm.s32 @!p1 $0x1C00  }
0x40: {  	[tilespmem:s18], [sflag:$0x1] =	stream.strided.gather @!p1 [hbm4b:s17+s16], $0x4000, s19, s16, $0x38;
	[tilespmem:$0x10100] =	vst v63  }
0x41: {  	p1 =	sge.u32 s31, s5  }
.Ltmp2:
0x42: {  	_ = 	snop;
	(pc) =	sbr.rel @p1 .LBB1_5-.Ltmp2, $1  }
0x43: {  	_ =	sdelay $0x3  }
0x44: {  	s16 =	simm.s32 $0x1  }
0x45: {  	_ =	swait.ge [sflag:s4], $0x4000;
	s16 =	simm.s32 @!p0 $0x0  }
0x46: {  	[sflag:s4] =	ssyncset.done $0x0;
	s17 =	sshll.u32 s16, $0xE  }
0x47: {  	[sflag:s4] =	ssyncadd.s32 $0xFFFFC000;
	s17 =	sor.u32 $0x40, s17  }
0x48: {  	s16 =	smul.u32 $0x10200, s16;
	v0 =	vld [tilespmem:s17+$0x30]  }
0x49: {  	v1 =	vld [tilespmem:s17+$0xFFFFFFD0]  }
0x4a: {  	s16 =	sshrl.u32 s16, $0x2;
	v5 =	vld [tilespmem:s17+$0xFFFFFFE0]  }
0x4b: {  	v6 =	vld [tilespmem:s17+$0xFFFFFFF0];
	s19 =	sor.u32 $0x8000, s16  }
0x4c: {  	s31 =	sand.u32 $0x1, s13;
	v4 =	vld [tilespmem:s17+$0x0];
	s18 =	sadd.s32 $0x0, s19  }
0x4d: {  	v3 =	vld [tilespmem:s17+$0x10];
	s16 =	smul.u32 $0x10200, s31;
	[tilespmem:s18+$0x3870 ss:$0x81] =	vst.msk $0xffff, v0  }
0x4e: {  	v2 =	vld [tilespmem:s17+$0x20];
	[tilespmem:s18+$0x810 ss:$0x81] =	vst.msk $0xffff, v1  }
0x4f: {  	s16 =	sshrl.u32 s16, $0x2;
	v1 =	vld [tilespmem:s17+$0xFFFFFFC0];
	[tilespmem:s18+$0x1020 ss:$0x81] =	vst.msk $0xffff, v5;
	s17 =	sadd.s32 $0x80, s17  }
0x50: {  	s20 =	simm.s32 $0x4;
	s21 =	simm.s32 $0x8;
	s16 =	sor.u32 $0x8000, s16;
	[tilespmem:s18+$0x1830 ss:$0x81] =	vst.msk $0xffff, v6;
	v0 =	vld [tilespmem:s17+$0x30]  }
.LBB1_3:
0x51: {  	p1 =	sne.s32 s21, $0x1FC;
	v5 =	vld [tilespmem:s17+$0xFFFFFFD0];
	[tilespmem:s18+$0x2040 ss:$0x81] =	vst.msk $0xffff, v4  }
0x52: {  	v6 =	vld [tilespmem:s17+$0xFFFFFFE0];
	[tilespmem:s18+$0x2850 ss:$0x81] =	vst.msk $0xffff, v3  }
0x53: {  	s22 =	sshra.s32 s20, $0x2;
	s20 =	smov.u32 s21;
	v7 =	vld [tilespmem:s17+$0xFFFFFFF0];
	[tilespmem:s18+$0x3060 ss:$0x81] =	vst.msk $0xffff, v2  }
.Ltmp3:
0x54: {  	v4 =	vld [tilespmem:s17+$0x0];
	[tilespmem:s18+$0x0 ss:$0x81] =	vst.msk $0xffff, v1;
	s18 =	sadd.s32 s22, s19;
	(pc) =	sbr.rel @p1 .LBB1_3-.Ltmp3, $4  }
0x55: {  	v3 =	vld [tilespmem:s17+$0x10];
	[tilespmem:s18+$0x3870 ss:$0x81] =	vst.msk $0xffff, v0  }
0x56: {  	[tilespmem:s18+$0x810 ss:$0x81] =	vst.msk $0xffff, v5;
	v2 =	vld [tilespmem:s17+$0x20]  }
0x57: {  	v1 =	vld [tilespmem:s17+$0xFFFFFFC0];
	[tilespmem:s18+$0x1020 ss:$0x81] =	vst.msk $0xffff, v6;
	s17 =	sadd.s32 $0x80, s17  }
0x58: {  	s21 =	sadd.s32 $0x4, s21;
	v0 =	vld [tilespmem:s17+$0x30];
	[tilespmem:s18+$0x1830 ss:$0x81] =	vst.msk $0xffff, v7  }
.Ltmp4:
0x59: {  	_ = 	snop;
	(pc) =	sbr.rel .LBB1_4-.Ltmp4, $1  }
0x5a: {  	_ =	sdelay $0x3  }
.LBB1_6:
0x5b: {  	_ =	sfence.sel $0x180000  }
0x5c: {  	s2 =	simm.s32 $0x1;
	[bflag:$0x0] =	sbarrier.arrive $0xFFFF  }
0x5d: {  	s31 =	simm.s32 $0x2;
	[sflag:s2] =	ssyncpa.u1 $0x1  }
0x5e: {  	[sflag:s31] =	ssyncpa.u1 $0x1  }
0x5f: {  	p0 =	sne.s32 s0, $0x0;
	_ =	strace $0x9000004A  }
0x60: {  	s0 =	sadd.s32 @!p0 $0x100000, s1;
	[bflag:$0x2] =	sbarrier.arrive $0xFFFF  }
0x61: {  	[sflag:s0] =	ssyncadd.tile.s32 @!p0 $0x1;
	_ =	shalt  }
.Lfunc_end1:
_tile_overlayer_lowered:
.L_overlay_start_2:
0x62: {  	(tag) =	ssettag $0x2  }
0x63: {  	s0 =	rddreg [dreg:$0x0];
	s2 =	stileid.u32  }
0x64: {  	s1 =	rddreg [dreg:$0x1];
	p0 =	sne.s32 s2, $0x0  }
0x65: {  	s3 =	rddreg [dreg:$0x2];
	[bflag:$0x3] =	sbarrier.arrive $0xFFFF;
	s2 =	simm.s32 @!p0 $0x1C01  }
0x66: {  	[timem:s3], [sflag:s2] =	dma.local @!p0 [hbm:s0], s1  }
0x67: {  	s0 =	simm.s32 @!p0 $0x1  }
0x68: {  	_ =	swait.ge @!p0 [sflag:s0], s1  }
0x69: {  	s1 =	ssub.s32 @!p0 $0x0, s1;
	[sflag:s0] =	ssyncset.done @!p0 $0x0  }
0x6a: {  	[sflag:s0] =	ssyncadd.s32 @!p0 s1  }
0x6b: {  	[bflag:$0x3] =	sbarrier.arrive $0xFFFF  }
0x6c: {  	_ =	shalt  }

</sc_bundles>
